<compile_context>
chip_gen: v7x
topology: tpu7x:2x2x1
jax: 0.10.2.dev20260603
libtpu: 0.0.44.dev20260713+nightly
codegen_flags: <defaults>
</compile_context>

<pallas_src>
import functools

import jax
import jax.numpy as jnp
from jax import lax
from jax.experimental import pallas as pl
from jax.experimental.pallas import tpu as pltpu
from jax.experimental.pallas import tpu_sc as plsc

S = 7
NCELL = S * S
D = 30
ROW = NCELL * D
BATCH = 64
NPAD = 64
DET_PAD = 320
CONF_THRES = 0.5
NMS_THRES = 0.7
GRID = 64.0
WIMG = 448.0
NEG_INF = float("-inf")

_mesh = plsc.VectorSubcoreMesh(core_axis_name="c", subcore_axis_name="s")


@functools.partial(
    pl.kernel,
    out_type=(
        jax.ShapeDtypeStruct((BATCH, DET_PAD), jnp.float32),
        jax.ShapeDtypeStruct((BATCH, 2 * NPAD), jnp.int32),
    ),
    mesh=_mesh,
    compiler_params=pltpu.CompilerParams(needs_layout_passes=False),
    scratch_types=[
        pltpu.VMEM((2, ROW), jnp.float32),
        pltpu.VMEM((128,), jnp.float32),
        pltpu.VMEM((128,), jnp.float32),
        pltpu.VMEM((128,), jnp.float32),
        pltpu.VMEM((128,), jnp.float32),
        pltpu.VMEM((128,), jnp.float32),
        pltpu.VMEM((128,), jnp.float32),
        pltpu.VMEM((128,), jnp.float32),
        pltpu.VMEM((128,), jnp.float32),
        pltpu.VMEM((128,), jnp.float32),
        pltpu.VMEM((128,), jnp.float32),
        pltpu.VMEM((128,), jnp.float32),
        pltpu.VMEM((128,), jnp.float32),
        pltpu.VMEM((2, 2 * NPAD), jnp.int32),
        pltpu.VMEM((2, DET_PAD), jnp.float32),
        pltpu.SemaphoreType.DMA,
        pltpu.SemaphoreType.DMA,
        pltpu.SemaphoreType.DMA,
    ],
)
def _yolo_sc(outp_hbm, det_hbm, misc_hbm,
             buf, x1u, y1u, x2u, y2u, cfa, cpa, sma,
             x1o, y1o, x2o, y2o, ara, misc, db,
             sem_in, sem_d, sem_m):
    wid = lax.axis_index("s") * 2 + lax.axis_index("c")
    img_a = wid * 2
    lane = jnp.arange(16, dtype=jnp.int32)
    zeros16 = jnp.zeros((16,), jnp.int32)

    pltpu.async_copy(outp_hbm.at[pl.ds(img_a, 2)], buf, sem_in).wait()

    def decode_body(i, _):
        k = i // 4
        cb = (i % 4) * 16
        g = lane + cb
        gc = jnp.minimum(g, NCELL - 1)
        m49 = g < NCELL
        kf = jnp.full((16,), k, jnp.int32)
        base = gc * D

        def ld(f):
            return plsc.load_gather(buf, [kf, base + f])

        conf0 = ld(4)
        conf1 = ld(9)
        use1 = conf1 > conf0
        conf = jnp.maximum(conf0, conf1)
        boff = base + jnp.where(use1, 5, 0)
        bx = plsc.load_gather(buf, [kf, boff])
        by = plsc.load_gather(buf, [kf, boff + 1])
        bw = plsc.load_gather(buf, [kf, boff + 2])
        bh = plsc.load_gather(buf, [kf, boff + 3])
        colf = (gc % S).astype(jnp.float32)
        rowf = (gc // S).astype(jnp.float32)
        cx = (bx + colf) * GRID
        cy = (by + rowf) * GRID
        w = bw * WIMG
        h = bh * WIMG
        x1 = cx - w * 0.5
        y1 = cy - h * 0.5
        x2 = cx + w * 0.5
        y2 = cy + h * 0.5
        best = ld(10)
        bidx = zeros16
        for kk in range(1, 20):
            v = ld(10 + kk)
            bidx = jnp.where(v > best, kk, bidx)
            best = jnp.maximum(best, v)
        valid = (conf > CONF_THRES) & m49
        offv = bidx.astype(jnp.float32) * (2.0 * WIMG + 1.0)
        xo1 = x1 + offv
        xo2 = x2 + offv
        yo1 = y1 + offv
        yo2 = y2 + offv
        area = jnp.maximum(xo2 - xo1, 0.0) * jnp.maximum(yo2 - yo1, 0.0)
        sl = pl.ds(i * 16, 16)
        x1u[sl] = x1
        y1u[sl] = y1
        x2u[sl] = x2
        y2u[sl] = y2
        cfa[sl] = conf
        cpa[sl] = best
        sma[sl] = jnp.where(valid, conf, NEG_INF)
        x1o[sl] = xo1
        y1o[sl] = yo1
        x2o[sl] = xo2
        y2o[sl] = yo2
        ara[sl] = area
        cb16 = (i % 4) * 16
        misc[k, pl.ds(cb16, 16)] = bidx
        return 0

    lax.fori_loop(0, 8, decode_body, 0)

    st0 = tuple(sma[pl.ds(i * 16, 16)] for i in range(8))
    kp0 = tuple(zeros16 for _ in range(8))

    def nms_body(carry):
        out_st, out_kp = [], []
        pickeds = []
        for k in range(2):
            koff = k * 64
            st = carry[0][k * 4:k * 4 + 4]
            kp = carry[1][k * 4:k * 4 + 4]
            s0, s1, s2, s3 = st
            mx = jnp.max(jnp.maximum(jnp.maximum(s0, s1), jnp.maximum(s2, s3)))
            cands = [
                plsc.all_reduce_ffs(s_c == mx) + c * 16
                for c, s_c in enumerate(st)
            ]
            cands = [
                jnp.where(cand >= (c + 1) * 16, 999, cand)
                for c, cand in enumerate(cands)
            ]
            jsv = jnp.minimum(jnp.minimum(cands[0], cands[1]),
                              jnp.minimum(cands[2], cands[3]))
            picked = mx != NEG_INF
            pickeds.append(picked)
            jv = jsv + koff
            x1c = plsc.load_gather(x1o, [jv])
            y1c = plsc.load_gather(y1o, [jv])
            x2c = plsc.load_gather(x2o, [jv])
            y2c = plsc.load_gather(y2o, [jv])
            arc = plsc.load_gather(ara, [jv])
            for c, s_c in enumerate(st):
                idxs = lane + c * 16
                live = s_c != NEG_INF
                sl = pl.ds(koff + c * 16, 16)
                xx1 = jnp.maximum(x1o[sl], x1c)
                yy1 = jnp.maximum(y1o[sl], y1c)
                xx2 = jnp.minimum(x2o[sl], x2c)
                yy2 = jnp.minimum(y2o[sl], y2c)
                inter = (jnp.maximum(xx2 - xx1, 0.0)
                         * jnp.maximum(yy2 - yy1, 0.0))
                union = ara[sl] + arc - inter
                iou = inter / jnp.maximum(union, 1e-9)
                sup = (iou > NMS_THRES) & live
                out_st.append(jnp.where(sup | (idxs == jsv), NEG_INF, s_c))
                out_kp.append(jnp.where((idxs == jsv) & picked, 1, kp[c]))
        return tuple(out_st), tuple(out_kp), pickeds[0] | pickeds[1]

    _, kp_fin, _ = lax.while_loop(lambda c: c[2], nms_body,
                                  (st0, kp0, jnp.bool_(True)))

    for i in range(8):
        k = i // 4
        cb = (i % 4) * 16
        g = lane + cb
        gc = jnp.minimum(g, NCELL - 1)
        m49 = g < NCELL
        sl = pl.ds(i * 16, 16)
        kv = kp_fin[i] != 0
        kvec = jnp.full((16,), k, jnp.int32)
        for f, arr in enumerate((x1u, y1u, x2u, y2u, cfa, cpa)):
            plsc.store_scatter(db, [kvec, gc * 6 + f],
                               jnp.where(kv, arr[sl], 0.0), mask=m49)
        misc[k, pl.ds(NPAD + cb, 16)] = kp_fin[i]
    pltpu.async_copy(db, det_hbm.at[pl.ds(img_a, 2)], sem_d).wait()
    pltpu.async_copy(misc, misc_hbm.at[pl.ds(img_a, 2)], sem_m).wait()


def kernel(images, outputs, prefix=0):
    del images, prefix
    det_p, misc_p = _yolo_sc(outputs)
    det = det_p[:, : NCELL * 6].reshape(BATCH, NCELL, 6)
    return det, misc_p[:, :NCELL], misc_p[:, NPAD:NPAD + NCELL] != 0

# --- scband reference (transcript-rebuilt; emitter-appended) ---
"""Pipeline reference for scband-yolov1-vis-16930761080835 (READ-ONLY COPY).

The authoritative reference and input builder live on the scoring server;
editing this copy changes nothing except your own understanding.
"""

import jax, jax.numpy as jnp
import numpy as np

S = 7; B = 2; C = 20; W = 448.0; H = 448.0
GRID_W = W / S; GRID_H = H / S
CONF_THRES = 0.5; NMS_THRES = 0.7
BATCH = 64


def setup_inputs(seed: int = 0) -> dict:
    key = jax.random.key(seed)
    k1, k2 = jax.random.split(key)
    images = jax.random.uniform(k1, (BATCH, 3, 448, 448), dtype=jnp.float32)
    outputs = jax.random.uniform(k2, (BATCH, S * S * (B * 5 + C)), dtype=jnp.float32)
    return {"images": images, "outputs": outputs, "prefix": 0}


def _iou_matrix(boxes):
    x1, y1, x2, y2 = boxes[:, 0], boxes[:, 1], boxes[:, 2], boxes[:, 3]
    area = jnp.clip(x2 - x1, 0.0) * jnp.clip(y2 - y1, 0.0)
    xx1 = jnp.maximum(x1[:, None], x1[None, :])
    yy1 = jnp.maximum(y1[:, None], y1[None, :])
    xx2 = jnp.minimum(x2[:, None], x2[None, :])
    yy2 = jnp.minimum(y2[:, None], y2[None, :])
    inter = jnp.clip(xx2 - xx1, 0.0) * jnp.clip(yy2 - yy1, 0.0)
    union = area[:, None] + area[None, :] - inter
    return inter / jnp.maximum(union, 1e-9)


def _nms_single(boxes, scores, cls_idx, valid):
    # class-aware (batched) NMS via per-class coordinate offsets, like torchvision batched_nms
    N = boxes.shape[0]
    offset = cls_idx.astype(jnp.float32)[:, None] * (2.0 * W + 1.0)
    ob = boxes + offset
    sm = jnp.where(valid, scores, -jnp.inf)
    order = jnp.argsort(-sm)
    ob_s = ob[order]
    valid_s = valid[order]
    iou = _iou_matrix(ob_s)
    idxs = jnp.arange(N)

    def body(i, keep):
        sup = (iou[i] > NMS_THRES) & (idxs > i) & keep[i]
        return keep & (~sup)

    keep_s = jax.lax.fori_loop(0, N, body, valid_s)
    keep = jnp.zeros((N,), dtype=bool).at[order].set(keep_s)
    return keep


def _decode(outputs):
    bs = outputs.shape[0]
    out = outputs.reshape(bs, S, S, B * 5 + C)
    confs = jnp.stack([out[..., b * 5 + 4] for b in range(B)], axis=-1)
    conf = jnp.max(confs, axis=-1)
    resp = jnp.argmax(confs, axis=-1)
    coords = jnp.zeros(out.shape[:-1] + (4,), dtype=out.dtype)
    for b in range(B):
        coords = coords + (resp[..., None] == b) * out[..., b * 5:b * 5 + 4]
    col = jnp.arange(S, dtype=out.dtype)[None, None, :]
    row = jnp.arange(S, dtype=out.dtype)[None, :, None]
    cx = (coords[..., 0] + col) * GRID_W
    cy = (coords[..., 1] + row) * GRID_H
    w = coords[..., 2] * W
    h = coords[..., 3] * H
    boxes = jnp.stack([cx - w / 2.0, cy - h / 2.0, cx + w / 2.0, cy + h / 2.0], axis=-1)
    cls_prob = jnp.max(out[..., B * 5:], axis=-1)
    cls_idx = jnp.argmax(out[..., B * 5:], axis=-1)
    boxes = boxes.reshape(bs, S * S, 4)
    conf = conf.reshape(bs, S * S)
    cls_prob = cls_prob.reshape(bs, S * S)
    cls_idx = cls_idx.reshape(bs, S * S)
    return boxes, conf, cls_prob, cls_idx


def reference(images, outputs, prefix=0):
    # denorm step from the original module (drawing / cv2.imwrite side effects omitted)
    images_u8 = (images * 255.0).astype(jnp.uint8)
    boxes, conf, cls_prob, cls_idx = _decode(outputs)
    valid = conf > CONF_THRES
    keep = jax.vmap(_nms_single)(boxes, conf, cls_idx, valid)
    det = jnp.concatenate([boxes, conf[..., None], cls_prob[..., None]], axis=-1)
    det = jnp.where(keep[..., None], det, 0.0)
    return det, cls_idx, keep

if __name__ == "__main__":
    import jax
    _d = setup_inputs()
    print(jax.jit(kernel)(*tuple(_d.values())))

</pallas_src>

<mosaic_0001>
#map = affine_map<(d0, d1) -> (0, 0)>
module attributes {stable_mosaic.version = 14 : i64} {
  func.func @_yolo_sc(%arg0: i32, %arg1: i32, %arg2: memref<64x1470xf32, #tpu.memory_space<hbm>>, %arg3: memref<64x320xf32, #tpu.memory_space<hbm>>, %arg4: memref<64x128xi32, #tpu.memory_space<hbm>>, %arg5: memref<2x1470xf32, #tpu.memory_space<vmem>>, %arg6: memref<128xf32, #tpu.memory_space<vmem>>, %arg7: memref<128xf32, #tpu.memory_space<vmem>>, %arg8: memref<128xf32, #tpu.memory_space<vmem>>, %arg9: memref<128xf32, #tpu.memory_space<vmem>>, %arg10: memref<128xf32, #tpu.memory_space<vmem>>, %arg11: memref<128xf32, #tpu.memory_space<vmem>>, %arg12: memref<128xf32, #tpu.memory_space<vmem>>, %arg13: memref<128xf32, #tpu.memory_space<vmem>>, %arg14: memref<128xf32, #tpu.memory_space<vmem>>, %arg15: memref<128xf32, #tpu.memory_space<vmem>>, %arg16: memref<128xf32, #tpu.memory_space<vmem>>, %arg17: memref<128xf32, #tpu.memory_space<vmem>>, %arg18: memref<2x128xi32, #tpu.memory_space<vmem>>, %arg19: memref<2x320xf32, #tpu.memory_space<vmem>>, %arg20: memref<!tpu.dma_semaphore, #tpu.memory_space<semaphore_mem>>, %arg21: memref<!tpu.dma_semaphore, #tpu.memory_space<semaphore_mem>>, %arg22: memref<!tpu.dma_semaphore, #tpu.memory_space<semaphore_mem>>) attributes {dimension_semantics = [#tpu.dimension_semantics<core_parallel>, #tpu.dimension_semantics<subcore_parallel>], iteration_bounds = array<i64: 2, 16>, scalar_prefetch = 0 : i64, scratch_operands = 18 : i64, tpu.core_type = #tpu.core_type<sc_vector_subcore>, window_params = [{transform_indices = #map}, {transform_indices = #map}, {transform_indices = #map}]} {
    %mul3A = arith.constant 2 : i32
    %mul3A_0 = arith.muli %arg1, %mul3A : i32
    %add3A = arith.addi %mul3A_0, %arg0 : i32
    %mul3A_1 = arith.constant 2 : i32
    %mul3A_2 = arith.muli %add3A, %mul3A_1 : i32
    %iota3A = tpu.iota {dimensions = array<i32: 0>} : vector<16xi32>
    %broadcast_in_dim3A = arith.constant 0 : i32
    %broadcast_in_dim3A_3 = vector.broadcast %broadcast_in_dim3A : i32 to vector<16xi32>
    %dma_start3A = arith.constant 0 : i32
    %dma_start3A_4 = tpu.memref_slice %arg2[%mul3A_2, %dma_start3A] : memref<64x1470xf32, #tpu.memory_space<hbm>> -> memref<2x1470xf32, #tpu.memory_space<hbm>>
    %dma_start3A_5 = arith.constant 0 : i32
    %dma_start3A_6 = tpu.memref_slice %arg2[%mul3A_2, %dma_start3A_5] : memref<64x1470xf32, #tpu.memory_space<hbm>> -> memref<2x1470xf32, #tpu.memory_space<hbm>>
    tpu.enqueue_dma source(%dma_start3A_6 : memref<2x1470xf32, #tpu.memory_space<hbm>>) target(%arg5 : memref<2x1470xf32, #tpu.memory_space<vmem>>) target_semaphore(%arg20 : memref<!tpu.dma_semaphore, #tpu.memory_space<semaphore_mem>>)
    %dma_wait3A = arith.constant 0 : i32
    %dma_wait3A_7 = tpu.memref_slice %arg2[%mul3A_2, %dma_wait3A] : memref<64x1470xf32, #tpu.memory_space<hbm>> -> memref<2x1470xf32, #tpu.memory_space<hbm>>
    %dma_wait3A_8 = arith.constant 0 : i32
    %dma_wait3A_9 = tpu.memref_slice %arg2[%mul3A_2, %dma_wait3A_8] : memref<64x1470xf32, #tpu.memory_space<hbm>> -> memref<2x1470xf32, #tpu.memory_space<hbm>>
    tpu.wait_dma2 semaphore(%arg20 : memref<!tpu.dma_semaphore, #tpu.memory_space<semaphore_mem>>) src(%dma_wait3A_9 : memref<2x1470xf32, #tpu.memory_space<hbm>>) dst(%arg5 : memref<2x1470xf32, #tpu.memory_space<vmem>>)
    %scan3A = arith.constant 0 : i32
    %scan3A_10 = arith.constant 0 : i32
    %scan3A_11 = arith.constant 8 : i32
    %scan3A_12 = arith.addi %scan3A_10, %scan3A_11 : i32
    %scan3A_13 = arith.constant 1 : i32
    %scan3A_14 = scf.for %scan3A_714 = %scan3A_10 to %scan3A_12 step %scan3A_13 iter_args(%scan3A_715 = %scan3A) -> (i32)  : i32 {
      %jit3A_716 = arith.constant 4 : i32
      %div3A = arith.divsi %scan3A_714, %jit3A_716 : i32
      %sign3A = arith.constant 0 : i32
      %sign3A_717 = arith.cmpi sgt, %scan3A_714, %sign3A : i32
      %sign3A_718 = arith.extui %sign3A_717 : i1 to i32
      %sign3A_719 = arith.constant 0 : i32
      %sign3A_720 = arith.cmpi slt, %scan3A_714, %sign3A_719 : i32
      %sign3A_721 = arith.extui %sign3A_720 : i1 to i32
      %sign3A_722 = arith.subi %sign3A_718, %sign3A_721 : i32
      %sign3A_723 = arith.constant 0 : i32
      %sign3A_724 = arith.cmpi sgt, %jit3A_716, %sign3A_723 : i32
      %sign3A_725 = arith.extui %sign3A_724 : i1 to i32
      %sign3A_726 = arith.constant 0 : i32
      %sign3A_727 = arith.cmpi slt, %jit3A_716, %sign3A_726 : i32
      %sign3A_728 = arith.extui %sign3A_727 : i1 to i32
      %sign3A_729 = arith.subi %sign3A_725, %sign3A_728 : i32
      %ne3A_730 = arith.cmpi ne, %sign3A_722, %sign3A_729 : i32
      %rem3A = arith.remsi %scan3A_714, %jit3A_716 : i32
      %ne3A_731 = arith.constant 0 : i32
      %ne3A_732 = arith.cmpi ne, %rem3A, %ne3A_731 : i32
      %and3A = arith.andi %ne3A_730, %ne3A_732 : i1
      %sub3A = arith.constant 1 : i32
      %sub3A_733 = arith.subi %div3A, %sub3A : i32
      %select_n3A_734 = arith.select %and3A, %sub3A_733, %div3A : i32
      %jit3A_735 = arith.constant 4 : i32
      %eq3A = arith.constant 0 : i32
      %eq3A_736 = arith.cmpi eq, %jit3A_735, %eq3A : i32
      %jit3A_737 = arith.constant 1 : i32
      %select_n3A_738 = arith.select %eq3A_736, %jit3A_737, %jit3A_735 : i32
      %rem3A_739 = arith.remsi %scan3A_714, %select_n3A_738 : i32
      %ne3A_740 = arith.constant 0 : i32
      %ne3A_741 = arith.cmpi ne, %rem3A_739, %ne3A_740 : i32
      %lt3A_742 = arith.constant 0 : i32
      %lt3A_743 = arith.cmpi slt, %rem3A_739, %lt3A_742 : i32
      %lt3A_744 = arith.constant 0 : i32
      %lt3A_745 = arith.cmpi slt, %select_n3A_738, %lt3A_744 : i32
      %ne3A_746 = arith.xori %lt3A_743, %lt3A_745 : i1
      %and3A_747 = arith.andi %ne3A_746, %ne3A_741 : i1
      %add3A_748 = arith.addi %rem3A_739, %select_n3A_738 : i32
      %select_n3A_749 = arith.select %and3A_747, %add3A_748, %rem3A_739 : i32
      %mul3A_750 = arith.constant 16 : i32
      %mul3A_751 = arith.muli %select_n3A_749, %mul3A_750 : i32
      %add3A_752 = vector.broadcast %mul3A_751 : i32 to vector<16xi32>
      %add3A_753 = arith.addi %iota3A, %add3A_752 : vector<16xi32>
      %min3A_754 = arith.constant 48 : i32
      %min3A_755 = vector.broadcast %min3A_754 : i32 to vector<16xi32>
      %min3A_756 = arith.minsi %add3A_753, %min3A_755 : vector<16xi32>
      %lt3A_757 = arith.constant 49 : i32
      %lt3A_758 = vector.broadcast %lt3A_757 : i32 to vector<16xi32>
      %lt3A_759 = arith.cmpi slt, %add3A_753, %lt3A_758 : vector<16xi32>
      %broadcast_in_dim3A_760 = vector.broadcast %select_n3A_734 : i32 to vector<16xi32>
      %mul3A_761 = arith.constant 30 : i32
      %mul3A_762 = vector.broadcast %mul3A_761 : i32 to vector<16xi32>
      %mul3A_763 = arith.muli %min3A_756, %mul3A_762 : vector<16xi32>
      %add3A_764 = arith.constant 4 : i32
      %add3A_765 = vector.broadcast %add3A_764 : i32 to vector<16xi32>
      %add3A_766 = arith.addi %mul3A_763, %add3A_765 : vector<16xi32>
      %gather3A = tpu.vector_load_idx %arg5[%broadcast_in_dim3A_760, %add3A_766] : memref<2x1470xf32, #tpu.memory_space<vmem>>[vector<16xi32>, vector<16xi32>], vector<16xf32>,
      %add3A_767 = arith.constant 9 : i32
      %add3A_768 = vector.broadcast %add3A_767 : i32 to vector<16xi32>
      %add3A_769 = arith.addi %mul3A_763, %add3A_768 : vector<16xi32>
      %gather3A_770 = tpu.vector_load_idx %arg5[%broadcast_in_dim3A_760, %add3A_769] : memref<2x1470xf32, #tpu.memory_space<vmem>>[vector<16xi32>, vector<16xi32>], vector<16xf32>,
      %gt3A = arith.cmpf ogt, %gather3A_770, %gather3A : vector<16xf32>
      %max3A = arith.maximumf %gather3A, %gather3A_770 : vector<16xf32>
      %jit3A_771 = arith.constant 5 : i32
      %jit3A_772 = arith.constant 0 : i32
      %broadcast_in_dim3A_773 = vector.broadcast %jit3A_771 : i32 to vector<16xi32>
      %broadcast_in_dim3A_774 = vector.broadcast %jit3A_772 : i32 to vector<16xi32>
      %select_n3A_775 = arith.select %gt3A, %broadcast_in_dim3A_773, %broadcast_in_dim3A_774 : vector<16xi1>, vector<16xi32>
      %add3A_776 = arith.addi %mul3A_763, %select_n3A_775 : vector<16xi32>
      %gather3A_777 = tpu.vector_load_idx %arg5[%broadcast_in_dim3A_760, %add3A_776] : memref<2x1470xf32, #tpu.memory_space<vmem>>[vector<16xi32>, vector<16xi32>], vector<16xf32>,
      %add3A_778 = arith.constant 1 : i32
      %add3A_779 = vector.broadcast %add3A_778 : i32 to vector<16xi32>
      %add3A_780 = arith.addi %add3A_776, %add3A_779 : vector<16xi32>
      %gather3A_781 = tpu.vector_load_idx %arg5[%broadcast_in_dim3A_760, %add3A_780] : memref<2x1470xf32, #tpu.memory_space<vmem>>[vector<16xi32>, vector<16xi32>], vector<16xf32>,
      %add3A_782 = arith.constant 2 : i32
      %add3A_783 = vector.broadcast %add3A_782 : i32 to vector<16xi32>
      %add3A_784 = arith.addi %add3A_776, %add3A_783 : vector<16xi32>
      %gather3A_785 = tpu.vector_load_idx %arg5[%broadcast_in_dim3A_760, %add3A_784] : memref<2x1470xf32, #tpu.memory_space<vmem>>[vector<16xi32>, vector<16xi32>], vector<16xf32>,
      %add3A_786 = arith.constant 3 : i32
      %add3A_787 = vector.broadcast %add3A_786 : i32 to vector<16xi32>
      %add3A_788 = arith.addi %add3A_776, %add3A_787 : vector<16xi32>
      %gather3A_789 = tpu.vector_load_idx %arg5[%broadcast_in_dim3A_760, %add3A_788] : memref<2x1470xf32, #tpu.memory_space<vmem>>[vector<16xi32>, vector<16xi32>], vector<16xf32>,
      %jit3A_790 = arith.constant 7 : i32
      %eq3A_791 = arith.constant 0 : i32
      %eq3A_792 = arith.cmpi eq, %jit3A_790, %eq3A_791 : i32
      %jit3A_793 = arith.constant 1 : i32
      %select_n3A_794 = arith.select %eq3A_792, %jit3A_793, %jit3A_790 : i32
      %rem3A_795 = vector.broadcast %select_n3A_794 : i32 to vector<16xi32>
      %rem3A_796 = arith.remsi %min3A_756, %rem3A_795 : vector<16xi32>
      %ne3A_797 = arith.constant 0 : i32
      %ne3A_798 = vector.broadcast %ne3A_797 : i32 to vector<16xi32>
      %ne3A_799 = arith.cmpi ne, %rem3A_796, %ne3A_798 : vector<16xi32>
      %lt3A_800 = arith.constant 0 : i32
      %lt3A_801 = vector.broadcast %lt3A_800 : i32 to vector<16xi32>
      %lt3A_802 = arith.cmpi slt, %rem3A_796, %lt3A_801 : vector<16xi32>
      %lt3A_803 = arith.constant 0 : i32
      %lt3A_804 = arith.cmpi slt, %select_n3A_794, %lt3A_803 : i32
      %ne3A_805 = vector.broadcast %lt3A_804 : i1 to vector<16xi1>
      %ne3A_806 = vector.broadcast %ne3A_805 : vector<16xi1> to vector<16xi1>
      %ne3A_807 = arith.xori %lt3A_802, %ne3A_806 : vector<16xi1>
      %and3A_808 = arith.andi %ne3A_807, %ne3A_799 : vector<16xi1>
      %add3A_809 = vector.broadcast %select_n3A_794 : i32 to vector<16xi32>
      %add3A_810 = arith.addi %rem3A_796, %add3A_809 : vector<16xi32>
      %select_n3A_811 = arith.select %and3A_808, %add3A_810, %rem3A_796 : vector<16xi1>, vector<16xi32>
      %convert_element_type3A = arith.sitofp %select_n3A_811 : vector<16xi32> to vector<16xf32>
      %jit3A_812 = arith.constant 7 : i32
      %div3A_813 = vector.broadcast %jit3A_812 : i32 to vector<16xi32>
      %div3A_814 = arith.divsi %min3A_756, %div3A_813 : vector<16xi32>
      %sign3A_815 = arith.constant 0 : i32
      %sign3A_816 = vector.broadcast %sign3A_815 : i32 to vector<16xi32>
      %sign3A_817 = arith.cmpi sgt, %min3A_756, %sign3A_816 : vector<16xi32>
      %sign3A_818 = arith.extui %sign3A_817 : vector<16xi1> to vector<16xi32>
      %sign3A_819 = arith.constant 0 : i32
      %sign3A_820 = vector.broadcast %sign3A_819 : i32 to vector<16xi32>
      %sign3A_821 = arith.cmpi slt, %min3A_756, %sign3A_820 : vector<16xi32>
      %sign3A_822 = arith.extui %sign3A_821 : vector<16xi1> to vector<16xi32>
      %sign3A_823 = arith.subi %sign3A_818, %sign3A_822 : vector<16xi32>
      %sign3A_824 = arith.constant 0 : i32
      %sign3A_825 = arith.cmpi sgt, %jit3A_812, %sign3A_824 : i32
      %sign3A_826 = arith.extui %sign3A_825 : i1 to i32
      %sign3A_827 = arith.constant 0 : i32
      %sign3A_828 = arith.cmpi slt, %jit3A_812, %sign3A_827 : i32
      %sign3A_829 = arith.extui %sign3A_828 : i1 to i32
      %sign3A_830 = arith.subi %sign3A_826, %sign3A_829 : i32
      %ne3A_831 = vector.broadcast %sign3A_830 : i32 to vector<16xi32>
      %ne3A_832 = arith.cmpi ne, %sign3A_823, %ne3A_831 : vector<16xi32>
      %rem3A_833 = vector.broadcast %jit3A_812 : i32 to vector<16xi32>
      %rem3A_834 = arith.remsi %min3A_756, %rem3A_833 : vector<16xi32>
      %ne3A_835 = arith.constant 0 : i32
      %ne3A_836 = vector.broadcast %ne3A_835 : i32 to vector<16xi32>
      %ne3A_837 = arith.cmpi ne, %rem3A_834, %ne3A_836 : vector<16xi32>
      %and3A_838 = arith.andi %ne3A_832, %ne3A_837 : vector<16xi1>
      %sub3A_839 = arith.constant 1 : i32
      %sub3A_840 = vector.broadcast %sub3A_839 : i32 to vector<16xi32>
      %sub3A_841 = arith.subi %div3A_814, %sub3A_840 : vector<16xi32>
      %select_n3A_842 = arith.select %and3A_838, %sub3A_841, %div3A_814 : vector<16xi1>, vector<16xi32>
      %convert_element_type3A_843 = arith.sitofp %select_n3A_842 : vector<16xi32> to vector<16xf32>
      %add3A_844 = arith.addf %gather3A_777, %convert_element_type3A : vector<16xf32>
      %mul3A_845 = arith.constant 6.400000e+01 : f32
      %mul3A_846 = vector.broadcast %mul3A_845 : f32 to vector<16xf32>
      %mul3A_847 = arith.mulf %add3A_844, %mul3A_846 : vector<16xf32>
      %add3A_848 = arith.addf %gather3A_781, %convert_element_type3A_843 : vector<16xf32>
      %mul3A_849 = arith.constant 6.400000e+01 : f32
      %mul3A_850 = vector.broadcast %mul3A_849 : f32 to vector<16xf32>
      %mul3A_851 = arith.mulf %add3A_848, %mul3A_850 : vector<16xf32>
      %mul3A_852 = arith.constant 4.480000e+02 : f32
      %mul3A_853 = vector.broadcast %mul3A_852 : f32 to vector<16xf32>
      %mul3A_854 = arith.mulf %gather3A_785, %mul3A_853 : vector<16xf32>
      %mul3A_855 = arith.constant 4.480000e+02 : f32
      %mul3A_856 = vector.broadcast %mul3A_855 : f32 to vector<16xf32>
      %mul3A_857 = arith.mulf %gather3A_789, %mul3A_856 : vector<16xf32>
      %mul3A_858 = arith.constant 5.000000e-01 : f32
      %mul3A_859 = vector.broadcast %mul3A_858 : f32 to vector<16xf32>
      %mul3A_860 = arith.mulf %mul3A_854, %mul3A_859 : vector<16xf32>
      %sub3A_861 = arith.subf %mul3A_847, %mul3A_860 : vector<16xf32>
      %mul3A_862 = arith.constant 5.000000e-01 : f32
      %mul3A_863 = vector.broadcast %mul3A_862 : f32 to vector<16xf32>
      %mul3A_864 = arith.mulf %mul3A_857, %mul3A_863 : vector<16xf32>
      %sub3A_865 = arith.subf %mul3A_851, %mul3A_864 : vector<16xf32>
      %mul3A_866 = arith.constant 5.000000e-01 : f32
      %mul3A_867 = vector.broadcast %mul3A_866 : f32 to vector<16xf32>
      %mul3A_868 = arith.mulf %mul3A_854, %mul3A_867 : vector<16xf32>
      %add3A_869 = arith.addf %mul3A_847, %mul3A_868 : vector<16xf32>
      %mul3A_870 = arith.constant 5.000000e-01 : f32
      %mul3A_871 = vector.broadcast %mul3A_870 : f32 to vector<16xf32>
      %mul3A_872 = arith.mulf %mul3A_857, %mul3A_871 : vector<16xf32>
      %add3A_873 = arith.addf %mul3A_851, %mul3A_872 : vector<16xf32>
      %add3A_874 = arith.constant 10 : i32
      %add3A_875 = vector.broadcast %add3A_874 : i32 to vector<16xi32>
      %add3A_876 = arith.addi %mul3A_763, %add3A_875 : vector<16xi32>
      %gather3A_877 = tpu.vector_load_idx %arg5[%broadcast_in_dim3A_760, %add3A_876] : memref<2x1470xf32, #tpu.memory_space<vmem>>[vector<16xi32>, vector<16xi32>], vector<16xf32>,
      %add3A_878 = arith.constant 11 : i32
      %add3A_879 = vector.broadcast %add3A_878 : i32 to vector<16xi32>
      %add3A_880 = arith.addi %mul3A_763, %add3A_879 : vector<16xi32>
      %gather3A_881 = tpu.vector_load_idx %arg5[%broadcast_in_dim3A_760, %add3A_880] : memref<2x1470xf32, #tpu.memory_space<vmem>>[vector<16xi32>, vector<16xi32>], vector<16xf32>,
      %gt3A_882 = arith.cmpf ogt, %gather3A_881, %gather3A_877 : vector<16xf32>
      %jit3A_883 = arith.constant 1 : i32
      %broadcast_in_dim3A_884 = vector.broadcast %jit3A_883 : i32 to vector<16xi32>
      %select_n3A_885 = arith.select %gt3A_882, %broadcast_in_dim3A_884, %broadcast_in_dim3A_3 : vector<16xi1>, vector<16xi32>
      %max3A_886 = arith.maximumf %gather3A_877, %gather3A_881 : vector<16xf32>
      %add3A_887 = arith.constant 12 : i32
      %add3A_888 = vector.broadcast %add3A_887 : i32 to vector<16xi32>
      %add3A_889 = arith.addi %mul3A_763, %add3A_888 : vector<16xi32>
      %gather3A_890 = tpu.vector_load_idx %arg5[%broadcast_in_dim3A_760, %add3A_889] : memref<2x1470xf32, #tpu.memory_space<vmem>>[vector<16xi32>, vector<16xi32>], vector<16xf32>,
      %gt3A_891 = arith.cmpf ogt, %gather3A_890, %max3A_886 : vector<16xf32>
      %jit3A_892 = arith.constant 2 : i32
      %broadcast_in_dim3A_893 = vector.broadcast %jit3A_892 : i32 to vector<16xi32>
      %select_n3A_894 = arith.select %gt3A_891, %broadcast_in_dim3A_893, %select_n3A_885 : vector<16xi1>, vector<16xi32>
      %max3A_895 = arith.maximumf %max3A_886, %gather3A_890 : vector<16xf32>
      %add3A_896 = arith.constant 13 : i32
      %add3A_897 = vector.broadcast %add3A_896 : i32 to vector<16xi32>
      %add3A_898 = arith.addi %mul3A_763, %add3A_897 : vector<16xi32>
      %gather3A_899 = tpu.vector_load_idx %arg5[%broadcast_in_dim3A_760, %add3A_898] : memref<2x1470xf32, #tpu.memory_space<vmem>>[vector<16xi32>, vector<16xi32>], vector<16xf32>,
      %gt3A_900 = arith.cmpf ogt, %gather3A_899, %max3A_895 : vector<16xf32>
      %jit3A_901 = arith.constant 3 : i32
      %broadcast_in_dim3A_902 = vector.broadcast %jit3A_901 : i32 to vector<16xi32>
      %select_n3A_903 = arith.select %gt3A_900, %broadcast_in_dim3A_902, %select_n3A_894 : vector<16xi1>, vector<16xi32>
      %max3A_904 = arith.maximumf %max3A_895, %gather3A_899 : vector<16xf32>
      %add3A_905 = arith.constant 14 : i32
      %add3A_906 = vector.broadcast %add3A_905 : i32 to vector<16xi32>
      %add3A_907 = arith.addi %mul3A_763, %add3A_906 : vector<16xi32>
      %gather3A_908 = tpu.vector_load_idx %arg5[%broadcast_in_dim3A_760, %add3A_907] : memref<2x1470xf32, #tpu.memory_space<vmem>>[vector<16xi32>, vector<16xi32>], vector<16xf32>,
      %gt3A_909 = arith.cmpf ogt, %gather3A_908, %max3A_904 : vector<16xf32>
      %jit3A_910 = arith.constant 4 : i32
      %broadcast_in_dim3A_911 = vector.broadcast %jit3A_910 : i32 to vector<16xi32>
      %select_n3A_912 = arith.select %gt3A_909, %broadcast_in_dim3A_911, %select_n3A_903 : vector<16xi1>, vector<16xi32>
      %max3A_913 = arith.maximumf %max3A_904, %gather3A_908 : vector<16xf32>
      %add3A_914 = arith.constant 15 : i32
      %add3A_915 = vector.broadcast %add3A_914 : i32 to vector<16xi32>
      %add3A_916 = arith.addi %mul3A_763, %add3A_915 : vector<16xi32>
      %gather3A_917 = tpu.vector_load_idx %arg5[%broadcast_in_dim3A_760, %add3A_916] : memref<2x1470xf32, #tpu.memory_space<vmem>>[vector<16xi32>, vector<16xi32>], vector<16xf32>,
      %gt3A_918 = arith.cmpf ogt, %gather3A_917, %max3A_913 : vector<16xf32>
      %jit3A_919 = arith.constant 5 : i32
      %broadcast_in_dim3A_920 = vector.broadcast %jit3A_919 : i32 to vector<16xi32>
      %select_n3A_921 = arith.select %gt3A_918, %broadcast_in_dim3A_920, %select_n3A_912 : vector<16xi1>, vector<16xi32>
      %max3A_922 = arith.maximumf %max3A_913, %gather3A_917 : vector<16xf32>
      %add3A_923 = arith.constant 16 : i32
      %add3A_924 = vector.broadcast %add3A_923 : i32 to vector<16xi32>
      %add3A_925 = arith.addi %mul3A_763, %add3A_924 : vector<16xi32>
      %gather3A_926 = tpu.vector_load_idx %arg5[%broadcast_in_dim3A_760, %add3A_925] : memref<2x1470xf32, #tpu.memory_space<vmem>>[vector<16xi32>, vector<16xi32>], vector<16xf32>,
      %gt3A_927 = arith.cmpf ogt, %gather3A_926, %max3A_922 : vector<16xf32>
      %jit3A_928 = arith.constant 6 : i32
      %broadcast_in_dim3A_929 = vector.broadcast %jit3A_928 : i32 to vector<16xi32>
      %select_n3A_930 = arith.select %gt3A_927, %broadcast_in_dim3A_929, %select_n3A_921 : vector<16xi1>, vector<16xi32>
      %max3A_931 = arith.maximumf %max3A_922, %gather3A_926 : vector<16xf32>
      %add3A_932 = arith.constant 17 : i32
      %add3A_933 = vector.broadcast %add3A_932 : i32 to vector<16xi32>
      %add3A_934 = arith.addi %mul3A_763, %add3A_933 : vector<16xi32>
      %gather3A_935 = tpu.vector_load_idx %arg5[%broadcast_in_dim3A_760, %add3A_934] : memref<2x1470xf32, #tpu.memory_space<vmem>>[vector<16xi32>, vector<16xi32>], vector<16xf32>,
      %gt3A_936 = arith.cmpf ogt, %gather3A_935, %max3A_931 : vector<16xf32>
      %jit3A_937 = arith.constant 7 : i32
      %broadcast_in_dim3A_938 = vector.broadcast %jit3A_937 : i32 to vector<16xi32>
      %select_n3A_939 = arith.select %gt3A_936, %broadcast_in_dim3A_938, %select_n3A_930 : vector<16xi1>, vector<16xi32>
      %max3A_940 = arith.maximumf %max3A_931, %gather3A_935 : vector<16xf32>
      %add3A_941 = arith.constant 18 : i32
      %add3A_942 = vector.broadcast %add3A_941 : i32 to vector<16xi32>
      %add3A_943 = arith.addi %mul3A_763, %add3A_942 : vector<16xi32>
      %gather3A_944 = tpu.vector_load_idx %arg5[%broadcast_in_dim3A_760, %add3A_943] : memref<2x1470xf32, #tpu.memory_space<vmem>>[vector<16xi32>, vector<16xi32>], vector<16xf32>,
      %gt3A_945 = arith.cmpf ogt, %gather3A_944, %max3A_940 : vector<16xf32>
      %jit3A_946 = arith.constant 8 : i32
      %broadcast_in_dim3A_947 = vector.broadcast %jit3A_946 : i32 to vector<16xi32>
      %select_n3A_948 = arith.select %gt3A_945, %broadcast_in_dim3A_947, %select_n3A_939 : vector<16xi1>, vector<16xi32>
      %max3A_949 = arith.maximumf %max3A_940, %gather3A_944 : vector<16xf32>
      %add3A_950 = arith.constant 19 : i32
      %add3A_951 = vector.broadcast %add3A_950 : i32 to vector<16xi32>
      %add3A_952 = arith.addi %mul3A_763, %add3A_951 : vector<16xi32>
      %gather3A_953 = tpu.vector_load_idx %arg5[%broadcast_in_dim3A_760, %add3A_952] : memref<2x1470xf32, #tpu.memory_space<vmem>>[vector<16xi32>, vector<16xi32>], vector<16xf32>,
      %gt3A_954 = arith.cmpf ogt, %gather3A_953, %max3A_949 : vector<16xf32>
      %jit3A_955 = arith.constant 9 : i32
      %broadcast_in_dim3A_956 = vector.broadcast %jit3A_955 : i32 to vector<16xi32>
      %select_n3A_957 = arith.select %gt3A_954, %broadcast_in_dim3A_956, %select_n3A_948 : vector<16xi1>, vector<16xi32>
      %max3A_958 = arith.maximumf %max3A_949, %gather3A_953 : vector<16xf32>
      %add3A_959 = arith.constant 20 : i32
      %add3A_960 = vector.broadcast %add3A_959 : i32 to vector<16xi32>
      %add3A_961 = arith.addi %mul3A_763, %add3A_960 : vector<16xi32>
      %gather3A_962 = tpu.vector_load_idx %arg5[%broadcast_in_dim3A_760, %add3A_961] : memref<2x1470xf32, #tpu.memory_space<vmem>>[vector<16xi32>, vector<16xi32>], vector<16xf32>,
      %gt3A_963 = arith.cmpf ogt, %gather3A_962, %max3A_958 : vector<16xf32>
      %jit3A_964 = arith.constant 10 : i32
      %broadcast_in_dim3A_965 = vector.broadcast %jit3A_964 : i32 to vector<16xi32>
      %select_n3A_966 = arith.select %gt3A_963, %broadcast_in_dim3A_965, %select_n3A_957 : vector<16xi1>, vector<16xi32>
      %max3A_967 = arith.maximumf %max3A_958, %gather3A_962 : vector<16xf32>
      %add3A_968 = arith.constant 21 : i32
      %add3A_969 = vector.broadcast %add3A_968 : i32 to vector<16xi32>
      %add3A_970 = arith.addi %mul3A_763, %add3A_969 : vector<16xi32>
      %gather3A_971 = tpu.vector_load_idx %arg5[%broadcast_in_dim3A_760, %add3A_970] : memref<2x1470xf32, #tpu.memory_space<vmem>>[vector<16xi32>, vector<16xi32>], vector<16xf32>,
      %gt3A_972 = arith.cmpf ogt, %gather3A_971, %max3A_967 : vector<16xf32>
      %jit3A_973 = arith.constant 11 : i32
      %broadcast_in_dim3A_974 = vector.broadcast %jit3A_973 : i32 to vector<16xi32>
      %select_n3A_975 = arith.select %gt3A_972, %broadcast_in_dim3A_974, %select_n3A_966 : vector<16xi1>, vector<16xi32>
      %max3A_976 = arith.maximumf %max3A_967, %gather3A_971 : vector<16xf32>
      %add3A_977 = arith.constant 22 : i32
      %add3A_978 = vector.broadcast %add3A_977 : i32 to vector<16xi32>
      %add3A_979 = arith.addi %mul3A_763, %add3A_978 : vector<16xi32>
      %gather3A_980 = tpu.vector_load_idx %arg5[%broadcast_in_dim3A_760, %add3A_979] : memref<2x1470xf32, #tpu.memory_space<vmem>>[vector<16xi32>, vector<16xi32>], vector<16xf32>,
      %gt3A_981 = arith.cmpf ogt, %gather3A_980, %max3A_976 : vector<16xf32>
      %jit3A_982 = arith.constant 12 : i32
      %broadcast_in_dim3A_983 = vector.broadcast %jit3A_982 : i32 to vector<16xi32>
      %select_n3A_984 = arith.select %gt3A_981, %broadcast_in_dim3A_983, %select_n3A_975 : vector<16xi1>, vector<16xi32>
      %max3A_985 = arith.maximumf %max3A_976, %gather3A_980 : vector<16xf32>
      %add3A_986 = arith.constant 23 : i32
      %add3A_987 = vector.broadcast %add3A_986 : i32 to vector<16xi32>
      %add3A_988 = arith.addi %mul3A_763, %add3A_987 : vector<16xi32>
      %gather3A_989 = tpu.vector_load_idx %arg5[%broadcast_in_dim3A_760, %add3A_988] : memref<2x1470xf32, #tpu.memory_space<vmem>>[vector<16xi32>, vector<16xi32>], vector<16xf32>,
      %gt3A_990 = arith.cmpf ogt, %gather3A_989, %max3A_985 : vector<16xf32>
      %jit3A_991 = arith.constant 13 : i32
      %broadcast_in_dim3A_992 = vector.broadcast %jit3A_991 : i32 to vector<16xi32>
      %select_n3A_993 = arith.select %gt3A_990, %broadcast_in_dim3A_992, %select_n3A_984 : vector<16xi1>, vector<16xi32>
      %max3A_994 = arith.maximumf %max3A_985, %gather3A_989 : vector<16xf32>
      %add3A_995 = arith.constant 24 : i32
      %add3A_996 = vector.broadcast %add3A_995 : i32 to vector<16xi32>
      %add3A_997 = arith.addi %mul3A_763, %add3A_996 : vector<16xi32>
      %gather3A_998 = tpu.vector_load_idx %arg5[%broadcast_in_dim3A_760, %add3A_997] : memref<2x1470xf32, #tpu.memory_space<vmem>>[vector<16xi32>, vector<16xi32>], vector<16xf32>,
      %gt3A_999 = arith.cmpf ogt, %gather3A_998, %max3A_994 : vector<16xf32>
      %jit3A_1000 = arith.constant 14 : i32
      %broadcast_in_dim3A_1001 = vector.broadcast %jit3A_1000 : i32 to vector<16xi32>
      %select_n3A_1002 = arith.select %gt3A_999, %broadcast_in_dim3A_1001, %select_n3A_993 : vector<16xi1>, vector<16xi32>
      %max3A_1003 = arith.maximumf %max3A_994, %gather3A_998 : vector<16xf32>
      %add3A_1004 = arith.constant 25 : i32
      %add3A_1005 = vector.broadcast %add3A_1004 : i32 to vector<16xi32>
      %add3A_1006 = arith.addi %mul3A_763, %add3A_1005 : vector<16xi32>
      %gather3A_1007 = tpu.vector_load_idx %arg5[%broadcast_in_dim3A_760, %add3A_1006] : memref<2x1470xf32, #tpu.memory_space<vmem>>[vector<16xi32>, vector<16xi32>], vector<16xf32>,
      %gt3A_1008 = arith.cmpf ogt, %gather3A_1007, %max3A_1003 : vector<16xf32>
      %jit3A_1009 = arith.constant 15 : i32
      %broadcast_in_dim3A_1010 = vector.broadcast %jit3A_1009 : i32 to vector<16xi32>
      %select_n3A_1011 = arith.select %gt3A_1008, %broadcast_in_dim3A_1010, %select_n3A_1002 : vector<16xi1>, vector<16xi32>
      %max3A_1012 = arith.maximumf %max3A_1003, %gather3A_1007 : vector<16xf32>
      %add3A_1013 = arith.constant 26 : i32
      %add3A_1014 = vector.broadcast %add3A_1013 : i32 to vector<16xi32>
      %add3A_1015 = arith.addi %mul3A_763, %add3A_1014 : vector<16xi32>
      %gather3A_1016 = tpu.vector_load_idx %arg5[%broadcast_in_dim3A_760, %add3A_1015] : memref<2x1470xf32, #tpu.memory_space<vmem>>[vector<16xi32>, vector<16xi32>], vector<16xf32>,
      %gt3A_1017 = arith.cmpf ogt, %gather3A_1016, %max3A_1012 : vector<16xf32>
      %jit3A_1018 = arith.constant 16 : i32
      %broadcast_in_dim3A_1019 = vector.broadcast %jit3A_1018 : i32 to vector<16xi32>
      %select_n3A_1020 = arith.select %gt3A_1017, %broadcast_in_dim3A_1019, %select_n3A_1011 : vector<16xi1>, vector<16xi32>
      %max3A_1021 = arith.maximumf %max3A_1012, %gather3A_1016 : vector<16xf32>
      %add3A_1022 = arith.constant 27 : i32
      %add3A_1023 = vector.broadcast %add3A_1022 : i32 to vector<16xi32>
      %add3A_1024 = arith.addi %mul3A_763, %add3A_1023 : vector<16xi32>
      %gather3A_1025 = tpu.vector_load_idx %arg5[%broadcast_in_dim3A_760, %add3A_1024] : memref<2x1470xf32, #tpu.memory_space<vmem>>[vector<16xi32>, vector<16xi32>], vector<16xf32>,
      %gt3A_1026 = arith.cmpf ogt, %gather3A_1025, %max3A_1021 : vector<16xf32>
      %jit3A_1027 = arith.constant 17 : i32
      %broadcast_in_dim3A_1028 = vector.broadcast %jit3A_1027 : i32 to vector<16xi32>
      %select_n3A_1029 = arith.select %gt3A_1026, %broadcast_in_dim3A_1028, %select_n3A_1020 : vector<16xi1>, vector<16xi32>
      %max3A_1030 = arith.maximumf %max3A_1021, %gather3A_1025 : vector<16xf32>
      %add3A_1031 = arith.constant 28 : i32
      %add3A_1032 = vector.broadcast %add3A_1031 : i32 to vector<16xi32>
      %add3A_1033 = arith.addi %mul3A_763, %add3A_1032 : vector<16xi32>
      %gather3A_1034 = tpu.vector_load_idx %arg5[%broadcast_in_dim3A_760, %add3A_1033] : memref<2x1470xf32, #tpu.memory_space<vmem>>[vector<16xi32>, vector<16xi32>], vector<16xf32>,
      %gt3A_1035 = arith.cmpf ogt, %gather3A_1034, %max3A_1030 : vector<16xf32>
      %jit3A_1036 = arith.constant 18 : i32
      %broadcast_in_dim3A_1037 = vector.broadcast %jit3A_1036 : i32 to vector<16xi32>
      %select_n3A_1038 = arith.select %gt3A_1035, %broadcast_in_dim3A_1037, %select_n3A_1029 : vector<16xi1>, vector<16xi32>
      %max3A_1039 = arith.maximumf %max3A_1030, %gather3A_1034 : vector<16xf32>
      %add3A_1040 = arith.constant 29 : i32
      %add3A_1041 = vector.broadcast %add3A_1040 : i32 to vector<16xi32>
      %add3A_1042 = arith.addi %mul3A_763, %add3A_1041 : vector<16xi32>
      %gather3A_1043 = tpu.vector_load_idx %arg5[%broadcast_in_dim3A_760, %add3A_1042] : memref<2x1470xf32, #tpu.memory_space<vmem>>[vector<16xi32>, vector<16xi32>], vector<16xf32>,
      %gt3A_1044 = arith.cmpf ogt, %gather3A_1043, %max3A_1039 : vector<16xf32>
      %jit3A_1045 = arith.constant 19 : i32
      %broadcast_in_dim3A_1046 = vector.broadcast %jit3A_1045 : i32 to vector<16xi32>
      %select_n3A_1047 = arith.select %gt3A_1044, %broadcast_in_dim3A_1046, %select_n3A_1038 : vector<16xi1>, vector<16xi32>
      %max3A_1048 = arith.maximumf %max3A_1039, %gather3A_1043 : vector<16xf32>
      %gt3A_1049 = arith.constant 5.000000e-01 : f32
      %gt3A_1050 = vector.broadcast %gt3A_1049 : f32 to vector<16xf32>
      %gt3A_1051 = arith.cmpf ogt, %max3A, %gt3A_1050 : vector<16xf32>
      %and3A_1052 = arith.andi %gt3A_1051, %lt3A_759 : vector<16xi1>
      %convert_element_type3A_1053 = arith.sitofp %select_n3A_1047 : vector<16xi32> to vector<16xf32>
      %mul3A_1054 = arith.constant 8.970000e+02 : f32
      %mul3A_1055 = vector.broadcast %mul3A_1054 : f32 to vector<16xf32>
      %mul3A_1056 = arith.mulf %convert_element_type3A_1053, %mul3A_1055 : vector<16xf32>
      %add3A_1057 = arith.addf %sub3A_861, %mul3A_1056 : vector<16xf32>
      %add3A_1058 = arith.addf %add3A_869, %mul3A_1056 : vector<16xf32>
      %add3A_1059 = arith.addf %sub3A_865, %mul3A_1056 : vector<16xf32>
      %add3A_1060 = arith.addf %add3A_873, %mul3A_1056 : vector<16xf32>
      %sub3A_1061 = arith.subf %add3A_1058, %add3A_1057 : vector<16xf32>
      %max3A_1062 = arith.constant 0.000000e+00 : f32
      %max3A_1063 = vector.broadcast %max3A_1062 : f32 to vector<16xf32>
      %max3A_1064 = arith.maximumf %sub3A_1061, %max3A_1063 : vector<16xf32>
      %sub3A_1065 = arith.subf %add3A_1060, %add3A_1059 : vector<16xf32>
      %max3A_1066 = arith.constant 0.000000e+00 : f32
      %max3A_1067 = vector.broadcast %max3A_1066 : f32 to vector<16xf32>
      %max3A_1068 = arith.maximumf %sub3A_1065, %max3A_1067 : vector<16xf32>
      %mul3A_1069 = arith.mulf %max3A_1064, %max3A_1068 : vector<16xf32>
      %mul3A_1070 = arith.constant 16 : i32
      %mul3A_1071 = arith.muli %scan3A_714, %mul3A_1070 : i32
      %swap3A_1072 = arith.index_cast %mul3A_1071 : i32 to index
      %swap3A_1073 = tpu.vector_load %arg6[%swap3A_1072] {strides = array<i32>} : memref<128xf32, #tpu.memory_space<vmem>>, vector<16xf32>,
      tpu.vector_store %arg6[%swap3A_1072], %sub3A_861 {strides = array<i32>} : memref<128xf32, #tpu.memory_space<vmem>>, vector<16xf32>,
      %swap3A_1074 = arith.index_cast %mul3A_1071 : i32 to index
      %swap3A_1075 = tpu.vector_load %arg7[%swap3A_1074] {strides = array<i32>} : memref<128xf32, #tpu.memory_space<vmem>>, vector<16xf32>,
      tpu.vector_store %arg7[%swap3A_1074], %sub3A_865 {strides = array<i32>} : memref<128xf32, #tpu.memory_space<vmem>>, vector<16xf32>,
      %swap3A_1076 = arith.index_cast %mul3A_1071 : i32 to index
      %swap3A_1077 = tpu.vector_load %arg8[%swap3A_1076] {strides = array<i32>} : memref<128xf32, #tpu.memory_space<vmem>>, vector<16xf32>,
      tpu.vector_store %arg8[%swap3A_1076], %add3A_869 {strides = array<i32>} : memref<128xf32, #tpu.memory_space<vmem>>, vector<16xf32>,
      %swap3A_1078 = arith.index_cast %mul3A_1071 : i32 to index
      %swap3A_1079 = tpu.vector_load %arg9[%swap3A_1078] {strides = array<i32>} : memref<128xf32, #tpu.memory_space<vmem>>, vector<16xf32>,
      tpu.vector_store %arg9[%swap3A_1078], %add3A_873 {strides = array<i32>} : memref<128xf32, #tpu.memory_space<vmem>>, vector<16xf32>,
      %swap3A_1080 = arith.index_cast %mul3A_1071 : i32 to index
      %swap3A_1081 = tpu.vector_load %arg10[%swap3A_1080] {strides = array<i32>} : memref<128xf32, #tpu.memory_space<vmem>>, vector<16xf32>,
      tpu.vector_store %arg10[%swap3A_1080], %max3A {strides = array<i32>} : memref<128xf32, #tpu.memory_space<vmem>>, vector<16xf32>,
      %swap3A_1082 = arith.index_cast %mul3A_1071 : i32 to index
      %swap3A_1083 = tpu.vector_load %arg11[%swap3A_1082] {strides = array<i32>} : memref<128xf32, #tpu.memory_space<vmem>>, vector<16xf32>,
      tpu.vector_store %arg11[%swap3A_1082], %max3A_1048 {strides = array<i32>} : memref<128xf32, #tpu.memory_space<vmem>>, vector<16xf32>,
      %jit3A_1084 = arith.constant 0xFF800000 : f32
      %broadcast_in_dim3A_1085 = vector.broadcast %jit3A_1084 : f32 to vector<16xf32>
      %select_n3A_1086 = arith.select %and3A_1052, %max3A, %broadcast_in_dim3A_1085 : vector<16xi1>, vector<16xf32>
      %swap3A_1087 = arith.index_cast %mul3A_1071 : i32 to index
      %swap3A_1088 = tpu.vector_load %arg12[%swap3A_1087] {strides = array<i32>} : memref<128xf32, #tpu.memory_space<vmem>>, vector<16xf32>,
      tpu.vector_store %arg12[%swap3A_1087], %select_n3A_1086 {strides = array<i32>} : memref<128xf32, #tpu.memory_space<vmem>>, vector<16xf32>,
      %swap3A_1089 = arith.index_cast %mul3A_1071 : i32 to index
      %swap3A_1090 = tpu.vector_load %arg13[%swap3A_1089] {strides = array<i32>} : memref<128xf32, #tpu.memory_space<vmem>>, vector<16xf32>,
      tpu.vector_store %arg13[%swap3A_1089], %add3A_1057 {strides = array<i32>} : memref<128xf32, #tpu.memory_space<vmem>>, vector<16xf32>,
      %swap3A_1091 = arith.index_cast %mul3A_1071 : i32 to index
      %swap3A_1092 = tpu.vector_load %arg14[%swap3A_1091] {strides = array<i32>} : memref<128xf32, #tpu.memory_space<vmem>>, vector<16xf32>,
      tpu.vector_store %arg14[%swap3A_1091], %add3A_1059 {strides = array<i32>} : memref<128xf32, #tpu.memory_space<vmem>>, vector<16xf32>,
      %swap3A_1093 = arith.index_cast %mul3A_1071 : i32 to index
      %swap3A_1094 = tpu.vector_load %arg15[%swap3A_1093] {strides = array<i32>} : memref<128xf32, #tpu.memory_space<vmem>>, vector<16xf32>,
      tpu.vector_store %arg15[%swap3A_1093], %add3A_1058 {strides = array<i32>} : memref<128xf32, #tpu.memory_space<vmem>>, vector<16xf32>,
      %swap3A_1095 = arith.index_cast %mul3A_1071 : i32 to index
      %swap3A_1096 = tpu.vector_load %arg16[%swap3A_1095] {strides = array<i32>} : memref<128xf32, #tpu.memory_space<vmem>>, vector<16xf32>,
      tpu.vector_store %arg16[%swap3A_1095], %add3A_1060 {strides = array<i32>} : memref<128xf32, #tpu.memory_space<vmem>>, vector<16xf32>,
      %swap3A_1097 = arith.index_cast %mul3A_1071 : i32 to index
      %swap3A_1098 = tpu.vector_load %arg17[%swap3A_1097] {strides = array<i32>} : memref<128xf32, #tpu.memory_space<vmem>>, vector<16xf32>,
      tpu.vector_store %arg17[%swap3A_1097], %mul3A_1069 {strides = array<i32>} : memref<128xf32, #tpu.memory_space<vmem>>, vector<16xf32>,
      %jit3A_1099 = arith.constant 4 : i32
      %eq3A_1100 = arith.constant 0 : i32
      %eq3A_1101 = arith.cmpi eq, %jit3A_1099, %eq3A_1100 : i32
      %jit3A_1102 = arith.constant 1 : i32
      %select_n3A_1103 = arith.select %eq3A_1101, %jit3A_1102, %jit3A_1099 : i32
      %rem3A_1104 = arith.remsi %scan3A_714, %select_n3A_1103 : i32
      %ne3A_1105 = arith.constant 0 : i32
      %ne3A_1106 = arith.cmpi ne, %rem3A_1104, %ne3A_1105 : i32
      %lt3A_1107 = arith.constant 0 : i32
      %lt3A_1108 = arith.cmpi slt, %rem3A_1104, %lt3A_1107 : i32
      %lt3A_1109 = arith.constant 0 : i32
      %lt3A_1110 = arith.cmpi slt, %select_n3A_1103, %lt3A_1109 : i32
      %ne3A_1111 = arith.xori %lt3A_1108, %lt3A_1110 : i1
      %and3A_1112 = arith.andi %ne3A_1111, %ne3A_1106 : i1
      %add3A_1113 = arith.addi %rem3A_1104, %select_n3A_1103 : i32
      %select_n3A_1114 = arith.select %and3A_1112, %add3A_1113, %rem3A_1104 : i32
      %mul3A_1115 = arith.constant 16 : i32
      %mul3A_1116 = arith.muli %select_n3A_1114, %mul3A_1115 : i32
      %swap3A_1117 = arith.index_cast %select_n3A_734 : i32 to index
      %swap3A_1118 = arith.index_cast %mul3A_1116 : i32 to index
      %swap3A_1119 = tpu.vector_load %arg18[%swap3A_1117, %swap3A_1118] {strides = array<i32>} : memref<2x128xi32, #tpu.memory_space<vmem>>, vector<16xi32>,
      tpu.vector_store %arg18[%swap3A_1117, %swap3A_1118], %select_n3A_1047 {strides = array<i32>} : memref<2x128xi32, #tpu.memory_space<vmem>>, vector<16xi32>,
      %scan3A_1120 = arith.constant 0 : i32
      scf.yield %scan3A_1120 : i32
    }
    %scan3A_15 = arith.constant 8 : i32
    %get3A = arith.constant 0 : index
    %get3A_16 = tpu.vector_load %arg12[%get3A] {strides = array<i32>} : memref<128xf32, #tpu.memory_space<vmem>>, vector<16xf32>,
    %get3A_17 = arith.constant 16 : index
    %get3A_18 = tpu.vector_load %arg12[%get3A_17] {strides = array<i32>} : memref<128xf32, #tpu.memory_space<vmem>>, vector<16xf32>,
    %get3A_19 = arith.constant 32 : index
    %get3A_20 = tpu.vector_load %arg12[%get3A_19] {strides = array<i32>} : memref<128xf32, #tpu.memory_space<vmem>>, vector<16xf32>,
    %get3A_21 = arith.constant 48 : index
    %get3A_22 = tpu.vector_load %arg12[%get3A_21] {strides = array<i32>} : memref<128xf32, #tpu.memory_space<vmem>>, vector<16xf32>,
    %get3A_23 = arith.constant 64 : index
    %get3A_24 = tpu.vector_load %arg12[%get3A_23] {strides = array<i32>} : memref<128xf32, #tpu.memory_space<vmem>>, vector<16xf32>,
    %get3A_25 = arith.constant 80 : index
    %get3A_26 = tpu.vector_load %arg12[%get3A_25] {strides = array<i32>} : memref<128xf32, #tpu.memory_space<vmem>>, vector<16xf32>,
    %get3A_27 = arith.constant 96 : index
    %get3A_28 = tpu.vector_load %arg12[%get3A_27] {strides = array<i32>} : memref<128xf32, #tpu.memory_space<vmem>>, vector<16xf32>,
    %get3A_29 = arith.constant 112 : index
    %get3A_30 = tpu.vector_load %arg12[%get3A_29] {strides = array<i32>} : memref<128xf32, #tpu.memory_space<vmem>>, vector<16xf32>,
    %while3A = arith.constant true
    %while3A_31:17 = scf.while (%while3A_714 = %get3A_16, %while3A_715 = %get3A_18, %while3A_716 = %get3A_20, %while3A_717 = %get3A_22, %while3A_718 = %get3A_24, %while3A_719 = %get3A_26, %while3A_720 = %get3A_28, %while3A_721 = %get3A_30, %while3A_722 = %broadcast_in_dim3A_3, %while3A_723 = %broadcast_in_dim3A_3, %while3A_724 = %broadcast_in_dim3A_3, %while3A_725 = %broadcast_in_dim3A_3, %while3A_726 = %broadcast_in_dim3A_3, %while3A_727 = %broadcast_in_dim3A_3, %while3A_728 = %broadcast_in_dim3A_3, %while3A_729 = %broadcast_in_dim3A_3, %while3A_730 = %while3A) : (vector<16xf32>, vector<16xf32>, vector<16xf32>, vector<16xf32>, vector<16xf32>, vector<16xf32>, vector<16xf32>, vector<16xf32>, vector<16xi32>, vector<16xi32>, vector<16xi32>, vector<16xi32>, vector<16xi32>, vector<16xi32>, vector<16xi32>, vector<16xi32>, i1) -> (vector<16xf32>, vector<16xf32>, vector<16xf32>, vector<16xf32>, vector<16xf32>, vector<16xf32>, vector<16xf32>, vector<16xf32>, vector<16xi32>, vector<16xi32>, vector<16xi32>, vector<16xi32>, vector<16xi32>, vector<16xi32>, vector<16xi32>, vector<16xi32>, i1) {
      scf.condition(%while3A_730) %while3A_714, %while3A_715, %while3A_716, %while3A_717, %while3A_718, %while3A_719, %while3A_720, %while3A_721, %while3A_722, %while3A_723, %while3A_724, %while3A_725, %while3A_726, %while3A_727, %while3A_728, %while3A_729, %while3A_730 : vector<16xf32>, vector<16xf32>, vector<16xf32>, vector<16xf32>, vector<16xf32>, vector<16xf32>, vector<16xf32>, vector<16xf32>, vector<16xi32>, vector<16xi32>, vector<16xi32>, vector<16xi32>, vector<16xi32>, vector<16xi32>, vector<16xi32>, vector<16xi32>, i1
    } do {
    ^bb0(%while3A_714: vector<16xf32>, %while3A_715: vector<16xf32>, %while3A_716: vector<16xf32>, %while3A_717: vector<16xf32>, %while3A_718: vector<16xf32>, %while3A_719: vector<16xf32>, %while3A_720: vector<16xf32>, %while3A_721: vector<16xf32>, %while3A_722: vector<16xi32>, %while3A_723: vector<16xi32>, %while3A_724: vector<16xi32>, %while3A_725: vector<16xi32>, %while3A_726: vector<16xi32>, %while3A_727: vector<16xi32>, %while3A_728: vector<16xi32>, %while3A_729: vector<16xi32>, %while3A_730: i1):
      %max3A = arith.maximumf %while3A_714, %while3A_715 : vector<16xf32>
      %max3A_731 = arith.maximumf %while3A_716, %while3A_717 : vector<16xf32>
      %max3A_732 = arith.maximumf %max3A, %max3A_731 : vector<16xf32>
      %reduce_max3A = arith.constant true
      %reduce_max3A_733 = vector.broadcast %reduce_max3A : i1 to vector<16xi1>
      %reduce_max3A_734 = tpu.scan <max>, %max3A_732 masked %reduce_max3A_733 : vector<16xf32>, vector<16xi1> -> vector<16xf32>
      %reduce_max3A_735 = vector.extract %reduce_max3A_734[15] : f32 from vector<16xf32>
      %eq3A = vector.broadcast %reduce_max3A_735 : f32 to vector<16xf32>
      %eq3A_736 = arith.cmpf oeq, %while3A_714, %eq3A : vector<16xf32>
      %all_reduce_ffs3A = tpu.all_reduce %eq3A_736 {dim = 0 : i64, kind = #tpu.reduction_kind<find_first_set>} : vector<16xi1> -> vector<16xi32>
      %add3A_737 = arith.constant 0 : i32
      %add3A_738 = vector.broadcast %add3A_737 : i32 to vector<16xi32>
      %add3A_739 = arith.addi %all_reduce_ffs3A, %add3A_738 : vector<16xi32>
      %eq3A_740 = vector.broadcast %reduce_max3A_735 : f32 to vector<16xf32>
      %eq3A_741 = arith.cmpf oeq, %while3A_715, %eq3A_740 : vector<16xf32>
      %all_reduce_ffs3A_742 = tpu.all_reduce %eq3A_741 {dim = 0 : i64, kind = #tpu.reduction_kind<find_first_set>} : vector<16xi1> -> vector<16xi32>
      %add3A_743 = arith.constant 16 : i32
      %add3A_744 = vector.broadcast %add3A_743 : i32 to vector<16xi32>
      %add3A_745 = arith.addi %all_reduce_ffs3A_742, %add3A_744 : vector<16xi32>
      %eq3A_746 = vector.broadcast %reduce_max3A_735 : f32 to vector<16xf32>
      %eq3A_747 = arith.cmpf oeq, %while3A_716, %eq3A_746 : vector<16xf32>
      %all_reduce_ffs3A_748 = tpu.all_reduce %eq3A_747 {dim = 0 : i64, kind = #tpu.reduction_kind<find_first_set>} : vector<16xi1> -> vector<16xi32>
      %add3A_749 = arith.constant 32 : i32
      %add3A_750 = vector.broadcast %add3A_749 : i32 to vector<16xi32>
      %add3A_751 = arith.addi %all_reduce_ffs3A_748, %add3A_750 : vector<16xi32>
      %eq3A_752 = vector.broadcast %reduce_max3A_735 : f32 to vector<16xf32>
      %eq3A_753 = arith.cmpf oeq, %while3A_717, %eq3A_752 : vector<16xf32>
      %all_reduce_ffs3A_754 = tpu.all_reduce %eq3A_753 {dim = 0 : i64, kind = #tpu.reduction_kind<find_first_set>} : vector<16xi1> -> vector<16xi32>
      %add3A_755 = arith.constant 48 : i32
      %add3A_756 = vector.broadcast %add3A_755 : i32 to vector<16xi32>
      %add3A_757 = arith.addi %all_reduce_ffs3A_754, %add3A_756 : vector<16xi32>
      %ge3A = arith.constant 16 : i32
      %ge3A_758 = vector.broadcast %ge3A : i32 to vector<16xi32>
      %ge3A_759 = arith.cmpi sge, %add3A_739, %ge3A_758 : vector<16xi32>
      %jit3A_760 = arith.constant 999 : i32
      %broadcast_in_dim3A_761 = vector.broadcast %jit3A_760 : i32 to vector<16xi32>
      %select_n3A_762 = arith.select %ge3A_759, %broadcast_in_dim3A_761, %add3A_739 : vector<16xi1>, vector<16xi32>
      %ge3A_763 = arith.constant 32 : i32
      %ge3A_764 = vector.broadcast %ge3A_763 : i32 to vector<16xi32>
      %ge3A_765 = arith.cmpi sge, %add3A_745, %ge3A_764 : vector<16xi32>
      %jit3A_766 = arith.constant 999 : i32
      %broadcast_in_dim3A_767 = vector.broadcast %jit3A_766 : i32 to vector<16xi32>
      %select_n3A_768 = arith.select %ge3A_765, %broadcast_in_dim3A_767, %add3A_745 : vector<16xi1>, vector<16xi32>
      %ge3A_769 = arith.constant 48 : i32
      %ge3A_770 = vector.broadcast %ge3A_769 : i32 to vector<16xi32>
      %ge3A_771 = arith.cmpi sge, %add3A_751, %ge3A_770 : vector<16xi32>
      %jit3A_772 = arith.constant 999 : i32
      %broadcast_in_dim3A_773 = vector.broadcast %jit3A_772 : i32 to vector<16xi32>
      %select_n3A_774 = arith.select %ge3A_771, %broadcast_in_dim3A_773, %add3A_751 : vector<16xi1>, vector<16xi32>
      %ge3A_775 = arith.constant 64 : i32
      %ge3A_776 = vector.broadcast %ge3A_775 : i32 to vector<16xi32>
      %ge3A_777 = arith.cmpi sge, %add3A_757, %ge3A_776 : vector<16xi32>
      %jit3A_778 = arith.constant 999 : i32
      %broadcast_in_dim3A_779 = vector.broadcast %jit3A_778 : i32 to vector<16xi32>
      %select_n3A_780 = arith.select %ge3A_777, %broadcast_in_dim3A_779, %add3A_757 : vector<16xi1>, vector<16xi32>
      %min3A_781 = arith.minsi %select_n3A_762, %select_n3A_768 : vector<16xi32>
      %min3A_782 = arith.minsi %select_n3A_774, %select_n3A_780 : vector<16xi32>
      %min3A_783 = arith.minsi %min3A_781, %min3A_782 : vector<16xi32>
      %ne3A_784 = arith.constant 0xFF800000 : f32
      %ne3A_785 = arith.cmpf one, %reduce_max3A_735, %ne3A_784 : f32
      %add3A_786 = arith.constant 0 : i32
      %add3A_787 = vector.broadcast %add3A_786 : i32 to vector<16xi32>
      %add3A_788 = arith.addi %min3A_783, %add3A_787 : vector<16xi32>
      %gather3A = tpu.vector_load_idx %arg13[%add3A_788] : memref<128xf32, #tpu.memory_space<vmem>>[vector<16xi32>], vector<16xf32>,
      %gather3A_789 = tpu.vector_load_idx %arg14[%add3A_788] : memref<128xf32, #tpu.memory_space<vmem>>[vector<16xi32>], vector<16xf32>,
      %gather3A_790 = tpu.vector_load_idx %arg15[%add3A_788] : memref<128xf32, #tpu.memory_space<vmem>>[vector<16xi32>], vector<16xf32>,
      %gather3A_791 = tpu.vector_load_idx %arg16[%add3A_788] : memref<128xf32, #tpu.memory_space<vmem>>[vector<16xi32>], vector<16xf32>,
      %gather3A_792 = tpu.vector_load_idx %arg17[%add3A_788] : memref<128xf32, #tpu.memory_space<vmem>>[vector<16xi32>], vector<16xf32>,
      %add3A_793 = arith.constant 0 : i32
      %add3A_794 = vector.broadcast %add3A_793 : i32 to vector<16xi32>
      %add3A_795 = arith.addi %iota3A, %add3A_794 : vector<16xi32>
      %ne3A_796 = arith.constant 0xFF800000 : f32
      %ne3A_797 = vector.broadcast %ne3A_796 : f32 to vector<16xf32>
      %ne3A_798 = arith.cmpf one, %while3A_714, %ne3A_797 : vector<16xf32>
      %get3A_799 = arith.constant 0 : index
      %get3A_800 = tpu.vector_load %arg13[%get3A_799] {strides = array<i32>} : memref<128xf32, #tpu.memory_space<vmem>>, vector<16xf32>,
      %max3A_801 = arith.maximumf %get3A_800, %gather3A : vector<16xf32>
      %get3A_802 = arith.constant 0 : index
      %get3A_803 = tpu.vector_load %arg14[%get3A_802] {strides = array<i32>} : memref<128xf32, #tpu.memory_space<vmem>>, vector<16xf32>,
      %max3A_804 = arith.maximumf %get3A_803, %gather3A_789 : vector<16xf32>
      %get3A_805 = arith.constant 0 : index
      %get3A_806 = tpu.vector_load %arg15[%get3A_805] {strides = array<i32>} : memref<128xf32, #tpu.memory_space<vmem>>, vector<16xf32>,
      %min3A_807 = arith.minimumf %get3A_806, %gather3A_790 : vector<16xf32>
      %get3A_808 = arith.constant 0 : index
      %get3A_809 = tpu.vector_load %arg16[%get3A_808] {strides = array<i32>} : memref<128xf32, #tpu.memory_space<vmem>>, vector<16xf32>,
      %min3A_810 = arith.minimumf %get3A_809, %gather3A_791 : vector<16xf32>
      %sub3A = arith.subf %min3A_807, %max3A_801 : vector<16xf32>
      %max3A_811 = arith.constant 0.000000e+00 : f32
      %max3A_812 = vector.broadcast %max3A_811 : f32 to vector<16xf32>
      %max3A_813 = arith.maximumf %sub3A, %max3A_812 : vector<16xf32>
      %sub3A_814 = arith.subf %min3A_810, %max3A_804 : vector<16xf32>
      %max3A_815 = arith.constant 0.000000e+00 : f32
      %max3A_816 = vector.broadcast %max3A_815 : f32 to vector<16xf32>
      %max3A_817 = arith.maximumf %sub3A_814, %max3A_816 : vector<16xf32>
      %mul3A_818 = arith.mulf %max3A_813, %max3A_817 : vector<16xf32>
      %get3A_819 = arith.constant 0 : index
      %get3A_820 = tpu.vector_load %arg17[%get3A_819] {strides = array<i32>} : memref<128xf32, #tpu.memory_space<vmem>>, vector<16xf32>,
      %add3A_821 = arith.addf %get3A_820, %gather3A_792 : vector<16xf32>
      %sub3A_822 = arith.subf %add3A_821, %mul3A_818 : vector<16xf32>
      %max3A_823 = arith.constant 9.99999971E-10 : f32
      %max3A_824 = vector.broadcast %max3A_823 : f32 to vector<16xf32>
      %max3A_825 = arith.maximumf %sub3A_822, %max3A_824 : vector<16xf32>
      %div3A = arith.divf %mul3A_818, %max3A_825 : vector<16xf32>
      %gt3A = arith.constant 0.699999988 : f32
      %gt3A_826 = vector.broadcast %gt3A : f32 to vector<16xf32>
      %gt3A_827 = arith.cmpf ogt, %div3A, %gt3A_826 : vector<16xf32>
      %and3A = arith.andi %gt3A_827, %ne3A_798 : vector<16xi1>
      %eq3A_828 = arith.cmpi eq, %add3A_795, %min3A_783 : vector<16xi32>
      %or3A = arith.ori %and3A, %eq3A_828 : vector<16xi1>
      %jit3A_829 = arith.constant 0xFF800000 : f32
      %broadcast_in_dim3A_830 = vector.broadcast %jit3A_829 : f32 to vector<16xf32>
      %select_n3A_831 = arith.select %or3A, %broadcast_in_dim3A_830, %while3A_714 : vector<16xi1>, vector<16xf32>
      %eq3A_832 = arith.cmpi eq, %add3A_795, %min3A_783 : vector<16xi32>
      %and3A_833 = vector.broadcast %ne3A_785 : i1 to vector<16xi1>
      %and3A_834 = arith.andi %eq3A_832, %and3A_833 : vector<16xi1>
      %jit3A_835 = arith.constant 1 : i32
      %broadcast_in_dim3A_836 = vector.broadcast %jit3A_835 : i32 to vector<16xi32>
      %select_n3A_837 = arith.select %and3A_834, %broadcast_in_dim3A_836, %while3A_722 : vector<16xi1>, vector<16xi32>
      %add3A_838 = arith.constant 16 : i32
      %add3A_839 = vector.broadcast %add3A_838 : i32 to vector<16xi32>
      %add3A_840 = arith.addi %iota3A, %add3A_839 : vector<16xi32>
      %ne3A_841 = arith.constant 0xFF800000 : f32
      %ne3A_842 = vector.broadcast %ne3A_841 : f32 to vector<16xf32>
      %ne3A_843 = arith.cmpf one, %while3A_715, %ne3A_842 : vector<16xf32>
      %get3A_844 = arith.constant 16 : index
      %get3A_845 = tpu.vector_load %arg13[%get3A_844] {strides = array<i32>} : memref<128xf32, #tpu.memory_space<vmem>>, vector<16xf32>,
      %max3A_846 = arith.maximumf %get3A_845, %gather3A : vector<16xf32>
      %get3A_847 = arith.constant 16 : index
      %get3A_848 = tpu.vector_load %arg14[%get3A_847] {strides = array<i32>} : memref<128xf32, #tpu.memory_space<vmem>>, vector<16xf32>,
      %max3A_849 = arith.maximumf %get3A_848, %gather3A_789 : vector<16xf32>
      %get3A_850 = arith.constant 16 : index
      %get3A_851 = tpu.vector_load %arg15[%get3A_850] {strides = array<i32>} : memref<128xf32, #tpu.memory_space<vmem>>, vector<16xf32>,
      %min3A_852 = arith.minimumf %get3A_851, %gather3A_790 : vector<16xf32>
      %get3A_853 = arith.constant 16 : index
      %get3A_854 = tpu.vector_load %arg16[%get3A_853] {strides = array<i32>} : memref<128xf32, #tpu.memory_space<vmem>>, vector<16xf32>,
      %min3A_855 = arith.minimumf %get3A_854, %gather3A_791 : vector<16xf32>
      %sub3A_856 = arith.subf %min3A_852, %max3A_846 : vector<16xf32>
      %max3A_857 = arith.constant 0.000000e+00 : f32
      %max3A_858 = vector.broadcast %max3A_857 : f32 to vector<16xf32>
      %max3A_859 = arith.maximumf %sub3A_856, %max3A_858 : vector<16xf32>
      %sub3A_860 = arith.subf %min3A_855, %max3A_849 : vector<16xf32>
      %max3A_861 = arith.constant 0.000000e+00 : f32
      %max3A_862 = vector.broadcast %max3A_861 : f32 to vector<16xf32>
      %max3A_863 = arith.maximumf %sub3A_860, %max3A_862 : vector<16xf32>
      %mul3A_864 = arith.mulf %max3A_859, %max3A_863 : vector<16xf32>
      %get3A_865 = arith.constant 16 : index
      %get3A_866 = tpu.vector_load %arg17[%get3A_865] {strides = array<i32>} : memref<128xf32, #tpu.memory_space<vmem>>, vector<16xf32>,
      %add3A_867 = arith.addf %get3A_866, %gather3A_792 : vector<16xf32>
      %sub3A_868 = arith.subf %add3A_867, %mul3A_864 : vector<16xf32>
      %max3A_869 = arith.constant 9.99999971E-10 : f32
      %max3A_870 = vector.broadcast %max3A_869 : f32 to vector<16xf32>
      %max3A_871 = arith.maximumf %sub3A_868, %max3A_870 : vector<16xf32>
      %div3A_872 = arith.divf %mul3A_864, %max3A_871 : vector<16xf32>
      %gt3A_873 = arith.constant 0.699999988 : f32
      %gt3A_874 = vector.broadcast %gt3A_873 : f32 to vector<16xf32>
      %gt3A_875 = arith.cmpf ogt, %div3A_872, %gt3A_874 : vector<16xf32>
      %and3A_876 = arith.andi %gt3A_875, %ne3A_843 : vector<16xi1>
      %eq3A_877 = arith.cmpi eq, %add3A_840, %min3A_783 : vector<16xi32>
      %or3A_878 = arith.ori %and3A_876, %eq3A_877 : vector<16xi1>
      %jit3A_879 = arith.constant 0xFF800000 : f32
      %broadcast_in_dim3A_880 = vector.broadcast %jit3A_879 : f32 to vector<16xf32>
      %select_n3A_881 = arith.select %or3A_878, %broadcast_in_dim3A_880, %while3A_715 : vector<16xi1>, vector<16xf32>
      %eq3A_882 = arith.cmpi eq, %add3A_840, %min3A_783 : vector<16xi32>
      %and3A_883 = vector.broadcast %ne3A_785 : i1 to vector<16xi1>
      %and3A_884 = arith.andi %eq3A_882, %and3A_883 : vector<16xi1>
      %jit3A_885 = arith.constant 1 : i32
      %broadcast_in_dim3A_886 = vector.broadcast %jit3A_885 : i32 to vector<16xi32>
      %select_n3A_887 = arith.select %and3A_884, %broadcast_in_dim3A_886, %while3A_723 : vector<16xi1>, vector<16xi32>
      %add3A_888 = arith.constant 32 : i32
      %add3A_889 = vector.broadcast %add3A_888 : i32 to vector<16xi32>
      %add3A_890 = arith.addi %iota3A, %add3A_889 : vector<16xi32>
      %ne3A_891 = arith.constant 0xFF800000 : f32
      %ne3A_892 = vector.broadcast %ne3A_891 : f32 to vector<16xf32>
      %ne3A_893 = arith.cmpf one, %while3A_716, %ne3A_892 : vector<16xf32>
      %get3A_894 = arith.constant 32 : index
      %get3A_895 = tpu.vector_load %arg13[%get3A_894] {strides = array<i32>} : memref<128xf32, #tpu.memory_space<vmem>>, vector<16xf32>,
      %max3A_896 = arith.maximumf %get3A_895, %gather3A : vector<16xf32>
      %get3A_897 = arith.constant 32 : index
      %get3A_898 = tpu.vector_load %arg14[%get3A_897] {strides = array<i32>} : memref<128xf32, #tpu.memory_space<vmem>>, vector<16xf32>,
      %max3A_899 = arith.maximumf %get3A_898, %gather3A_789 : vector<16xf32>
      %get3A_900 = arith.constant 32 : index
      %get3A_901 = tpu.vector_load %arg15[%get3A_900] {strides = array<i32>} : memref<128xf32, #tpu.memory_space<vmem>>, vector<16xf32>,
      %min3A_902 = arith.minimumf %get3A_901, %gather3A_790 : vector<16xf32>
      %get3A_903 = arith.constant 32 : index
      %get3A_904 = tpu.vector_load %arg16[%get3A_903] {strides = array<i32>} : memref<128xf32, #tpu.memory_space<vmem>>, vector<16xf32>,
      %min3A_905 = arith.minimumf %get3A_904, %gather3A_791 : vector<16xf32>
      %sub3A_906 = arith.subf %min3A_902, %max3A_896 : vector<16xf32>
      %max3A_907 = arith.constant 0.000000e+00 : f32
      %max3A_908 = vector.broadcast %max3A_907 : f32 to vector<16xf32>
      %max3A_909 = arith.maximumf %sub3A_906, %max3A_908 : vector<16xf32>
      %sub3A_910 = arith.subf %min3A_905, %max3A_899 : vector<16xf32>
      %max3A_911 = arith.constant 0.000000e+00 : f32
      %max3A_912 = vector.broadcast %max3A_911 : f32 to vector<16xf32>
      %max3A_913 = arith.maximumf %sub3A_910, %max3A_912 : vector<16xf32>
      %mul3A_914 = arith.mulf %max3A_909, %max3A_913 : vector<16xf32>
      %get3A_915 = arith.constant 32 : index
      %get3A_916 = tpu.vector_load %arg17[%get3A_915] {strides = array<i32>} : memref<128xf32, #tpu.memory_space<vmem>>, vector<16xf32>,
      %add3A_917 = arith.addf %get3A_916, %gather3A_792 : vector<16xf32>
      %sub3A_918 = arith.subf %add3A_917, %mul3A_914 : vector<16xf32>
      %max3A_919 = arith.constant 9.99999971E-10 : f32
      %max3A_920 = vector.broadcast %max3A_919 : f32 to vector<16xf32>
      %max3A_921 = arith.maximumf %sub3A_918, %max3A_920 : vector<16xf32>
      %div3A_922 = arith.divf %mul3A_914, %max3A_921 : vector<16xf32>
      %gt3A_923 = arith.constant 0.699999988 : f32
      %gt3A_924 = vector.broadcast %gt3A_923 : f32 to vector<16xf32>
      %gt3A_925 = arith.cmpf ogt, %div3A_922, %gt3A_924 : vector<16xf32>
      %and3A_926 = arith.andi %gt3A_925, %ne3A_893 : vector<16xi1>
      %eq3A_927 = arith.cmpi eq, %add3A_890, %min3A_783 : vector<16xi32>
      %or3A_928 = arith.ori %and3A_926, %eq3A_927 : vector<16xi1>
      %jit3A_929 = arith.constant 0xFF800000 : f32
      %broadcast_in_dim3A_930 = vector.broadcast %jit3A_929 : f32 to vector<16xf32>
      %select_n3A_931 = arith.select %or3A_928, %broadcast_in_dim3A_930, %while3A_716 : vector<16xi1>, vector<16xf32>
      %eq3A_932 = arith.cmpi eq, %add3A_890, %min3A_783 : vector<16xi32>
      %and3A_933 = vector.broadcast %ne3A_785 : i1 to vector<16xi1>
      %and3A_934 = arith.andi %eq3A_932, %and3A_933 : vector<16xi1>
      %jit3A_935 = arith.constant 1 : i32
      %broadcast_in_dim3A_936 = vector.broadcast %jit3A_935 : i32 to vector<16xi32>
      %select_n3A_937 = arith.select %and3A_934, %broadcast_in_dim3A_936, %while3A_724 : vector<16xi1>, vector<16xi32>
      %add3A_938 = arith.constant 48 : i32
      %add3A_939 = vector.broadcast %add3A_938 : i32 to vector<16xi32>
      %add3A_940 = arith.addi %iota3A, %add3A_939 : vector<16xi32>
      %ne3A_941 = arith.constant 0xFF800000 : f32
      %ne3A_942 = vector.broadcast %ne3A_941 : f32 to vector<16xf32>
      %ne3A_943 = arith.cmpf one, %while3A_717, %ne3A_942 : vector<16xf32>
      %get3A_944 = arith.constant 48 : index
      %get3A_945 = tpu.vector_load %arg13[%get3A_944] {strides = array<i32>} : memref<128xf32, #tpu.memory_space<vmem>>, vector<16xf32>,
      %max3A_946 = arith.maximumf %get3A_945, %gather3A : vector<16xf32>
      %get3A_947 = arith.constant 48 : index
      %get3A_948 = tpu.vector_load %arg14[%get3A_947] {strides = array<i32>} : memref<128xf32, #tpu.memory_space<vmem>>, vector<16xf32>,
      %max3A_949 = arith.maximumf %get3A_948, %gather3A_789 : vector<16xf32>
      %get3A_950 = arith.constant 48 : index
      %get3A_951 = tpu.vector_load %arg15[%get3A_950] {strides = array<i32>} : memref<128xf32, #tpu.memory_space<vmem>>, vector<16xf32>,
      %min3A_952 = arith.minimumf %get3A_951, %gather3A_790 : vector<16xf32>
      %get3A_953 = arith.constant 48 : index
      %get3A_954 = tpu.vector_load %arg16[%get3A_953] {strides = array<i32>} : memref<128xf32, #tpu.memory_space<vmem>>, vector<16xf32>,
      %min3A_955 = arith.minimumf %get3A_954, %gather3A_791 : vector<16xf32>
      %sub3A_956 = arith.subf %min3A_952, %max3A_946 : vector<16xf32>
      %max3A_957 = arith.constant 0.000000e+00 : f32
      %max3A_958 = vector.broadcast %max3A_957 : f32 to vector<16xf32>
      %max3A_959 = arith.maximumf %sub3A_956, %max3A_958 : vector<16xf32>
      %sub3A_960 = arith.subf %min3A_955, %max3A_949 : vector<16xf32>
      %max3A_961 = arith.constant 0.000000e+00 : f32
      %max3A_962 = vector.broadcast %max3A_961 : f32 to vector<16xf32>
      %max3A_963 = arith.maximumf %sub3A_960, %max3A_962 : vector<16xf32>
      %mul3A_964 = arith.mulf %max3A_959, %max3A_963 : vector<16xf32>
      %get3A_965 = arith.constant 48 : index
      %get3A_966 = tpu.vector_load %arg17[%get3A_965] {strides = array<i32>} : memref<128xf32, #tpu.memory_space<vmem>>, vector<16xf32>,
      %add3A_967 = arith.addf %get3A_966, %gather3A_792 : vector<16xf32>
      %sub3A_968 = arith.subf %add3A_967, %mul3A_964 : vector<16xf32>
      %max3A_969 = arith.constant 9.99999971E-10 : f32
      %max3A_970 = vector.broadcast %max3A_969 : f32 to vector<16xf32>
      %max3A_971 = arith.maximumf %sub3A_968, %max3A_970 : vector<16xf32>
      %div3A_972 = arith.divf %mul3A_964, %max3A_971 : vector<16xf32>
      %gt3A_973 = arith.constant 0.699999988 : f32
      %gt3A_974 = vector.broadcast %gt3A_973 : f32 to vector<16xf32>
      %gt3A_975 = arith.cmpf ogt, %div3A_972, %gt3A_974 : vector<16xf32>
      %and3A_976 = arith.andi %gt3A_975, %ne3A_943 : vector<16xi1>
      %eq3A_977 = arith.cmpi eq, %add3A_940, %min3A_783 : vector<16xi32>
      %or3A_978 = arith.ori %and3A_976, %eq3A_977 : vector<16xi1>
      %jit3A_979 = arith.constant 0xFF800000 : f32
      %broadcast_in_dim3A_980 = vector.broadcast %jit3A_979 : f32 to vector<16xf32>
      %select_n3A_981 = arith.select %or3A_978, %broadcast_in_dim3A_980, %while3A_717 : vector<16xi1>, vector<16xf32>
      %eq3A_982 = arith.cmpi eq, %add3A_940, %min3A_783 : vector<16xi32>
      %and3A_983 = vector.broadcast %ne3A_785 : i1 to vector<16xi1>
      %and3A_984 = arith.andi %eq3A_982, %and3A_983 : vector<16xi1>
      %jit3A_985 = arith.constant 1 : i32
      %broadcast_in_dim3A_986 = vector.broadcast %jit3A_985 : i32 to vector<16xi32>
      %select_n3A_987 = arith.select %and3A_984, %broadcast_in_dim3A_986, %while3A_725 : vector<16xi1>, vector<16xi32>
      %max3A_988 = arith.maximumf %while3A_718, %while3A_719 : vector<16xf32>
      %max3A_989 = arith.maximumf %while3A_720, %while3A_721 : vector<16xf32>
      %max3A_990 = arith.maximumf %max3A_988, %max3A_989 : vector<16xf32>
      %reduce_max3A_991 = arith.constant true
      %reduce_max3A_992 = vector.broadcast %reduce_max3A_991 : i1 to vector<16xi1>
      %reduce_max3A_993 = tpu.scan <max>, %max3A_990 masked %reduce_max3A_992 : vector<16xf32>, vector<16xi1> -> vector<16xf32>
      %reduce_max3A_994 = vector.extract %reduce_max3A_993[15] : f32 from vector<16xf32>
      %eq3A_995 = vector.broadcast %reduce_max3A_994 : f32 to vector<16xf32>
      %eq3A_996 = arith.cmpf oeq, %while3A_718, %eq3A_995 : vector<16xf32>
      %all_reduce_ffs3A_997 = tpu.all_reduce %eq3A_996 {dim = 0 : i64, kind = #tpu.reduction_kind<find_first_set>} : vector<16xi1> -> vector<16xi32>
      %add3A_998 = arith.constant 0 : i32
      %add3A_999 = vector.broadcast %add3A_998 : i32 to vector<16xi32>
      %add3A_1000 = arith.addi %all_reduce_ffs3A_997, %add3A_999 : vector<16xi32>
      %eq3A_1001 = vector.broadcast %reduce_max3A_994 : f32 to vector<16xf32>
      %eq3A_1002 = arith.cmpf oeq, %while3A_719, %eq3A_1001 : vector<16xf32>
      %all_reduce_ffs3A_1003 = tpu.all_reduce %eq3A_1002 {dim = 0 : i64, kind = #tpu.reduction_kind<find_first_set>} : vector<16xi1> -> vector<16xi32>
      %add3A_1004 = arith.constant 16 : i32
      %add3A_1005 = vector.broadcast %add3A_1004 : i32 to vector<16xi32>
      %add3A_1006 = arith.addi %all_reduce_ffs3A_1003, %add3A_1005 : vector<16xi32>
      %eq3A_1007 = vector.broadcast %reduce_max3A_994 : f32 to vector<16xf32>
      %eq3A_1008 = arith.cmpf oeq, %while3A_720, %eq3A_1007 : vector<16xf32>
      %all_reduce_ffs3A_1009 = tpu.all_reduce %eq3A_1008 {dim = 0 : i64, kind = #tpu.reduction_kind<find_first_set>} : vector<16xi1> -> vector<16xi32>
      %add3A_1010 = arith.constant 32 : i32
      %add3A_1011 = vector.broadcast %add3A_1010 : i32 to vector<16xi32>
      %add3A_1012 = arith.addi %all_reduce_ffs3A_1009, %add3A_1011 : vector<16xi32>
      %eq3A_1013 = vector.broadcast %reduce_max3A_994 : f32 to vector<16xf32>
      %eq3A_1014 = arith.cmpf oeq, %while3A_721, %eq3A_1013 : vector<16xf32>
      %all_reduce_ffs3A_1015 = tpu.all_reduce %eq3A_1014 {dim = 0 : i64, kind = #tpu.reduction_kind<find_first_set>} : vector<16xi1> -> vector<16xi32>
      %add3A_1016 = arith.constant 48 : i32
      %add3A_1017 = vector.broadcast %add3A_1016 : i32 to vector<16xi32>
      %add3A_1018 = arith.addi %all_reduce_ffs3A_1015, %add3A_1017 : vector<16xi32>
      %ge3A_1019 = arith.constant 16 : i32
      %ge3A_1020 = vector.broadcast %ge3A_1019 : i32 to vector<16xi32>
      %ge3A_1021 = arith.cmpi sge, %add3A_1000, %ge3A_1020 : vector<16xi32>
      %jit3A_1022 = arith.constant 999 : i32
      %broadcast_in_dim3A_1023 = vector.broadcast %jit3A_1022 : i32 to vector<16xi32>
      %select_n3A_1024 = arith.select %ge3A_1021, %broadcast_in_dim3A_1023, %add3A_1000 : vector<16xi1>, vector<16xi32>
      %ge3A_1025 = arith.constant 32 : i32
      %ge3A_1026 = vector.broadcast %ge3A_1025 : i32 to vector<16xi32>
      %ge3A_1027 = arith.cmpi sge, %add3A_1006, %ge3A_1026 : vector<16xi32>
      %jit3A_1028 = arith.constant 999 : i32
      %broadcast_in_dim3A_1029 = vector.broadcast %jit3A_1028 : i32 to vector<16xi32>
      %select_n3A_1030 = arith.select %ge3A_1027, %broadcast_in_dim3A_1029, %add3A_1006 : vector<16xi1>, vector<16xi32>
      %ge3A_1031 = arith.constant 48 : i32
      %ge3A_1032 = vector.broadcast %ge3A_1031 : i32 to vector<16xi32>
      %ge3A_1033 = arith.cmpi sge, %add3A_1012, %ge3A_1032 : vector<16xi32>
      %jit3A_1034 = arith.constant 999 : i32
      %broadcast_in_dim3A_1035 = vector.broadcast %jit3A_1034 : i32 to vector<16xi32>
      %select_n3A_1036 = arith.select %ge3A_1033, %broadcast_in_dim3A_1035, %add3A_1012 : vector<16xi1>, vector<16xi32>
      %ge3A_1037 = arith.constant 64 : i32
      %ge3A_1038 = vector.broadcast %ge3A_1037 : i32 to vector<16xi32>
      %ge3A_1039 = arith.cmpi sge, %add3A_1018, %ge3A_1038 : vector<16xi32>
      %jit3A_1040 = arith.constant 999 : i32
      %broadcast_in_dim3A_1041 = vector.broadcast %jit3A_1040 : i32 to vector<16xi32>
      %select_n3A_1042 = arith.select %ge3A_1039, %broadcast_in_dim3A_1041, %add3A_1018 : vector<16xi1>, vector<16xi32>
      %min3A_1043 = arith.minsi %select_n3A_1024, %select_n3A_1030 : vector<16xi32>
      %min3A_1044 = arith.minsi %select_n3A_1036, %select_n3A_1042 : vector<16xi32>
      %min3A_1045 = arith.minsi %min3A_1043, %min3A_1044 : vector<16xi32>
      %ne3A_1046 = arith.constant 0xFF800000 : f32
      %ne3A_1047 = arith.cmpf one, %reduce_max3A_994, %ne3A_1046 : f32
      %add3A_1048 = arith.constant 64 : i32
      %add3A_1049 = vector.broadcast %add3A_1048 : i32 to vector<16xi32>
      %add3A_1050 = arith.addi %min3A_1045, %add3A_1049 : vector<16xi32>
      %gather3A_1051 = tpu.vector_load_idx %arg13[%add3A_1050] : memref<128xf32, #tpu.memory_space<vmem>>[vector<16xi32>], vector<16xf32>,
      %gather3A_1052 = tpu.vector_load_idx %arg14[%add3A_1050] : memref<128xf32, #tpu.memory_space<vmem>>[vector<16xi32>], vector<16xf32>,
      %gather3A_1053 = tpu.vector_load_idx %arg15[%add3A_1050] : memref<128xf32, #tpu.memory_space<vmem>>[vector<16xi32>], vector<16xf32>,
      %gather3A_1054 = tpu.vector_load_idx %arg16[%add3A_1050] : memref<128xf32, #tpu.memory_space<vmem>>[vector<16xi32>], vector<16xf32>,
      %gather3A_1055 = tpu.vector_load_idx %arg17[%add3A_1050] : memref<128xf32, #tpu.memory_space<vmem>>[vector<16xi32>], vector<16xf32>,
      %add3A_1056 = arith.constant 0 : i32
      %add3A_1057 = vector.broadcast %add3A_1056 : i32 to vector<16xi32>
      %add3A_1058 = arith.addi %iota3A, %add3A_1057 : vector<16xi32>
      %ne3A_1059 = arith.constant 0xFF800000 : f32
      %ne3A_1060 = vector.broadcast %ne3A_1059 : f32 to vector<16xf32>
      %ne3A_1061 = arith.cmpf one, %while3A_718, %ne3A_1060 : vector<16xf32>
      %get3A_1062 = arith.constant 64 : index
      %get3A_1063 = tpu.vector_load %arg13[%get3A_1062] {strides = array<i32>} : memref<128xf32, #tpu.memory_space<vmem>>, vector<16xf32>,
      %max3A_1064 = arith.maximumf %get3A_1063, %gather3A_1051 : vector<16xf32>
      %get3A_1065 = arith.constant 64 : index
      %get3A_1066 = tpu.vector_load %arg14[%get3A_1065] {strides = array<i32>} : memref<128xf32, #tpu.memory_space<vmem>>, vector<16xf32>,
      %max3A_1067 = arith.maximumf %get3A_1066, %gather3A_1052 : vector<16xf32>
      %get3A_1068 = arith.constant 64 : index
      %get3A_1069 = tpu.vector_load %arg15[%get3A_1068] {strides = array<i32>} : memref<128xf32, #tpu.memory_space<vmem>>, vector<16xf32>,
      %min3A_1070 = arith.minimumf %get3A_1069, %gather3A_1053 : vector<16xf32>
      %get3A_1071 = arith.constant 64 : index
      %get3A_1072 = tpu.vector_load %arg16[%get3A_1071] {strides = array<i32>} : memref<128xf32, #tpu.memory_space<vmem>>, vector<16xf32>,
      %min3A_1073 = arith.minimumf %get3A_1072, %gather3A_1054 : vector<16xf32>
      %sub3A_1074 = arith.subf %min3A_1070, %max3A_1064 : vector<16xf32>
      %max3A_1075 = arith.constant 0.000000e+00 : f32
      %max3A_1076 = vector.broadcast %max3A_1075 : f32 to vector<16xf32>
      %max3A_1077 = arith.maximumf %sub3A_1074, %max3A_1076 : vector<16xf32>
      %sub3A_1078 = arith.subf %min3A_1073, %max3A_1067 : vector<16xf32>
      %max3A_1079 = arith.constant 0.000000e+00 : f32
      %max3A_1080 = vector.broadcast %max3A_1079 : f32 to vector<16xf32>
      %max3A_1081 = arith.maximumf %sub3A_1078, %max3A_1080 : vector<16xf32>
      %mul3A_1082 = arith.mulf %max3A_1077, %max3A_1081 : vector<16xf32>
      %get3A_1083 = arith.constant 64 : index
      %get3A_1084 = tpu.vector_load %arg17[%get3A_1083] {strides = array<i32>} : memref<128xf32, #tpu.memory_space<vmem>>, vector<16xf32>,
      %add3A_1085 = arith.addf %get3A_1084, %gather3A_1055 : vector<16xf32>
      %sub3A_1086 = arith.subf %add3A_1085, %mul3A_1082 : vector<16xf32>
      %max3A_1087 = arith.constant 9.99999971E-10 : f32
      %max3A_1088 = vector.broadcast %max3A_1087 : f32 to vector<16xf32>
      %max3A_1089 = arith.maximumf %sub3A_1086, %max3A_1088 : vector<16xf32>
      %div3A_1090 = arith.divf %mul3A_1082, %max3A_1089 : vector<16xf32>
      %gt3A_1091 = arith.constant 0.699999988 : f32
      %gt3A_1092 = vector.broadcast %gt3A_1091 : f32 to vector<16xf32>
      %gt3A_1093 = arith.cmpf ogt, %div3A_1090, %gt3A_1092 : vector<16xf32>
      %and3A_1094 = arith.andi %gt3A_1093, %ne3A_1061 : vector<16xi1>
      %eq3A_1095 = arith.cmpi eq, %add3A_1058, %min3A_1045 : vector<16xi32>
      %or3A_1096 = arith.ori %and3A_1094, %eq3A_1095 : vector<16xi1>
      %jit3A_1097 = arith.constant 0xFF800000 : f32
      %broadcast_in_dim3A_1098 = vector.broadcast %jit3A_1097 : f32 to vector<16xf32>
      %select_n3A_1099 = arith.select %or3A_1096, %broadcast_in_dim3A_1098, %while3A_718 : vector<16xi1>, vector<16xf32>
      %eq3A_1100 = arith.cmpi eq, %add3A_1058, %min3A_1045 : vector<16xi32>
      %and3A_1101 = vector.broadcast %ne3A_1047 : i1 to vector<16xi1>
      %and3A_1102 = arith.andi %eq3A_1100, %and3A_1101 : vector<16xi1>
      %jit3A_1103 = arith.constant 1 : i32
      %broadcast_in_dim3A_1104 = vector.broadcast %jit3A_1103 : i32 to vector<16xi32>
      %select_n3A_1105 = arith.select %and3A_1102, %broadcast_in_dim3A_1104, %while3A_726 : vector<16xi1>, vector<16xi32>
      %add3A_1106 = arith.constant 16 : i32
      %add3A_1107 = vector.broadcast %add3A_1106 : i32 to vector<16xi32>
      %add3A_1108 = arith.addi %iota3A, %add3A_1107 : vector<16xi32>
      %ne3A_1109 = arith.constant 0xFF800000 : f32
      %ne3A_1110 = vector.broadcast %ne3A_1109 : f32 to vector<16xf32>
      %ne3A_1111 = arith.cmpf one, %while3A_719, %ne3A_1110 : vector<16xf32>
      %get3A_1112 = arith.constant 80 : index
      %get3A_1113 = tpu.vector_load %arg13[%get3A_1112] {strides = array<i32>} : memref<128xf32, #tpu.memory_space<vmem>>, vector<16xf32>,
      %max3A_1114 = arith.maximumf %get3A_1113, %gather3A_1051 : vector<16xf32>
      %get3A_1115 = arith.constant 80 : index
      %get3A_1116 = tpu.vector_load %arg14[%get3A_1115] {strides = array<i32>} : memref<128xf32, #tpu.memory_space<vmem>>, vector<16xf32>,
      %max3A_1117 = arith.maximumf %get3A_1116, %gather3A_1052 : vector<16xf32>
      %get3A_1118 = arith.constant 80 : index
      %get3A_1119 = tpu.vector_load %arg15[%get3A_1118] {strides = array<i32>} : memref<128xf32, #tpu.memory_space<vmem>>, vector<16xf32>,
      %min3A_1120 = arith.minimumf %get3A_1119, %gather3A_1053 : vector<16xf32>
      %get3A_1121 = arith.constant 80 : index
      %get3A_1122 = tpu.vector_load %arg16[%get3A_1121] {strides = array<i32>} : memref<128xf32, #tpu.memory_space<vmem>>, vector<16xf32>,
      %min3A_1123 = arith.minimumf %get3A_1122, %gather3A_1054 : vector<16xf32>
      %sub3A_1124 = arith.subf %min3A_1120, %max3A_1114 : vector<16xf32>
      %max3A_1125 = arith.constant 0.000000e+00 : f32
      %max3A_1126 = vector.broadcast %max3A_1125 : f32 to vector<16xf32>
      %max3A_1127 = arith.maximumf %sub3A_1124, %max3A_1126 : vector<16xf32>
      %sub3A_1128 = arith.subf %min3A_1123, %max3A_1117 : vector<16xf32>
      %max3A_1129 = arith.constant 0.000000e+00 : f32
      %max3A_1130 = vector.broadcast %max3A_1129 : f32 to vector<16xf32>
      %max3A_1131 = arith.maximumf %sub3A_1128, %max3A_1130 : vector<16xf32>
      %mul3A_1132 = arith.mulf %max3A_1127, %max3A_1131 : vector<16xf32>
      %get3A_1133 = arith.constant 80 : index
      %get3A_1134 = tpu.vector_load %arg17[%get3A_1133] {strides = array<i32>} : memref<128xf32, #tpu.memory_space<vmem>>, vector<16xf32>,
      %add3A_1135 = arith.addf %get3A_1134, %gather3A_1055 : vector<16xf32>
      %sub3A_1136 = arith.subf %add3A_1135, %mul3A_1132 : vector<16xf32>
      %max3A_1137 = arith.constant 9.99999971E-10 : f32
      %max3A_1138 = vector.broadcast %max3A_1137 : f32 to vector<16xf32>
      %max3A_1139 = arith.maximumf %sub3A_1136, %max3A_1138 : vector<16xf32>
      %div3A_1140 = arith.divf %mul3A_1132, %max3A_1139 : vector<16xf32>
      %gt3A_1141 = arith.constant 0.699999988 : f32
      %gt3A_1142 = vector.broadcast %gt3A_1141 : f32 to vector<16xf32>
      %gt3A_1143 = arith.cmpf ogt, %div3A_1140, %gt3A_1142 : vector<16xf32>
      %and3A_1144 = arith.andi %gt3A_1143, %ne3A_1111 : vector<16xi1>
      %eq3A_1145 = arith.cmpi eq, %add3A_1108, %min3A_1045 : vector<16xi32>
      %or3A_1146 = arith.ori %and3A_1144, %eq3A_1145 : vector<16xi1>
      %jit3A_1147 = arith.constant 0xFF800000 : f32
      %broadcast_in_dim3A_1148 = vector.broadcast %jit3A_1147 : f32 to vector<16xf32>
      %select_n3A_1149 = arith.select %or3A_1146, %broadcast_in_dim3A_1148, %while3A_719 : vector<16xi1>, vector<16xf32>
      %eq3A_1150 = arith.cmpi eq, %add3A_1108, %min3A_1045 : vector<16xi32>
      %and3A_1151 = vector.broadcast %ne3A_1047 : i1 to vector<16xi1>
      %and3A_1152 = arith.andi %eq3A_1150, %and3A_1151 : vector<16xi1>
      %jit3A_1153 = arith.constant 1 : i32
      %broadcast_in_dim3A_1154 = vector.broadcast %jit3A_1153 : i32 to vector<16xi32>
      %select_n3A_1155 = arith.select %and3A_1152, %broadcast_in_dim3A_1154, %while3A_727 : vector<16xi1>, vector<16xi32>
      %add3A_1156 = arith.constant 32 : i32
      %add3A_1157 = vector.broadcast %add3A_1156 : i32 to vector<16xi32>
      %add3A_1158 = arith.addi %iota3A, %add3A_1157 : vector<16xi32>
      %ne3A_1159 = arith.constant 0xFF800000 : f32
      %ne3A_1160 = vector.broadcast %ne3A_1159 : f32 to vector<16xf32>
      %ne3A_1161 = arith.cmpf one, %while3A_720, %ne3A_1160 : vector<16xf32>
      %get3A_1162 = arith.constant 96 : index
      %get3A_1163 = tpu.vector_load %arg13[%get3A_1162] {strides = array<i32>} : memref<128xf32, #tpu.memory_space<vmem>>, vector<16xf32>,
      %max3A_1164 = arith.maximumf %get3A_1163, %gather3A_1051 : vector<16xf32>
      %get3A_1165 = arith.constant 96 : index
      %get3A_1166 = tpu.vector_load %arg14[%get3A_1165] {strides = array<i32>} : memref<128xf32, #tpu.memory_space<vmem>>, vector<16xf32>,
      %max3A_1167 = arith.maximumf %get3A_1166, %gather3A_1052 : vector<16xf32>
      %get3A_1168 = arith.constant 96 : index
      %get3A_1169 = tpu.vector_load %arg15[%get3A_1168] {strides = array<i32>} : memref<128xf32, #tpu.memory_space<vmem>>, vector<16xf32>,
      %min3A_1170 = arith.minimumf %get3A_1169, %gather3A_1053 : vector<16xf32>
      %get3A_1171 = arith.constant 96 : index
      %get3A_1172 = tpu.vector_load %arg16[%get3A_1171] {strides = array<i32>} : memref<128xf32, #tpu.memory_space<vmem>>, vector<16xf32>,
      %min3A_1173 = arith.minimumf %get3A_1172, %gather3A_1054 : vector<16xf32>
      %sub3A_1174 = arith.subf %min3A_1170, %max3A_1164 : vector<16xf32>
      %max3A_1175 = arith.constant 0.000000e+00 : f32
      %max3A_1176 = vector.broadcast %max3A_1175 : f32 to vector<16xf32>
      %max3A_1177 = arith.maximumf %sub3A_1174, %max3A_1176 : vector<16xf32>
      %sub3A_1178 = arith.subf %min3A_1173, %max3A_1167 : vector<16xf32>
      %max3A_1179 = arith.constant 0.000000e+00 : f32
      %max3A_1180 = vector.broadcast %max3A_1179 : f32 to vector<16xf32>
      %max3A_1181 = arith.maximumf %sub3A_1178, %max3A_1180 : vector<16xf32>
      %mul3A_1182 = arith.mulf %max3A_1177, %max3A_1181 : vector<16xf32>
      %get3A_1183 = arith.constant 96 : index
      %get3A_1184 = tpu.vector_load %arg17[%get3A_1183] {strides = array<i32>} : memref<128xf32, #tpu.memory_space<vmem>>, vector<16xf32>,
      %add3A_1185 = arith.addf %get3A_1184, %gather3A_1055 : vector<16xf32>
      %sub3A_1186 = arith.subf %add3A_1185, %mul3A_1182 : vector<16xf32>
      %max3A_1187 = arith.constant 9.99999971E-10 : f32
      %max3A_1188 = vector.broadcast %max3A_1187 : f32 to vector<16xf32>
      %max3A_1189 = arith.maximumf %sub3A_1186, %max3A_1188 : vector<16xf32>
      %div3A_1190 = arith.divf %mul3A_1182, %max3A_1189 : vector<16xf32>
      %gt3A_1191 = arith.constant 0.699999988 : f32
      %gt3A_1192 = vector.broadcast %gt3A_1191 : f32 to vector<16xf32>
      %gt3A_1193 = arith.cmpf ogt, %div3A_1190, %gt3A_1192 : vector<16xf32>
      %and3A_1194 = arith.andi %gt3A_1193, %ne3A_1161 : vector<16xi1>
      %eq3A_1195 = arith.cmpi eq, %add3A_1158, %min3A_1045 : vector<16xi32>
      %or3A_1196 = arith.ori %and3A_1194, %eq3A_1195 : vector<16xi1>
      %jit3A_1197 = arith.constant 0xFF800000 : f32
      %broadcast_in_dim3A_1198 = vector.broadcast %jit3A_1197 : f32 to vector<16xf32>
      %select_n3A_1199 = arith.select %or3A_1196, %broadcast_in_dim3A_1198, %while3A_720 : vector<16xi1>, vector<16xf32>
      %eq3A_1200 = arith.cmpi eq, %add3A_1158, %min3A_1045 : vector<16xi32>
      %and3A_1201 = vector.broadcast %ne3A_1047 : i1 to vector<16xi1>
      %and3A_1202 = arith.andi %eq3A_1200, %and3A_1201 : vector<16xi1>
      %jit3A_1203 = arith.constant 1 : i32
      %broadcast_in_dim3A_1204 = vector.broadcast %jit3A_1203 : i32 to vector<16xi32>
      %select_n3A_1205 = arith.select %and3A_1202, %broadcast_in_dim3A_1204, %while3A_728 : vector<16xi1>, vector<16xi32>
      %add3A_1206 = arith.constant 48 : i32
      %add3A_1207 = vector.broadcast %add3A_1206 : i32 to vector<16xi32>
      %add3A_1208 = arith.addi %iota3A, %add3A_1207 : vector<16xi32>
      %ne3A_1209 = arith.constant 0xFF800000 : f32
      %ne3A_1210 = vector.broadcast %ne3A_1209 : f32 to vector<16xf32>
      %ne3A_1211 = arith.cmpf one, %while3A_721, %ne3A_1210 : vector<16xf32>
      %get3A_1212 = arith.constant 112 : index
      %get3A_1213 = tpu.vector_load %arg13[%get3A_1212] {strides = array<i32>} : memref<128xf32, #tpu.memory_space<vmem>>, vector<16xf32>,
      %max3A_1214 = arith.maximumf %get3A_1213, %gather3A_1051 : vector<16xf32>
      %get3A_1215 = arith.constant 112 : index
      %get3A_1216 = tpu.vector_load %arg14[%get3A_1215] {strides = array<i32>} : memref<128xf32, #tpu.memory_space<vmem>>, vector<16xf32>,
      %max3A_1217 = arith.maximumf %get3A_1216, %gather3A_1052 : vector<16xf32>
      %get3A_1218 = arith.constant 112 : index
      %get3A_1219 = tpu.vector_load %arg15[%get3A_1218] {strides = array<i32>} : memref<128xf32, #tpu.memory_space<vmem>>, vector<16xf32>,
      %min3A_1220 = arith.minimumf %get3A_1219, %gather3A_1053 : vector<16xf32>
      %get3A_1221 = arith.constant 112 : index
      %get3A_1222 = tpu.vector_load %arg16[%get3A_1221] {strides = array<i32>} : memref<128xf32, #tpu.memory_space<vmem>>, vector<16xf32>,
      %min3A_1223 = arith.minimumf %get3A_1222, %gather3A_1054 : vector<16xf32>
      %sub3A_1224 = arith.subf %min3A_1220, %max3A_1214 : vector<16xf32>
      %max3A_1225 = arith.constant 0.000000e+00 : f32
      %max3A_1226 = vector.broadcast %max3A_1225 : f32 to vector<16xf32>
      %max3A_1227 = arith.maximumf %sub3A_1224, %max3A_1226 : vector<16xf32>
      %sub3A_1228 = arith.subf %min3A_1223, %max3A_1217 : vector<16xf32>
      %max3A_1229 = arith.constant 0.000000e+00 : f32
      %max3A_1230 = vector.broadcast %max3A_1229 : f32 to vector<16xf32>
      %max3A_1231 = arith.maximumf %sub3A_1228, %max3A_1230 : vector<16xf32>
      %mul3A_1232 = arith.mulf %max3A_1227, %max3A_1231 : vector<16xf32>
      %get3A_1233 = arith.constant 112 : index
      %get3A_1234 = tpu.vector_load %arg17[%get3A_1233] {strides = array<i32>} : memref<128xf32, #tpu.memory_space<vmem>>, vector<16xf32>,
      %add3A_1235 = arith.addf %get3A_1234, %gather3A_1055 : vector<16xf32>
      %sub3A_1236 = arith.subf %add3A_1235, %mul3A_1232 : vector<16xf32>
      %max3A_1237 = arith.constant 9.99999971E-10 : f32
      %max3A_1238 = vector.broadcast %max3A_1237 : f32 to vector<16xf32>
      %max3A_1239 = arith.maximumf %sub3A_1236, %max3A_1238 : vector<16xf32>
      %div3A_1240 = arith.divf %mul3A_1232, %max3A_1239 : vector<16xf32>
      %gt3A_1241 = arith.constant 0.699999988 : f32
      %gt3A_1242 = vector.broadcast %gt3A_1241 : f32 to vector<16xf32>
      %gt3A_1243 = arith.cmpf ogt, %div3A_1240, %gt3A_1242 : vector<16xf32>
      %and3A_1244 = arith.andi %gt3A_1243, %ne3A_1211 : vector<16xi1>
      %eq3A_1245 = arith.cmpi eq, %add3A_1208, %min3A_1045 : vector<16xi32>
      %or3A_1246 = arith.ori %and3A_1244, %eq3A_1245 : vector<16xi1>
      %jit3A_1247 = arith.constant 0xFF800000 : f32
      %broadcast_in_dim3A_1248 = vector.broadcast %jit3A_1247 : f32 to vector<16xf32>
      %select_n3A_1249 = arith.select %or3A_1246, %broadcast_in_dim3A_1248, %while3A_721 : vector<16xi1>, vector<16xf32>
      %eq3A_1250 = arith.cmpi eq, %add3A_1208, %min3A_1045 : vector<16xi32>
      %and3A_1251 = vector.broadcast %ne3A_1047 : i1 to vector<16xi1>
      %and3A_1252 = arith.andi %eq3A_1250, %and3A_1251 : vector<16xi1>
      %jit3A_1253 = arith.constant 1 : i32
      %broadcast_in_dim3A_1254 = vector.broadcast %jit3A_1253 : i32 to vector<16xi32>
      %select_n3A_1255 = arith.select %and3A_1252, %broadcast_in_dim3A_1254, %while3A_729 : vector<16xi1>, vector<16xi32>
      %or3A_1256 = arith.ori %ne3A_785, %ne3A_1047 : i1
      scf.yield %select_n3A_831, %select_n3A_881, %select_n3A_931, %select_n3A_981, %select_n3A_1099, %select_n3A_1149, %select_n3A_1199, %select_n3A_1249, %select_n3A_837, %select_n3A_887, %select_n3A_937, %select_n3A_987, %select_n3A_1105, %select_n3A_1155, %select_n3A_1205, %select_n3A_1255, %or3A_1256 : vector<16xf32>, vector<16xf32>, vector<16xf32>, vector<16xf32>, vector<16xf32>, vector<16xf32>, vector<16xf32>, vector<16xf32>, vector<16xi32>, vector<16xi32>, vector<16xi32>, vector<16xi32>, vector<16xi32>, vector<16xi32>, vector<16xi32>, vector<16xi32>, i1
    }
    %add3A_32 = arith.constant 0 : i32
    %add3A_33 = vector.broadcast %add3A_32 : i32 to vector<16xi32>
    %add3A_34 = arith.addi %iota3A, %add3A_33 : vector<16xi32>
    %min3A = arith.constant 48 : i32
    %min3A_35 = vector.broadcast %min3A : i32 to vector<16xi32>
    %min3A_36 = arith.minsi %add3A_34, %min3A_35 : vector<16xi32>
    %lt3A = arith.constant 49 : i32
    %lt3A_37 = vector.broadcast %lt3A : i32 to vector<16xi32>
    %lt3A_38 = arith.cmpi slt, %add3A_34, %lt3A_37 : vector<16xi32>
    %ne3A = arith.constant 0 : i32
    %ne3A_39 = vector.broadcast %ne3A : i32 to vector<16xi32>
    %ne3A_40 = arith.cmpi ne, %while3A_31#8, %ne3A_39 : vector<16xi32>
    %broadcast_in_dim3A_41 = arith.constant 0 : i32
    %broadcast_in_dim3A_42 = vector.broadcast %broadcast_in_dim3A_41 : i32 to vector<16xi32>
    %mul3A_43 = arith.constant 6 : i32
    %mul3A_44 = vector.broadcast %mul3A_43 : i32 to vector<16xi32>
    %mul3A_45 = arith.muli %min3A_36, %mul3A_44 : vector<16xi32>
    %add3A_46 = arith.constant 0 : i32
    %add3A_47 = vector.broadcast %add3A_46 : i32 to vector<16xi32>
    %add3A_48 = arith.addi %mul3A_45, %add3A_47 : vector<16xi32>
    %get3A_49 = arith.constant 0 : index
    %get3A_50 = tpu.vector_load %arg6[%get3A_49] {strides = array<i32>} : memref<128xf32, #tpu.memory_space<vmem>>, vector<16xf32>,
    %jit3A = arith.constant 0.000000e+00 : f32
    %broadcast_in_dim3A_51 = vector.broadcast %jit3A : f32 to vector<16xf32>
    %select_n3A = arith.select %ne3A_40, %get3A_50, %broadcast_in_dim3A_51 : vector<16xi1>, vector<16xf32>
    tpu.vector_store_idx %arg19[%broadcast_in_dim3A_42, %add3A_48], %select_n3A masked %lt3A_38 : memref<2x320xf32, #tpu.memory_space<vmem>>[vector<16xi32>, vector<16xi32>], vector<16xf32>, vector<16xi1>
    %mul3A_52 = arith.constant 6 : i32
    %mul3A_53 = vector.broadcast %mul3A_52 : i32 to vector<16xi32>
    %mul3A_54 = arith.muli %min3A_36, %mul3A_53 : vector<16xi32>
    %add3A_55 = arith.constant 1 : i32
    %add3A_56 = vector.broadcast %add3A_55 : i32 to vector<16xi32>
    %add3A_57 = arith.addi %mul3A_54, %add3A_56 : vector<16xi32>
    %get3A_58 = arith.constant 0 : index
    %get3A_59 = tpu.vector_load %arg7[%get3A_58] {strides = array<i32>} : memref<128xf32, #tpu.memory_space<vmem>>, vector<16xf32>,
    %jit3A_60 = arith.constant 0.000000e+00 : f32
    %broadcast_in_dim3A_61 = vector.broadcast %jit3A_60 : f32 to vector<16xf32>
    %select_n3A_62 = arith.select %ne3A_40, %get3A_59, %broadcast_in_dim3A_61 : vector<16xi1>, vector<16xf32>
    tpu.vector_store_idx %arg19[%broadcast_in_dim3A_42, %add3A_57], %select_n3A_62 masked %lt3A_38 : memref<2x320xf32, #tpu.memory_space<vmem>>[vector<16xi32>, vector<16xi32>], vector<16xf32>, vector<16xi1>
    %mul3A_63 = arith.constant 6 : i32
    %mul3A_64 = vector.broadcast %mul3A_63 : i32 to vector<16xi32>
    %mul3A_65 = arith.muli %min3A_36, %mul3A_64 : vector<16xi32>
    %add3A_66 = arith.constant 2 : i32
    %add3A_67 = vector.broadcast %add3A_66 : i32 to vector<16xi32>
    %add3A_68 = arith.addi %mul3A_65, %add3A_67 : vector<16xi32>
    %get3A_69 = arith.constant 0 : index
    %get3A_70 = tpu.vector_load %arg8[%get3A_69] {strides = array<i32>} : memref<128xf32, #tpu.memory_space<vmem>>, vector<16xf32>,
    %jit3A_71 = arith.constant 0.000000e+00 : f32
    %broadcast_in_dim3A_72 = vector.broadcast %jit3A_71 : f32 to vector<16xf32>
    %select_n3A_73 = arith.select %ne3A_40, %get3A_70, %broadcast_in_dim3A_72 : vector<16xi1>, vector<16xf32>
    tpu.vector_store_idx %arg19[%broadcast_in_dim3A_42, %add3A_68], %select_n3A_73 masked %lt3A_38 : memref<2x320xf32, #tpu.memory_space<vmem>>[vector<16xi32>, vector<16xi32>], vector<16xf32>, vector<16xi1>
    %mul3A_74 = arith.constant 6 : i32
    %mul3A_75 = vector.broadcast %mul3A_74 : i32 to vector<16xi32>
    %mul3A_76 = arith.muli %min3A_36, %mul3A_75 : vector<16xi32>
    %add3A_77 = arith.constant 3 : i32
    %add3A_78 = vector.broadcast %add3A_77 : i32 to vector<16xi32>
    %add3A_79 = arith.addi %mul3A_76, %add3A_78 : vector<16xi32>
    %get3A_80 = arith.constant 0 : index
    %get3A_81 = tpu.vector_load %arg9[%get3A_80] {strides = array<i32>} : memref<128xf32, #tpu.memory_space<vmem>>, vector<16xf32>,
    %jit3A_82 = arith.constant 0.000000e+00 : f32
    %broadcast_in_dim3A_83 = vector.broadcast %jit3A_82 : f32 to vector<16xf32>
    %select_n3A_84 = arith.select %ne3A_40, %get3A_81, %broadcast_in_dim3A_83 : vector<16xi1>, vector<16xf32>
    tpu.vector_store_idx %arg19[%broadcast_in_dim3A_42, %add3A_79], %select_n3A_84 masked %lt3A_38 : memref<2x320xf32, #tpu.memory_space<vmem>>[vector<16xi32>, vector<16xi32>], vector<16xf32>, vector<16xi1>
    %mul3A_85 = arith.constant 6 : i32
    %mul3A_86 = vector.broadcast %mul3A_85 : i32 to vector<16xi32>
    %mul3A_87 = arith.muli %min3A_36, %mul3A_86 : vector<16xi32>
    %add3A_88 = arith.constant 4 : i32
    %add3A_89 = vector.broadcast %add3A_88 : i32 to vector<16xi32>
    %add3A_90 = arith.addi %mul3A_87, %add3A_89 : vector<16xi32>
    %get3A_91 = arith.constant 0 : index
    %get3A_92 = tpu.vector_load %arg10[%get3A_91] {strides = array<i32>} : memref<128xf32, #tpu.memory_space<vmem>>, vector<16xf32>,
    %jit3A_93 = arith.constant 0.000000e+00 : f32
    %broadcast_in_dim3A_94 = vector.broadcast %jit3A_93 : f32 to vector<16xf32>
    %select_n3A_95 = arith.select %ne3A_40, %get3A_92, %broadcast_in_dim3A_94 : vector<16xi1>, vector<16xf32>
    tpu.vector_store_idx %arg19[%broadcast_in_dim3A_42, %add3A_90], %select_n3A_95 masked %lt3A_38 : memref<2x320xf32, #tpu.memory_space<vmem>>[vector<16xi32>, vector<16xi32>], vector<16xf32>, vector<16xi1>
    %mul3A_96 = arith.constant 6 : i32
    %mul3A_97 = vector.broadcast %mul3A_96 : i32 to vector<16xi32>
    %mul3A_98 = arith.muli %min3A_36, %mul3A_97 : vector<16xi32>
    %add3A_99 = arith.constant 5 : i32
    %add3A_100 = vector.broadcast %add3A_99 : i32 to vector<16xi32>
    %add3A_101 = arith.addi %mul3A_98, %add3A_100 : vector<16xi32>
    %get3A_102 = arith.constant 0 : index
    %get3A_103 = tpu.vector_load %arg11[%get3A_102] {strides = array<i32>} : memref<128xf32, #tpu.memory_space<vmem>>, vector<16xf32>,
    %jit3A_104 = arith.constant 0.000000e+00 : f32
    %broadcast_in_dim3A_105 = vector.broadcast %jit3A_104 : f32 to vector<16xf32>
    %select_n3A_106 = arith.select %ne3A_40, %get3A_103, %broadcast_in_dim3A_105 : vector<16xi1>, vector<16xf32>
    tpu.vector_store_idx %arg19[%broadcast_in_dim3A_42, %add3A_101], %select_n3A_106 masked %lt3A_38 : memref<2x320xf32, #tpu.memory_space<vmem>>[vector<16xi32>, vector<16xi32>], vector<16xf32>, vector<16xi1>
    %swap3A = arith.constant 0 : i32
    %swap3A_107 = arith.index_cast %swap3A : i32 to index
    %swap3A_108 = arith.constant 64 : index
    %swap3A_109 = tpu.vector_load %arg18[%swap3A_107, %swap3A_108] {strides = array<i32>} : memref<2x128xi32, #tpu.memory_space<vmem>>, vector<16xi32>,
    tpu.vector_store %arg18[%swap3A_107, %swap3A_108], %while3A_31#8 {strides = array<i32>} : memref<2x128xi32, #tpu.memory_space<vmem>>, vector<16xi32>,
    %add3A_110 = arith.constant 16 : i32
    %add3A_111 = vector.broadcast %add3A_110 : i32 to vector<16xi32>
    %add3A_112 = arith.addi %iota3A, %add3A_111 : vector<16xi32>
    %min3A_113 = arith.constant 48 : i32
    %min3A_114 = vector.broadcast %min3A_113 : i32 to vector<16xi32>
    %min3A_115 = arith.minsi %add3A_112, %min3A_114 : vector<16xi32>
    %lt3A_116 = arith.constant 49 : i32
    %lt3A_117 = vector.broadcast %lt3A_116 : i32 to vector<16xi32>
    %lt3A_118 = arith.cmpi slt, %add3A_112, %lt3A_117 : vector<16xi32>
    %ne3A_119 = arith.constant 0 : i32
    %ne3A_120 = vector.broadcast %ne3A_119 : i32 to vector<16xi32>
    %ne3A_121 = arith.cmpi ne, %while3A_31#9, %ne3A_120 : vector<16xi32>
    %broadcast_in_dim3A_122 = arith.constant 0 : i32
    %broadcast_in_dim3A_123 = vector.broadcast %broadcast_in_dim3A_122 : i32 to vector<16xi32>
    %mul3A_124 = arith.constant 6 : i32
    %mul3A_125 = vector.broadcast %mul3A_124 : i32 to vector<16xi32>
    %mul3A_126 = arith.muli %min3A_115, %mul3A_125 : vector<16xi32>
    %add3A_127 = arith.constant 0 : i32
    %add3A_128 = vector.broadcast %add3A_127 : i32 to vector<16xi32>
    %add3A_129 = arith.addi %mul3A_126, %add3A_128 : vector<16xi32>
    %get3A_130 = arith.constant 16 : index
    %get3A_131 = tpu.vector_load %arg6[%get3A_130] {strides = array<i32>} : memref<128xf32, #tpu.memory_space<vmem>>, vector<16xf32>,
    %jit3A_132 = arith.constant 0.000000e+00 : f32
    %broadcast_in_dim3A_133 = vector.broadcast %jit3A_132 : f32 to vector<16xf32>
    %select_n3A_134 = arith.select %ne3A_121, %get3A_131, %broadcast_in_dim3A_133 : vector<16xi1>, vector<16xf32>
    tpu.vector_store_idx %arg19[%broadcast_in_dim3A_123, %add3A_129], %select_n3A_134 masked %lt3A_118 : memref<2x320xf32, #tpu.memory_space<vmem>>[vector<16xi32>, vector<16xi32>], vector<16xf32>, vector<16xi1>
    %mul3A_135 = arith.constant 6 : i32
    %mul3A_136 = vector.broadcast %mul3A_135 : i32 to vector<16xi32>
    %mul3A_137 = arith.muli %min3A_115, %mul3A_136 : vector<16xi32>
    %add3A_138 = arith.constant 1 : i32
    %add3A_139 = vector.broadcast %add3A_138 : i32 to vector<16xi32>
    %add3A_140 = arith.addi %mul3A_137, %add3A_139 : vector<16xi32>
    %get3A_141 = arith.constant 16 : index
    %get3A_142 = tpu.vector_load %arg7[%get3A_141] {strides = array<i32>} : memref<128xf32, #tpu.memory_space<vmem>>, vector<16xf32>,
    %jit3A_143 = arith.constant 0.000000e+00 : f32
    %broadcast_in_dim3A_144 = vector.broadcast %jit3A_143 : f32 to vector<16xf32>
    %select_n3A_145 = arith.select %ne3A_121, %get3A_142, %broadcast_in_dim3A_144 : vector<16xi1>, vector<16xf32>
    tpu.vector_store_idx %arg19[%broadcast_in_dim3A_123, %add3A_140], %select_n3A_145 masked %lt3A_118 : memref<2x320xf32, #tpu.memory_space<vmem>>[vector<16xi32>, vector<16xi32>], vector<16xf32>, vector<16xi1>
    %mul3A_146 = arith.constant 6 : i32
    %mul3A_147 = vector.broadcast %mul3A_146 : i32 to vector<16xi32>
    %mul3A_148 = arith.muli %min3A_115, %mul3A_147 : vector<16xi32>
    %add3A_149 = arith.constant 2 : i32
    %add3A_150 = vector.broadcast %add3A_149 : i32 to vector<16xi32>
    %add3A_151 = arith.addi %mul3A_148, %add3A_150 : vector<16xi32>
    %get3A_152 = arith.constant 16 : index
    %get3A_153 = tpu.vector_load %arg8[%get3A_152] {strides = array<i32>} : memref<128xf32, #tpu.memory_space<vmem>>, vector<16xf32>,
    %jit3A_154 = arith.constant 0.000000e+00 : f32
    %broadcast_in_dim3A_155 = vector.broadcast %jit3A_154 : f32 to vector<16xf32>
    %select_n3A_156 = arith.select %ne3A_121, %get3A_153, %broadcast_in_dim3A_155 : vector<16xi1>, vector<16xf32>
    tpu.vector_store_idx %arg19[%broadcast_in_dim3A_123, %add3A_151], %select_n3A_156 masked %lt3A_118 : memref<2x320xf32, #tpu.memory_space<vmem>>[vector<16xi32>, vector<16xi32>], vector<16xf32>, vector<16xi1>
    %mul3A_157 = arith.constant 6 : i32
    %mul3A_158 = vector.broadcast %mul3A_157 : i32 to vector<16xi32>
    %mul3A_159 = arith.muli %min3A_115, %mul3A_158 : vector<16xi32>
    %add3A_160 = arith.constant 3 : i32
    %add3A_161 = vector.broadcast %add3A_160 : i32 to vector<16xi32>
    %add3A_162 = arith.addi %mul3A_159, %add3A_161 : vector<16xi32>
    %get3A_163 = arith.constant 16 : index
    %get3A_164 = tpu.vector_load %arg9[%get3A_163] {strides = array<i32>} : memref<128xf32, #tpu.memory_space<vmem>>, vector<16xf32>,
    %jit3A_165 = arith.constant 0.000000e+00 : f32
    %broadcast_in_dim3A_166 = vector.broadcast %jit3A_165 : f32 to vector<16xf32>
    %select_n3A_167 = arith.select %ne3A_121, %get3A_164, %broadcast_in_dim3A_166 : vector<16xi1>, vector<16xf32>
    tpu.vector_store_idx %arg19[%broadcast_in_dim3A_123, %add3A_162], %select_n3A_167 masked %lt3A_118 : memref<2x320xf32, #tpu.memory_space<vmem>>[vector<16xi32>, vector<16xi32>], vector<16xf32>, vector<16xi1>
    %mul3A_168 = arith.constant 6 : i32
    %mul3A_169 = vector.broadcast %mul3A_168 : i32 to vector<16xi32>
    %mul3A_170 = arith.muli %min3A_115, %mul3A_169 : vector<16xi32>
    %add3A_171 = arith.constant 4 : i32
    %add3A_172 = vector.broadcast %add3A_171 : i32 to vector<16xi32>
    %add3A_173 = arith.addi %mul3A_170, %add3A_172 : vector<16xi32>
    %get3A_174 = arith.constant 16 : index
    %get3A_175 = tpu.vector_load %arg10[%get3A_174] {strides = array<i32>} : memref<128xf32, #tpu.memory_space<vmem>>, vector<16xf32>,
    %jit3A_176 = arith.constant 0.000000e+00 : f32
    %broadcast_in_dim3A_177 = vector.broadcast %jit3A_176 : f32 to vector<16xf32>
    %select_n3A_178 = arith.select %ne3A_121, %get3A_175, %broadcast_in_dim3A_177 : vector<16xi1>, vector<16xf32>
    tpu.vector_store_idx %arg19[%broadcast_in_dim3A_123, %add3A_173], %select_n3A_178 masked %lt3A_118 : memref<2x320xf32, #tpu.memory_space<vmem>>[vector<16xi32>, vector<16xi32>], vector<16xf32>, vector<16xi1>
    %mul3A_179 = arith.constant 6 : i32
    %mul3A_180 = vector.broadcast %mul3A_179 : i32 to vector<16xi32>
    %mul3A_181 = arith.muli %min3A_115, %mul3A_180 : vector<16xi32>
    %add3A_182 = arith.constant 5 : i32
    %add3A_183 = vector.broadcast %add3A_182 : i32 to vector<16xi32>
    %add3A_184 = arith.addi %mul3A_181, %add3A_183 : vector<16xi32>
    %get3A_185 = arith.constant 16 : index
    %get3A_186 = tpu.vector_load %arg11[%get3A_185] {strides = array<i32>} : memref<128xf32, #tpu.memory_space<vmem>>, vector<16xf32>,
    %jit3A_187 = arith.constant 0.000000e+00 : f32
    %broadcast_in_dim3A_188 = vector.broadcast %jit3A_187 : f32 to vector<16xf32>
    %select_n3A_189 = arith.select %ne3A_121, %get3A_186, %broadcast_in_dim3A_188 : vector<16xi1>, vector<16xf32>
    tpu.vector_store_idx %arg19[%broadcast_in_dim3A_123, %add3A_184], %select_n3A_189 masked %lt3A_118 : memref<2x320xf32, #tpu.memory_space<vmem>>[vector<16xi32>, vector<16xi32>], vector<16xf32>, vector<16xi1>
    %swap3A_190 = arith.constant 0 : i32
    %swap3A_191 = arith.index_cast %swap3A_190 : i32 to index
    %swap3A_192 = arith.constant 80 : index
    %swap3A_193 = tpu.vector_load %arg18[%swap3A_191, %swap3A_192] {strides = array<i32>} : memref<2x128xi32, #tpu.memory_space<vmem>>, vector<16xi32>,
    tpu.vector_store %arg18[%swap3A_191, %swap3A_192], %while3A_31#9 {strides = array<i32>} : memref<2x128xi32, #tpu.memory_space<vmem>>, vector<16xi32>,
    %add3A_194 = arith.constant 32 : i32
    %add3A_195 = vector.broadcast %add3A_194 : i32 to vector<16xi32>
    %add3A_196 = arith.addi %iota3A, %add3A_195 : vector<16xi32>
    %min3A_197 = arith.constant 48 : i32
    %min3A_198 = vector.broadcast %min3A_197 : i32 to vector<16xi32>
    %min3A_199 = arith.minsi %add3A_196, %min3A_198 : vector<16xi32>
    %lt3A_200 = arith.constant 49 : i32
    %lt3A_201 = vector.broadcast %lt3A_200 : i32 to vector<16xi32>
    %lt3A_202 = arith.cmpi slt, %add3A_196, %lt3A_201 : vector<16xi32>
    %ne3A_203 = arith.constant 0 : i32
    %ne3A_204 = vector.broadcast %ne3A_203 : i32 to vector<16xi32>
    %ne3A_205 = arith.cmpi ne, %while3A_31#10, %ne3A_204 : vector<16xi32>
    %broadcast_in_dim3A_206 = arith.constant 0 : i32
    %broadcast_in_dim3A_207 = vector.broadcast %broadcast_in_dim3A_206 : i32 to vector<16xi32>
    %mul3A_208 = arith.constant 6 : i32
    %mul3A_209 = vector.broadcast %mul3A_208 : i32 to vector<16xi32>
    %mul3A_210 = arith.muli %min3A_199, %mul3A_209 : vector<16xi32>
    %add3A_211 = arith.constant 0 : i32
    %add3A_212 = vector.broadcast %add3A_211 : i32 to vector<16xi32>
    %add3A_213 = arith.addi %mul3A_210, %add3A_212 : vector<16xi32>
    %get3A_214 = arith.constant 32 : index
    %get3A_215 = tpu.vector_load %arg6[%get3A_214] {strides = array<i32>} : memref<128xf32, #tpu.memory_space<vmem>>, vector<16xf32>,
    %jit3A_216 = arith.constant 0.000000e+00 : f32
    %broadcast_in_dim3A_217 = vector.broadcast %jit3A_216 : f32 to vector<16xf32>
    %select_n3A_218 = arith.select %ne3A_205, %get3A_215, %broadcast_in_dim3A_217 : vector<16xi1>, vector<16xf32>
    tpu.vector_store_idx %arg19[%broadcast_in_dim3A_207, %add3A_213], %select_n3A_218 masked %lt3A_202 : memref<2x320xf32, #tpu.memory_space<vmem>>[vector<16xi32>, vector<16xi32>], vector<16xf32>, vector<16xi1>
    %mul3A_219 = arith.constant 6 : i32
    %mul3A_220 = vector.broadcast %mul3A_219 : i32 to vector<16xi32>
    %mul3A_221 = arith.muli %min3A_199, %mul3A_220 : vector<16xi32>
    %add3A_222 = arith.constant 1 : i32
    %add3A_223 = vector.broadcast %add3A_222 : i32 to vector<16xi32>
    %add3A_224 = arith.addi %mul3A_221, %add3A_223 : vector<16xi32>
    %get3A_225 = arith.constant 32 : index
    %get3A_226 = tpu.vector_load %arg7[%get3A_225] {strides = array<i32>} : memref<128xf32, #tpu.memory_space<vmem>>, vector<16xf32>,
    %jit3A_227 = arith.constant 0.000000e+00 : f32
    %broadcast_in_dim3A_228 = vector.broadcast %jit3A_227 : f32 to vector<16xf32>
    %select_n3A_229 = arith.select %ne3A_205, %get3A_226, %broadcast_in_dim3A_228 : vector<16xi1>, vector<16xf32>
    tpu.vector_store_idx %arg19[%broadcast_in_dim3A_207, %add3A_224], %select_n3A_229 masked %lt3A_202 : memref<2x320xf32, #tpu.memory_space<vmem>>[vector<16xi32>, vector<16xi32>], vector<16xf32>, vector<16xi1>
    %mul3A_230 = arith.constant 6 : i32
    %mul3A_231 = vector.broadcast %mul3A_230 : i32 to vector<16xi32>
    %mul3A_232 = arith.muli %min3A_199, %mul3A_231 : vector<16xi32>
    %add3A_233 = arith.constant 2 : i32
    %add3A_234 = vector.broadcast %add3A_233 : i32 to vector<16xi32>
    %add3A_235 = arith.addi %mul3A_232, %add3A_234 : vector<16xi32>
    %get3A_236 = arith.constant 32 : index
    %get3A_237 = tpu.vector_load %arg8[%get3A_236] {strides = array<i32>} : memref<128xf32, #tpu.memory_space<vmem>>, vector<16xf32>,
    %jit3A_238 = arith.constant 0.000000e+00 : f32
    %broadcast_in_dim3A_239 = vector.broadcast %jit3A_238 : f32 to vector<16xf32>
    %select_n3A_240 = arith.select %ne3A_205, %get3A_237, %broadcast_in_dim3A_239 : vector<16xi1>, vector<16xf32>
    tpu.vector_store_idx %arg19[%broadcast_in_dim3A_207, %add3A_235], %select_n3A_240 masked %lt3A_202 : memref<2x320xf32, #tpu.memory_space<vmem>>[vector<16xi32>, vector<16xi32>], vector<16xf32>, vector<16xi1>
    %mul3A_241 = arith.constant 6 : i32
    %mul3A_242 = vector.broadcast %mul3A_241 : i32 to vector<16xi32>
    %mul3A_243 = arith.muli %min3A_199, %mul3A_242 : vector<16xi32>
    %add3A_244 = arith.constant 3 : i32
    %add3A_245 = vector.broadcast %add3A_244 : i32 to vector<16xi32>
    %add3A_246 = arith.addi %mul3A_243, %add3A_245 : vector<16xi32>
    %get3A_247 = arith.constant 32 : index
    %get3A_248 = tpu.vector_load %arg9[%get3A_247] {strides = array<i32>} : memref<128xf32, #tpu.memory_space<vmem>>, vector<16xf32>,
    %jit3A_249 = arith.constant 0.000000e+00 : f32
    %broadcast_in_dim3A_250 = vector.broadcast %jit3A_249 : f32 to vector<16xf32>
    %select_n3A_251 = arith.select %ne3A_205, %get3A_248, %broadcast_in_dim3A_250 : vector<16xi1>, vector<16xf32>
    tpu.vector_store_idx %arg19[%broadcast_in_dim3A_207, %add3A_246], %select_n3A_251 masked %lt3A_202 : memref<2x320xf32, #tpu.memory_space<vmem>>[vector<16xi32>, vector<16xi32>], vector<16xf32>, vector<16xi1>
    %mul3A_252 = arith.constant 6 : i32
    %mul3A_253 = vector.broadcast %mul3A_252 : i32 to vector<16xi32>
    %mul3A_254 = arith.muli %min3A_199, %mul3A_253 : vector<16xi32>
    %add3A_255 = arith.constant 4 : i32
    %add3A_256 = vector.broadcast %add3A_255 : i32 to vector<16xi32>
    %add3A_257 = arith.addi %mul3A_254, %add3A_256 : vector<16xi32>
    %get3A_258 = arith.constant 32 : index
    %get3A_259 = tpu.vector_load %arg10[%get3A_258] {strides = array<i32>} : memref<128xf32, #tpu.memory_space<vmem>>, vector<16xf32>,
    %jit3A_260 = arith.constant 0.000000e+00 : f32
    %broadcast_in_dim3A_261 = vector.broadcast %jit3A_260 : f32 to vector<16xf32>
    %select_n3A_262 = arith.select %ne3A_205, %get3A_259, %broadcast_in_dim3A_261 : vector<16xi1>, vector<16xf32>
    tpu.vector_store_idx %arg19[%broadcast_in_dim3A_207, %add3A_257], %select_n3A_262 masked %lt3A_202 : memref<2x320xf32, #tpu.memory_space<vmem>>[vector<16xi32>, vector<16xi32>], vector<16xf32>, vector<16xi1>
    %mul3A_263 = arith.constant 6 : i32
    %mul3A_264 = vector.broadcast %mul3A_263 : i32 to vector<16xi32>
    %mul3A_265 = arith.muli %min3A_199, %mul3A_264 : vector<16xi32>
    %add3A_266 = arith.constant 5 : i32
    %add3A_267 = vector.broadcast %add3A_266 : i32 to vector<16xi32>
    %add3A_268 = arith.addi %mul3A_265, %add3A_267 : vector<16xi32>
    %get3A_269 = arith.constant 32 : index
    %get3A_270 = tpu.vector_load %arg11[%get3A_269] {strides = array<i32>} : memref<128xf32, #tpu.memory_space<vmem>>, vector<16xf32>,
    %jit3A_271 = arith.constant 0.000000e+00 : f32
    %broadcast_in_dim3A_272 = vector.broadcast %jit3A_271 : f32 to vector<16xf32>
    %select_n3A_273 = arith.select %ne3A_205, %get3A_270, %broadcast_in_dim3A_272 : vector<16xi1>, vector<16xf32>
    tpu.vector_store_idx %arg19[%broadcast_in_dim3A_207, %add3A_268], %select_n3A_273 masked %lt3A_202 : memref<2x320xf32, #tpu.memory_space<vmem>>[vector<16xi32>, vector<16xi32>], vector<16xf32>, vector<16xi1>
    %swap3A_274 = arith.constant 0 : i32
    %swap3A_275 = arith.index_cast %swap3A_274 : i32 to index
    %swap3A_276 = arith.constant 96 : index
    %swap3A_277 = tpu.vector_load %arg18[%swap3A_275, %swap3A_276] {strides = array<i32>} : memref<2x128xi32, #tpu.memory_space<vmem>>, vector<16xi32>,
    tpu.vector_store %arg18[%swap3A_275, %swap3A_276], %while3A_31#10 {strides = array<i32>} : memref<2x128xi32, #tpu.memory_space<vmem>>, vector<16xi32>,
    %add3A_278 = arith.constant 48 : i32
    %add3A_279 = vector.broadcast %add3A_278 : i32 to vector<16xi32>
    %add3A_280 = arith.addi %iota3A, %add3A_279 : vector<16xi32>
    %min3A_281 = arith.constant 48 : i32
    %min3A_282 = vector.broadcast %min3A_281 : i32 to vector<16xi32>
    %min3A_283 = arith.minsi %add3A_280, %min3A_282 : vector<16xi32>
    %lt3A_284 = arith.constant 49 : i32
    %lt3A_285 = vector.broadcast %lt3A_284 : i32 to vector<16xi32>
    %lt3A_286 = arith.cmpi slt, %add3A_280, %lt3A_285 : vector<16xi32>
    %ne3A_287 = arith.constant 0 : i32
    %ne3A_288 = vector.broadcast %ne3A_287 : i32 to vector<16xi32>
    %ne3A_289 = arith.cmpi ne, %while3A_31#11, %ne3A_288 : vector<16xi32>
    %broadcast_in_dim3A_290 = arith.constant 0 : i32
    %broadcast_in_dim3A_291 = vector.broadcast %broadcast_in_dim3A_290 : i32 to vector<16xi32>
    %mul3A_292 = arith.constant 6 : i32
    %mul3A_293 = vector.broadcast %mul3A_292 : i32 to vector<16xi32>
    %mul3A_294 = arith.muli %min3A_283, %mul3A_293 : vector<16xi32>
    %add3A_295 = arith.constant 0 : i32
    %add3A_296 = vector.broadcast %add3A_295 : i32 to vector<16xi32>
    %add3A_297 = arith.addi %mul3A_294, %add3A_296 : vector<16xi32>
    %get3A_298 = arith.constant 48 : index
    %get3A_299 = tpu.vector_load %arg6[%get3A_298] {strides = array<i32>} : memref<128xf32, #tpu.memory_space<vmem>>, vector<16xf32>,
    %jit3A_300 = arith.constant 0.000000e+00 : f32
    %broadcast_in_dim3A_301 = vector.broadcast %jit3A_300 : f32 to vector<16xf32>
    %select_n3A_302 = arith.select %ne3A_289, %get3A_299, %broadcast_in_dim3A_301 : vector<16xi1>, vector<16xf32>
    tpu.vector_store_idx %arg19[%broadcast_in_dim3A_291, %add3A_297], %select_n3A_302 masked %lt3A_286 : memref<2x320xf32, #tpu.memory_space<vmem>>[vector<16xi32>, vector<16xi32>], vector<16xf32>, vector<16xi1>
    %mul3A_303 = arith.constant 6 : i32
    %mul3A_304 = vector.broadcast %mul3A_303 : i32 to vector<16xi32>
    %mul3A_305 = arith.muli %min3A_283, %mul3A_304 : vector<16xi32>
    %add3A_306 = arith.constant 1 : i32
    %add3A_307 = vector.broadcast %add3A_306 : i32 to vector<16xi32>
    %add3A_308 = arith.addi %mul3A_305, %add3A_307 : vector<16xi32>
    %get3A_309 = arith.constant 48 : index
    %get3A_310 = tpu.vector_load %arg7[%get3A_309] {strides = array<i32>} : memref<128xf32, #tpu.memory_space<vmem>>, vector<16xf32>,
    %jit3A_311 = arith.constant 0.000000e+00 : f32
    %broadcast_in_dim3A_312 = vector.broadcast %jit3A_311 : f32 to vector<16xf32>
    %select_n3A_313 = arith.select %ne3A_289, %get3A_310, %broadcast_in_dim3A_312 : vector<16xi1>, vector<16xf32>
    tpu.vector_store_idx %arg19[%broadcast_in_dim3A_291, %add3A_308], %select_n3A_313 masked %lt3A_286 : memref<2x320xf32, #tpu.memory_space<vmem>>[vector<16xi32>, vector<16xi32>], vector<16xf32>, vector<16xi1>
    %mul3A_314 = arith.constant 6 : i32
    %mul3A_315 = vector.broadcast %mul3A_314 : i32 to vector<16xi32>
    %mul3A_316 = arith.muli %min3A_283, %mul3A_315 : vector<16xi32>
    %add3A_317 = arith.constant 2 : i32
    %add3A_318 = vector.broadcast %add3A_317 : i32 to vector<16xi32>
    %add3A_319 = arith.addi %mul3A_316, %add3A_318 : vector<16xi32>
    %get3A_320 = arith.constant 48 : index
    %get3A_321 = tpu.vector_load %arg8[%get3A_320] {strides = array<i32>} : memref<128xf32, #tpu.memory_space<vmem>>, vector<16xf32>,
    %jit3A_322 = arith.constant 0.000000e+00 : f32
    %broadcast_in_dim3A_323 = vector.broadcast %jit3A_322 : f32 to vector<16xf32>
    %select_n3A_324 = arith.select %ne3A_289, %get3A_321, %broadcast_in_dim3A_323 : vector<16xi1>, vector<16xf32>
    tpu.vector_store_idx %arg19[%broadcast_in_dim3A_291, %add3A_319], %select_n3A_324 masked %lt3A_286 : memref<2x320xf32, #tpu.memory_space<vmem>>[vector<16xi32>, vector<16xi32>], vector<16xf32>, vector<16xi1>
    %mul3A_325 = arith.constant 6 : i32
    %mul3A_326 = vector.broadcast %mul3A_325 : i32 to vector<16xi32>
    %mul3A_327 = arith.muli %min3A_283, %mul3A_326 : vector<16xi32>
    %add3A_328 = arith.constant 3 : i32
    %add3A_329 = vector.broadcast %add3A_328 : i32 to vector<16xi32>
    %add3A_330 = arith.addi %mul3A_327, %add3A_329 : vector<16xi32>
    %get3A_331 = arith.constant 48 : index
    %get3A_332 = tpu.vector_load %arg9[%get3A_331] {strides = array<i32>} : memref<128xf32, #tpu.memory_space<vmem>>, vector<16xf32>,
    %jit3A_333 = arith.constant 0.000000e+00 : f32
    %broadcast_in_dim3A_334 = vector.broadcast %jit3A_333 : f32 to vector<16xf32>
    %select_n3A_335 = arith.select %ne3A_289, %get3A_332, %broadcast_in_dim3A_334 : vector<16xi1>, vector<16xf32>
    tpu.vector_store_idx %arg19[%broadcast_in_dim3A_291, %add3A_330], %select_n3A_335 masked %lt3A_286 : memref<2x320xf32, #tpu.memory_space<vmem>>[vector<16xi32>, vector<16xi32>], vector<16xf32>, vector<16xi1>
    %mul3A_336 = arith.constant 6 : i32
    %mul3A_337 = vector.broadcast %mul3A_336 : i32 to vector<16xi32>
    %mul3A_338 = arith.muli %min3A_283, %mul3A_337 : vector<16xi32>
    %add3A_339 = arith.constant 4 : i32
    %add3A_340 = vector.broadcast %add3A_339 : i32 to vector<16xi32>
    %add3A_341 = arith.addi %mul3A_338, %add3A_340 : vector<16xi32>
    %get3A_342 = arith.constant 48 : index
    %get3A_343 = tpu.vector_load %arg10[%get3A_342] {strides = array<i32>} : memref<128xf32, #tpu.memory_space<vmem>>, vector<16xf32>,
    %jit3A_344 = arith.constant 0.000000e+00 : f32
    %broadcast_in_dim3A_345 = vector.broadcast %jit3A_344 : f32 to vector<16xf32>
    %select_n3A_346 = arith.select %ne3A_289, %get3A_343, %broadcast_in_dim3A_345 : vector<16xi1>, vector<16xf32>
    tpu.vector_store_idx %arg19[%broadcast_in_dim3A_291, %add3A_341], %select_n3A_346 masked %lt3A_286 : memref<2x320xf32, #tpu.memory_space<vmem>>[vector<16xi32>, vector<16xi32>], vector<16xf32>, vector<16xi1>
    %mul3A_347 = arith.constant 6 : i32
    %mul3A_348 = vector.broadcast %mul3A_347 : i32 to vector<16xi32>
    %mul3A_349 = arith.muli %min3A_283, %mul3A_348 : vector<16xi32>
    %add3A_350 = arith.constant 5 : i32
    %add3A_351 = vector.broadcast %add3A_350 : i32 to vector<16xi32>
    %add3A_352 = arith.addi %mul3A_349, %add3A_351 : vector<16xi32>
    %get3A_353 = arith.constant 48 : index
    %get3A_354 = tpu.vector_load %arg11[%get3A_353] {strides = array<i32>} : memref<128xf32, #tpu.memory_space<vmem>>, vector<16xf32>,
    %jit3A_355 = arith.constant 0.000000e+00 : f32
    %broadcast_in_dim3A_356 = vector.broadcast %jit3A_355 : f32 to vector<16xf32>
    %select_n3A_357 = arith.select %ne3A_289, %get3A_354, %broadcast_in_dim3A_356 : vector<16xi1>, vector<16xf32>
    tpu.vector_store_idx %arg19[%broadcast_in_dim3A_291, %add3A_352], %select_n3A_357 masked %lt3A_286 : memref<2x320xf32, #tpu.memory_space<vmem>>[vector<16xi32>, vector<16xi32>], vector<16xf32>, vector<16xi1>
    %swap3A_358 = arith.constant 0 : i32
    %swap3A_359 = arith.index_cast %swap3A_358 : i32 to index
    %swap3A_360 = arith.constant 112 : index
    %swap3A_361 = tpu.vector_load %arg18[%swap3A_359, %swap3A_360] {strides = array<i32>} : memref<2x128xi32, #tpu.memory_space<vmem>>, vector<16xi32>,
    tpu.vector_store %arg18[%swap3A_359, %swap3A_360], %while3A_31#11 {strides = array<i32>} : memref<2x128xi32, #tpu.memory_space<vmem>>, vector<16xi32>,
    %add3A_362 = arith.constant 0 : i32
    %add3A_363 = vector.broadcast %add3A_362 : i32 to vector<16xi32>
    %add3A_364 = arith.addi %iota3A, %add3A_363 : vector<16xi32>
    %min3A_365 = arith.constant 48 : i32
    %min3A_366 = vector.broadcast %min3A_365 : i32 to vector<16xi32>
    %min3A_367 = arith.minsi %add3A_364, %min3A_366 : vector<16xi32>
    %lt3A_368 = arith.constant 49 : i32
    %lt3A_369 = vector.broadcast %lt3A_368 : i32 to vector<16xi32>
    %lt3A_370 = arith.cmpi slt, %add3A_364, %lt3A_369 : vector<16xi32>
    %ne3A_371 = arith.constant 0 : i32
    %ne3A_372 = vector.broadcast %ne3A_371 : i32 to vector<16xi32>
    %ne3A_373 = arith.cmpi ne, %while3A_31#12, %ne3A_372 : vector<16xi32>
    %broadcast_in_dim3A_374 = arith.constant 1 : i32
    %broadcast_in_dim3A_375 = vector.broadcast %broadcast_in_dim3A_374 : i32 to vector<16xi32>
    %mul3A_376 = arith.constant 6 : i32
    %mul3A_377 = vector.broadcast %mul3A_376 : i32 to vector<16xi32>
    %mul3A_378 = arith.muli %min3A_367, %mul3A_377 : vector<16xi32>
    %add3A_379 = arith.constant 0 : i32
    %add3A_380 = vector.broadcast %add3A_379 : i32 to vector<16xi32>
    %add3A_381 = arith.addi %mul3A_378, %add3A_380 : vector<16xi32>
    %get3A_382 = arith.constant 64 : index
    %get3A_383 = tpu.vector_load %arg6[%get3A_382] {strides = array<i32>} : memref<128xf32, #tpu.memory_space<vmem>>, vector<16xf32>,
    %jit3A_384 = arith.constant 0.000000e+00 : f32
    %broadcast_in_dim3A_385 = vector.broadcast %jit3A_384 : f32 to vector<16xf32>
    %select_n3A_386 = arith.select %ne3A_373, %get3A_383, %broadcast_in_dim3A_385 : vector<16xi1>, vector<16xf32>
    tpu.vector_store_idx %arg19[%broadcast_in_dim3A_375, %add3A_381], %select_n3A_386 masked %lt3A_370 : memref<2x320xf32, #tpu.memory_space<vmem>>[vector<16xi32>, vector<16xi32>], vector<16xf32>, vector<16xi1>
    %mul3A_387 = arith.constant 6 : i32
    %mul3A_388 = vector.broadcast %mul3A_387 : i32 to vector<16xi32>
    %mul3A_389 = arith.muli %min3A_367, %mul3A_388 : vector<16xi32>
    %add3A_390 = arith.constant 1 : i32
    %add3A_391 = vector.broadcast %add3A_390 : i32 to vector<16xi32>
    %add3A_392 = arith.addi %mul3A_389, %add3A_391 : vector<16xi32>
    %get3A_393 = arith.constant 64 : index
    %get3A_394 = tpu.vector_load %arg7[%get3A_393] {strides = array<i32>} : memref<128xf32, #tpu.memory_space<vmem>>, vector<16xf32>,
    %jit3A_395 = arith.constant 0.000000e+00 : f32
    %broadcast_in_dim3A_396 = vector.broadcast %jit3A_395 : f32 to vector<16xf32>
    %select_n3A_397 = arith.select %ne3A_373, %get3A_394, %broadcast_in_dim3A_396 : vector<16xi1>, vector<16xf32>
    tpu.vector_store_idx %arg19[%broadcast_in_dim3A_375, %add3A_392], %select_n3A_397 masked %lt3A_370 : memref<2x320xf32, #tpu.memory_space<vmem>>[vector<16xi32>, vector<16xi32>], vector<16xf32>, vector<16xi1>
    %mul3A_398 = arith.constant 6 : i32
    %mul3A_399 = vector.broadcast %mul3A_398 : i32 to vector<16xi32>
    %mul3A_400 = arith.muli %min3A_367, %mul3A_399 : vector<16xi32>
    %add3A_401 = arith.constant 2 : i32
    %add3A_402 = vector.broadcast %add3A_401 : i32 to vector<16xi32>
    %add3A_403 = arith.addi %mul3A_400, %add3A_402 : vector<16xi32>
    %get3A_404 = arith.constant 64 : index
    %get3A_405 = tpu.vector_load %arg8[%get3A_404] {strides = array<i32>} : memref<128xf32, #tpu.memory_space<vmem>>, vector<16xf32>,
    %jit3A_406 = arith.constant 0.000000e+00 : f32
    %broadcast_in_dim3A_407 = vector.broadcast %jit3A_406 : f32 to vector<16xf32>
    %select_n3A_408 = arith.select %ne3A_373, %get3A_405, %broadcast_in_dim3A_407 : vector<16xi1>, vector<16xf32>
    tpu.vector_store_idx %arg19[%broadcast_in_dim3A_375, %add3A_403], %select_n3A_408 masked %lt3A_370 : memref<2x320xf32, #tpu.memory_space<vmem>>[vector<16xi32>, vector<16xi32>], vector<16xf32>, vector<16xi1>
    %mul3A_409 = arith.constant 6 : i32
    %mul3A_410 = vector.broadcast %mul3A_409 : i32 to vector<16xi32>
    %mul3A_411 = arith.muli %min3A_367, %mul3A_410 : vector<16xi32>
    %add3A_412 = arith.constant 3 : i32
    %add3A_413 = vector.broadcast %add3A_412 : i32 to vector<16xi32>
    %add3A_414 = arith.addi %mul3A_411, %add3A_413 : vector<16xi32>
    %get3A_415 = arith.constant 64 : index
    %get3A_416 = tpu.vector_load %arg9[%get3A_415] {strides = array<i32>} : memref<128xf32, #tpu.memory_space<vmem>>, vector<16xf32>,
    %jit3A_417 = arith.constant 0.000000e+00 : f32
    %broadcast_in_dim3A_418 = vector.broadcast %jit3A_417 : f32 to vector<16xf32>
    %select_n3A_419 = arith.select %ne3A_373, %get3A_416, %broadcast_in_dim3A_418 : vector<16xi1>, vector<16xf32>
    tpu.vector_store_idx %arg19[%broadcast_in_dim3A_375, %add3A_414], %select_n3A_419 masked %lt3A_370 : memref<2x320xf32, #tpu.memory_space<vmem>>[vector<16xi32>, vector<16xi32>], vector<16xf32>, vector<16xi1>
    %mul3A_420 = arith.constant 6 : i32
    %mul3A_421 = vector.broadcast %mul3A_420 : i32 to vector<16xi32>
    %mul3A_422 = arith.muli %min3A_367, %mul3A_421 : vector<16xi32>
    %add3A_423 = arith.constant 4 : i32
    %add3A_424 = vector.broadcast %add3A_423 : i32 to vector<16xi32>
    %add3A_425 = arith.addi %mul3A_422, %add3A_424 : vector<16xi32>
    %get3A_426 = arith.constant 64 : index
    %get3A_427 = tpu.vector_load %arg10[%get3A_426] {strides = array<i32>} : memref<128xf32, #tpu.memory_space<vmem>>, vector<16xf32>,
    %jit3A_428 = arith.constant 0.000000e+00 : f32
    %broadcast_in_dim3A_429 = vector.broadcast %jit3A_428 : f32 to vector<16xf32>
    %select_n3A_430 = arith.select %ne3A_373, %get3A_427, %broadcast_in_dim3A_429 : vector<16xi1>, vector<16xf32>
    tpu.vector_store_idx %arg19[%broadcast_in_dim3A_375, %add3A_425], %select_n3A_430 masked %lt3A_370 : memref<2x320xf32, #tpu.memory_space<vmem>>[vector<16xi32>, vector<16xi32>], vector<16xf32>, vector<16xi1>
    %mul3A_431 = arith.constant 6 : i32
    %mul3A_432 = vector.broadcast %mul3A_431 : i32 to vector<16xi32>
    %mul3A_433 = arith.muli %min3A_367, %mul3A_432 : vector<16xi32>
    %add3A_434 = arith.constant 5 : i32
    %add3A_435 = vector.broadcast %add3A_434 : i32 to vector<16xi32>
    %add3A_436 = arith.addi %mul3A_433, %add3A_435 : vector<16xi32>
    %get3A_437 = arith.constant 64 : index
    %get3A_438 = tpu.vector_load %arg11[%get3A_437] {strides = array<i32>} : memref<128xf32, #tpu.memory_space<vmem>>, vector<16xf32>,
    %jit3A_439 = arith.constant 0.000000e+00 : f32
    %broadcast_in_dim3A_440 = vector.broadcast %jit3A_439 : f32 to vector<16xf32>
    %select_n3A_441 = arith.select %ne3A_373, %get3A_438, %broadcast_in_dim3A_440 : vector<16xi1>, vector<16xf32>
    tpu.vector_store_idx %arg19[%broadcast_in_dim3A_375, %add3A_436], %select_n3A_441 masked %lt3A_370 : memref<2x320xf32, #tpu.memory_space<vmem>>[vector<16xi32>, vector<16xi32>], vector<16xf32>, vector<16xi1>
    %swap3A_442 = arith.constant 1 : i32
    %swap3A_443 = arith.index_cast %swap3A_442 : i32 to index
    %swap3A_444 = arith.constant 64 : index
    %swap3A_445 = tpu.vector_load %arg18[%swap3A_443, %swap3A_444] {strides = array<i32>} : memref<2x128xi32, #tpu.memory_space<vmem>>, vector<16xi32>,
    tpu.vector_store %arg18[%swap3A_443, %swap3A_444], %while3A_31#12 {strides = array<i32>} : memref<2x128xi32, #tpu.memory_space<vmem>>, vector<16xi32>,
    %add3A_446 = arith.constant 16 : i32
    %add3A_447 = vector.broadcast %add3A_446 : i32 to vector<16xi32>
    %add3A_448 = arith.addi %iota3A, %add3A_447 : vector<16xi32>
    %min3A_449 = arith.constant 48 : i32
    %min3A_450 = vector.broadcast %min3A_449 : i32 to vector<16xi32>
    %min3A_451 = arith.minsi %add3A_448, %min3A_450 : vector<16xi32>
    %lt3A_452 = arith.constant 49 : i32
    %lt3A_453 = vector.broadcast %lt3A_452 : i32 to vector<16xi32>
    %lt3A_454 = arith.cmpi slt, %add3A_448, %lt3A_453 : vector<16xi32>
    %ne3A_455 = arith.constant 0 : i32
    %ne3A_456 = vector.broadcast %ne3A_455 : i32 to vector<16xi32>
    %ne3A_457 = arith.cmpi ne, %while3A_31#13, %ne3A_456 : vector<16xi32>
    %broadcast_in_dim3A_458 = arith.constant 1 : i32
    %broadcast_in_dim3A_459 = vector.broadcast %broadcast_in_dim3A_458 : i32 to vector<16xi32>
    %mul3A_460 = arith.constant 6 : i32
    %mul3A_461 = vector.broadcast %mul3A_460 : i32 to vector<16xi32>
    %mul3A_462 = arith.muli %min3A_451, %mul3A_461 : vector<16xi32>
    %add3A_463 = arith.constant 0 : i32
    %add3A_464 = vector.broadcast %add3A_463 : i32 to vector<16xi32>
    %add3A_465 = arith.addi %mul3A_462, %add3A_464 : vector<16xi32>
    %get3A_466 = arith.constant 80 : index
    %get3A_467 = tpu.vector_load %arg6[%get3A_466] {strides = array<i32>} : memref<128xf32, #tpu.memory_space<vmem>>, vector<16xf32>,
    %jit3A_468 = arith.constant 0.000000e+00 : f32
    %broadcast_in_dim3A_469 = vector.broadcast %jit3A_468 : f32 to vector<16xf32>
    %select_n3A_470 = arith.select %ne3A_457, %get3A_467, %broadcast_in_dim3A_469 : vector<16xi1>, vector<16xf32>
    tpu.vector_store_idx %arg19[%broadcast_in_dim3A_459, %add3A_465], %select_n3A_470 masked %lt3A_454 : memref<2x320xf32, #tpu.memory_space<vmem>>[vector<16xi32>, vector<16xi32>], vector<16xf32>, vector<16xi1>
    %mul3A_471 = arith.constant 6 : i32
    %mul3A_472 = vector.broadcast %mul3A_471 : i32 to vector<16xi32>
    %mul3A_473 = arith.muli %min3A_451, %mul3A_472 : vector<16xi32>
    %add3A_474 = arith.constant 1 : i32
    %add3A_475 = vector.broadcast %add3A_474 : i32 to vector<16xi32>
    %add3A_476 = arith.addi %mul3A_473, %add3A_475 : vector<16xi32>
    %get3A_477 = arith.constant 80 : index
    %get3A_478 = tpu.vector_load %arg7[%get3A_477] {strides = array<i32>} : memref<128xf32, #tpu.memory_space<vmem>>, vector<16xf32>,
    %jit3A_479 = arith.constant 0.000000e+00 : f32
    %broadcast_in_dim3A_480 = vector.broadcast %jit3A_479 : f32 to vector<16xf32>
    %select_n3A_481 = arith.select %ne3A_457, %get3A_478, %broadcast_in_dim3A_480 : vector<16xi1>, vector<16xf32>
    tpu.vector_store_idx %arg19[%broadcast_in_dim3A_459, %add3A_476], %select_n3A_481 masked %lt3A_454 : memref<2x320xf32, #tpu.memory_space<vmem>>[vector<16xi32>, vector<16xi32>], vector<16xf32>, vector<16xi1>
    %mul3A_482 = arith.constant 6 : i32
    %mul3A_483 = vector.broadcast %mul3A_482 : i32 to vector<16xi32>
    %mul3A_484 = arith.muli %min3A_451, %mul3A_483 : vector<16xi32>
    %add3A_485 = arith.constant 2 : i32
    %add3A_486 = vector.broadcast %add3A_485 : i32 to vector<16xi32>
    %add3A_487 = arith.addi %mul3A_484, %add3A_486 : vector<16xi32>
    %get3A_488 = arith.constant 80 : index
    %get3A_489 = tpu.vector_load %arg8[%get3A_488] {strides = array<i32>} : memref<128xf32, #tpu.memory_space<vmem>>, vector<16xf32>,
    %jit3A_490 = arith.constant 0.000000e+00 : f32
    %broadcast_in_dim3A_491 = vector.broadcast %jit3A_490 : f32 to vector<16xf32>
    %select_n3A_492 = arith.select %ne3A_457, %get3A_489, %broadcast_in_dim3A_491 : vector<16xi1>, vector<16xf32>
    tpu.vector_store_idx %arg19[%broadcast_in_dim3A_459, %add3A_487], %select_n3A_492 masked %lt3A_454 : memref<2x320xf32, #tpu.memory_space<vmem>>[vector<16xi32>, vector<16xi32>], vector<16xf32>, vector<16xi1>
    %mul3A_493 = arith.constant 6 : i32
    %mul3A_494 = vector.broadcast %mul3A_493 : i32 to vector<16xi32>
    %mul3A_495 = arith.muli %min3A_451, %mul3A_494 : vector<16xi32>
    %add3A_496 = arith.constant 3 : i32
    %add3A_497 = vector.broadcast %add3A_496 : i32 to vector<16xi32>
    %add3A_498 = arith.addi %mul3A_495, %add3A_497 : vector<16xi32>
    %get3A_499 = arith.constant 80 : index
    %get3A_500 = tpu.vector_load %arg9[%get3A_499] {strides = array<i32>} : memref<128xf32, #tpu.memory_space<vmem>>, vector<16xf32>,
    %jit3A_501 = arith.constant 0.000000e+00 : f32
    %broadcast_in_dim3A_502 = vector.broadcast %jit3A_501 : f32 to vector<16xf32>
    %select_n3A_503 = arith.select %ne3A_457, %get3A_500, %broadcast_in_dim3A_502 : vector<16xi1>, vector<16xf32>
    tpu.vector_store_idx %arg19[%broadcast_in_dim3A_459, %add3A_498], %select_n3A_503 masked %lt3A_454 : memref<2x320xf32, #tpu.memory_space<vmem>>[vector<16xi32>, vector<16xi32>], vector<16xf32>, vector<16xi1>
    %mul3A_504 = arith.constant 6 : i32
    %mul3A_505 = vector.broadcast %mul3A_504 : i32 to vector<16xi32>
    %mul3A_506 = arith.muli %min3A_451, %mul3A_505 : vector<16xi32>
    %add3A_507 = arith.constant 4 : i32
    %add3A_508 = vector.broadcast %add3A_507 : i32 to vector<16xi32>
    %add3A_509 = arith.addi %mul3A_506, %add3A_508 : vector<16xi32>
    %get3A_510 = arith.constant 80 : index
    %get3A_511 = tpu.vector_load %arg10[%get3A_510] {strides = array<i32>} : memref<128xf32, #tpu.memory_space<vmem>>, vector<16xf32>,
    %jit3A_512 = arith.constant 0.000000e+00 : f32
    %broadcast_in_dim3A_513 = vector.broadcast %jit3A_512 : f32 to vector<16xf32>
    %select_n3A_514 = arith.select %ne3A_457, %get3A_511, %broadcast_in_dim3A_513 : vector<16xi1>, vector<16xf32>
    tpu.vector_store_idx %arg19[%broadcast_in_dim3A_459, %add3A_509], %select_n3A_514 masked %lt3A_454 : memref<2x320xf32, #tpu.memory_space<vmem>>[vector<16xi32>, vector<16xi32>], vector<16xf32>, vector<16xi1>
    %mul3A_515 = arith.constant 6 : i32
    %mul3A_516 = vector.broadcast %mul3A_515 : i32 to vector<16xi32>
    %mul3A_517 = arith.muli %min3A_451, %mul3A_516 : vector<16xi32>
    %add3A_518 = arith.constant 5 : i32
    %add3A_519 = vector.broadcast %add3A_518 : i32 to vector<16xi32>
    %add3A_520 = arith.addi %mul3A_517, %add3A_519 : vector<16xi32>
    %get3A_521 = arith.constant 80 : index
    %get3A_522 = tpu.vector_load %arg11[%get3A_521] {strides = array<i32>} : memref<128xf32, #tpu.memory_space<vmem>>, vector<16xf32>,
    %jit3A_523 = arith.constant 0.000000e+00 : f32
    %broadcast_in_dim3A_524 = vector.broadcast %jit3A_523 : f32 to vector<16xf32>
    %select_n3A_525 = arith.select %ne3A_457, %get3A_522, %broadcast_in_dim3A_524 : vector<16xi1>, vector<16xf32>
    tpu.vector_store_idx %arg19[%broadcast_in_dim3A_459, %add3A_520], %select_n3A_525 masked %lt3A_454 : memref<2x320xf32, #tpu.memory_space<vmem>>[vector<16xi32>, vector<16xi32>], vector<16xf32>, vector<16xi1>
    %swap3A_526 = arith.constant 1 : i32
    %swap3A_527 = arith.index_cast %swap3A_526 : i32 to index
    %swap3A_528 = arith.constant 80 : index
    %swap3A_529 = tpu.vector_load %arg18[%swap3A_527, %swap3A_528] {strides = array<i32>} : memref<2x128xi32, #tpu.memory_space<vmem>>, vector<16xi32>,
    tpu.vector_store %arg18[%swap3A_527, %swap3A_528], %while3A_31#13 {strides = array<i32>} : memref<2x128xi32, #tpu.memory_space<vmem>>, vector<16xi32>,
    %add3A_530 = arith.constant 32 : i32
    %add3A_531 = vector.broadcast %add3A_530 : i32 to vector<16xi32>
    %add3A_532 = arith.addi %iota3A, %add3A_531 : vector<16xi32>
    %min3A_533 = arith.constant 48 : i32
    %min3A_534 = vector.broadcast %min3A_533 : i32 to vector<16xi32>
    %min3A_535 = arith.minsi %add3A_532, %min3A_534 : vector<16xi32>
    %lt3A_536 = arith.constant 49 : i32
    %lt3A_537 = vector.broadcast %lt3A_536 : i32 to vector<16xi32>
    %lt3A_538 = arith.cmpi slt, %add3A_532, %lt3A_537 : vector<16xi32>
    %ne3A_539 = arith.constant 0 : i32
    %ne3A_540 = vector.broadcast %ne3A_539 : i32 to vector<16xi32>
    %ne3A_541 = arith.cmpi ne, %while3A_31#14, %ne3A_540 : vector<16xi32>
    %broadcast_in_dim3A_542 = arith.constant 1 : i32
    %broadcast_in_dim3A_543 = vector.broadcast %broadcast_in_dim3A_542 : i32 to vector<16xi32>
    %mul3A_544 = arith.constant 6 : i32
    %mul3A_545 = vector.broadcast %mul3A_544 : i32 to vector<16xi32>
    %mul3A_546 = arith.muli %min3A_535, %mul3A_545 : vector<16xi32>
    %add3A_547 = arith.constant 0 : i32
    %add3A_548 = vector.broadcast %add3A_547 : i32 to vector<16xi32>
    %add3A_549 = arith.addi %mul3A_546, %add3A_548 : vector<16xi32>
    %get3A_550 = arith.constant 96 : index
    %get3A_551 = tpu.vector_load %arg6[%get3A_550] {strides = array<i32>} : memref<128xf32, #tpu.memory_space<vmem>>, vector<16xf32>,
    %jit3A_552 = arith.constant 0.000000e+00 : f32
    %broadcast_in_dim3A_553 = vector.broadcast %jit3A_552 : f32 to vector<16xf32>
    %select_n3A_554 = arith.select %ne3A_541, %get3A_551, %broadcast_in_dim3A_553 : vector<16xi1>, vector<16xf32>
    tpu.vector_store_idx %arg19[%broadcast_in_dim3A_543, %add3A_549], %select_n3A_554 masked %lt3A_538 : memref<2x320xf32, #tpu.memory_space<vmem>>[vector<16xi32>, vector<16xi32>], vector<16xf32>, vector<16xi1>
    %mul3A_555 = arith.constant 6 : i32
    %mul3A_556 = vector.broadcast %mul3A_555 : i32 to vector<16xi32>
    %mul3A_557 = arith.muli %min3A_535, %mul3A_556 : vector<16xi32>
    %add3A_558 = arith.constant 1 : i32
    %add3A_559 = vector.broadcast %add3A_558 : i32 to vector<16xi32>
    %add3A_560 = arith.addi %mul3A_557, %add3A_559 : vector<16xi32>
    %get3A_561 = arith.constant 96 : index
    %get3A_562 = tpu.vector_load %arg7[%get3A_561] {strides = array<i32>} : memref<128xf32, #tpu.memory_space<vmem>>, vector<16xf32>,
    %jit3A_563 = arith.constant 0.000000e+00 : f32
    %broadcast_in_dim3A_564 = vector.broadcast %jit3A_563 : f32 to vector<16xf32>
    %select_n3A_565 = arith.select %ne3A_541, %get3A_562, %broadcast_in_dim3A_564 : vector<16xi1>, vector<16xf32>
    tpu.vector_store_idx %arg19[%broadcast_in_dim3A_543, %add3A_560], %select_n3A_565 masked %lt3A_538 : memref<2x320xf32, #tpu.memory_space<vmem>>[vector<16xi32>, vector<16xi32>], vector<16xf32>, vector<16xi1>
    %mul3A_566 = arith.constant 6 : i32
    %mul3A_567 = vector.broadcast %mul3A_566 : i32 to vector<16xi32>
    %mul3A_568 = arith.muli %min3A_535, %mul3A_567 : vector<16xi32>
    %add3A_569 = arith.constant 2 : i32
    %add3A_570 = vector.broadcast %add3A_569 : i32 to vector<16xi32>
    %add3A_571 = arith.addi %mul3A_568, %add3A_570 : vector<16xi32>
    %get3A_572 = arith.constant 96 : index
    %get3A_573 = tpu.vector_load %arg8[%get3A_572] {strides = array<i32>} : memref<128xf32, #tpu.memory_space<vmem>>, vector<16xf32>,
    %jit3A_574 = arith.constant 0.000000e+00 : f32
    %broadcast_in_dim3A_575 = vector.broadcast %jit3A_574 : f32 to vector<16xf32>
    %select_n3A_576 = arith.select %ne3A_541, %get3A_573, %broadcast_in_dim3A_575 : vector<16xi1>, vector<16xf32>
    tpu.vector_store_idx %arg19[%broadcast_in_dim3A_543, %add3A_571], %select_n3A_576 masked %lt3A_538 : memref<2x320xf32, #tpu.memory_space<vmem>>[vector<16xi32>, vector<16xi32>], vector<16xf32>, vector<16xi1>
    %mul3A_577 = arith.constant 6 : i32
    %mul3A_578 = vector.broadcast %mul3A_577 : i32 to vector<16xi32>
    %mul3A_579 = arith.muli %min3A_535, %mul3A_578 : vector<16xi32>
    %add3A_580 = arith.constant 3 : i32
    %add3A_581 = vector.broadcast %add3A_580 : i32 to vector<16xi32>
    %add3A_582 = arith.addi %mul3A_579, %add3A_581 : vector<16xi32>
    %get3A_583 = arith.constant 96 : index
    %get3A_584 = tpu.vector_load %arg9[%get3A_583] {strides = array<i32>} : memref<128xf32, #tpu.memory_space<vmem>>, vector<16xf32>,
    %jit3A_585 = arith.constant 0.000000e+00 : f32
    %broadcast_in_dim3A_586 = vector.broadcast %jit3A_585 : f32 to vector<16xf32>
    %select_n3A_587 = arith.select %ne3A_541, %get3A_584, %broadcast_in_dim3A_586 : vector<16xi1>, vector<16xf32>
    tpu.vector_store_idx %arg19[%broadcast_in_dim3A_543, %add3A_582], %select_n3A_587 masked %lt3A_538 : memref<2x320xf32, #tpu.memory_space<vmem>>[vector<16xi32>, vector<16xi32>], vector<16xf32>, vector<16xi1>
    %mul3A_588 = arith.constant 6 : i32
    %mul3A_589 = vector.broadcast %mul3A_588 : i32 to vector<16xi32>
    %mul3A_590 = arith.muli %min3A_535, %mul3A_589 : vector<16xi32>
    %add3A_591 = arith.constant 4 : i32
    %add3A_592 = vector.broadcast %add3A_591 : i32 to vector<16xi32>
    %add3A_593 = arith.addi %mul3A_590, %add3A_592 : vector<16xi32>
    %get3A_594 = arith.constant 96 : index
    %get3A_595 = tpu.vector_load %arg10[%get3A_594] {strides = array<i32>} : memref<128xf32, #tpu.memory_space<vmem>>, vector<16xf32>,
    %jit3A_596 = arith.constant 0.000000e+00 : f32
    %broadcast_in_dim3A_597 = vector.broadcast %jit3A_596 : f32 to vector<16xf32>
    %select_n3A_598 = arith.select %ne3A_541, %get3A_595, %broadcast_in_dim3A_597 : vector<16xi1>, vector<16xf32>
    tpu.vector_store_idx %arg19[%broadcast_in_dim3A_543, %add3A_593], %select_n3A_598 masked %lt3A_538 : memref<2x320xf32, #tpu.memory_space<vmem>>[vector<16xi32>, vector<16xi32>], vector<16xf32>, vector<16xi1>
    %mul3A_599 = arith.constant 6 : i32
    %mul3A_600 = vector.broadcast %mul3A_599 : i32 to vector<16xi32>
    %mul3A_601 = arith.muli %min3A_535, %mul3A_600 : vector<16xi32>
    %add3A_602 = arith.constant 5 : i32
    %add3A_603 = vector.broadcast %add3A_602 : i32 to vector<16xi32>
    %add3A_604 = arith.addi %mul3A_601, %add3A_603 : vector<16xi32>
    %get3A_605 = arith.constant 96 : index
    %get3A_606 = tpu.vector_load %arg11[%get3A_605] {strides = array<i32>} : memref<128xf32, #tpu.memory_space<vmem>>, vector<16xf32>,
    %jit3A_607 = arith.constant 0.000000e+00 : f32
    %broadcast_in_dim3A_608 = vector.broadcast %jit3A_607 : f32 to vector<16xf32>
    %select_n3A_609 = arith.select %ne3A_541, %get3A_606, %broadcast_in_dim3A_608 : vector<16xi1>, vector<16xf32>
    tpu.vector_store_idx %arg19[%broadcast_in_dim3A_543, %add3A_604], %select_n3A_609 masked %lt3A_538 : memref<2x320xf32, #tpu.memory_space<vmem>>[vector<16xi32>, vector<16xi32>], vector<16xf32>, vector<16xi1>
    %swap3A_610 = arith.constant 1 : i32
    %swap3A_611 = arith.index_cast %swap3A_610 : i32 to index
    %swap3A_612 = arith.constant 96 : index
    %swap3A_613 = tpu.vector_load %arg18[%swap3A_611, %swap3A_612] {strides = array<i32>} : memref<2x128xi32, #tpu.memory_space<vmem>>, vector<16xi32>,
    tpu.vector_store %arg18[%swap3A_611, %swap3A_612], %while3A_31#14 {strides = array<i32>} : memref<2x128xi32, #tpu.memory_space<vmem>>, vector<16xi32>,
    %add3A_614 = arith.constant 48 : i32
    %add3A_615 = vector.broadcast %add3A_614 : i32 to vector<16xi32>
    %add3A_616 = arith.addi %iota3A, %add3A_615 : vector<16xi32>
    %min3A_617 = arith.constant 48 : i32
    %min3A_618 = vector.broadcast %min3A_617 : i32 to vector<16xi32>
    %min3A_619 = arith.minsi %add3A_616, %min3A_618 : vector<16xi32>
    %lt3A_620 = arith.constant 49 : i32
    %lt3A_621 = vector.broadcast %lt3A_620 : i32 to vector<16xi32>
    %lt3A_622 = arith.cmpi slt, %add3A_616, %lt3A_621 : vector<16xi32>
    %ne3A_623 = arith.constant 0 : i32
    %ne3A_624 = vector.broadcast %ne3A_623 : i32 to vector<16xi32>
    %ne3A_625 = arith.cmpi ne, %while3A_31#15, %ne3A_624 : vector<16xi32>
    %broadcast_in_dim3A_626 = arith.constant 1 : i32
    %broadcast_in_dim3A_627 = vector.broadcast %broadcast_in_dim3A_626 : i32 to vector<16xi32>
    %mul3A_628 = arith.constant 6 : i32
    %mul3A_629 = vector.broadcast %mul3A_628 : i32 to vector<16xi32>
    %mul3A_630 = arith.muli %min3A_619, %mul3A_629 : vector<16xi32>
    %add3A_631 = arith.constant 0 : i32
    %add3A_632 = vector.broadcast %add3A_631 : i32 to vector<16xi32>
    %add3A_633 = arith.addi %mul3A_630, %add3A_632 : vector<16xi32>
    %get3A_634 = arith.constant 112 : index
    %get3A_635 = tpu.vector_load %arg6[%get3A_634] {strides = array<i32>} : memref<128xf32, #tpu.memory_space<vmem>>, vector<16xf32>,
    %jit3A_636 = arith.constant 0.000000e+00 : f32
    %broadcast_in_dim3A_637 = vector.broadcast %jit3A_636 : f32 to vector<16xf32>
    %select_n3A_638 = arith.select %ne3A_625, %get3A_635, %broadcast_in_dim3A_637 : vector<16xi1>, vector<16xf32>
    tpu.vector_store_idx %arg19[%broadcast_in_dim3A_627, %add3A_633], %select_n3A_638 masked %lt3A_622 : memref<2x320xf32, #tpu.memory_space<vmem>>[vector<16xi32>, vector<16xi32>], vector<16xf32>, vector<16xi1>
    %mul3A_639 = arith.constant 6 : i32
    %mul3A_640 = vector.broadcast %mul3A_639 : i32 to vector<16xi32>
    %mul3A_641 = arith.muli %min3A_619, %mul3A_640 : vector<16xi32>
    %add3A_642 = arith.constant 1 : i32
    %add3A_643 = vector.broadcast %add3A_642 : i32 to vector<16xi32>
    %add3A_644 = arith.addi %mul3A_641, %add3A_643 : vector<16xi32>
    %get3A_645 = arith.constant 112 : index
    %get3A_646 = tpu.vector_load %arg7[%get3A_645] {strides = array<i32>} : memref<128xf32, #tpu.memory_space<vmem>>, vector<16xf32>,
    %jit3A_647 = arith.constant 0.000000e+00 : f32
    %broadcast_in_dim3A_648 = vector.broadcast %jit3A_647 : f32 to vector<16xf32>
    %select_n3A_649 = arith.select %ne3A_625, %get3A_646, %broadcast_in_dim3A_648 : vector<16xi1>, vector<16xf32>
    tpu.vector_store_idx %arg19[%broadcast_in_dim3A_627, %add3A_644], %select_n3A_649 masked %lt3A_622 : memref<2x320xf32, #tpu.memory_space<vmem>>[vector<16xi32>, vector<16xi32>], vector<16xf32>, vector<16xi1>
    %mul3A_650 = arith.constant 6 : i32
    %mul3A_651 = vector.broadcast %mul3A_650 : i32 to vector<16xi32>
    %mul3A_652 = arith.muli %min3A_619, %mul3A_651 : vector<16xi32>
    %add3A_653 = arith.constant 2 : i32
    %add3A_654 = vector.broadcast %add3A_653 : i32 to vector<16xi32>
    %add3A_655 = arith.addi %mul3A_652, %add3A_654 : vector<16xi32>
    %get3A_656 = arith.constant 112 : index
    %get3A_657 = tpu.vector_load %arg8[%get3A_656] {strides = array<i32>} : memref<128xf32, #tpu.memory_space<vmem>>, vector<16xf32>,
    %jit3A_658 = arith.constant 0.000000e+00 : f32
    %broadcast_in_dim3A_659 = vector.broadcast %jit3A_658 : f32 to vector<16xf32>
    %select_n3A_660 = arith.select %ne3A_625, %get3A_657, %broadcast_in_dim3A_659 : vector<16xi1>, vector<16xf32>
    tpu.vector_store_idx %arg19[%broadcast_in_dim3A_627, %add3A_655], %select_n3A_660 masked %lt3A_622 : memref<2x320xf32, #tpu.memory_space<vmem>>[vector<16xi32>, vector<16xi32>], vector<16xf32>, vector<16xi1>
    %mul3A_661 = arith.constant 6 : i32
    %mul3A_662 = vector.broadcast %mul3A_661 : i32 to vector<16xi32>
    %mul3A_663 = arith.muli %min3A_619, %mul3A_662 : vector<16xi32>
    %add3A_664 = arith.constant 3 : i32
    %add3A_665 = vector.broadcast %add3A_664 : i32 to vector<16xi32>
    %add3A_666 = arith.addi %mul3A_663, %add3A_665 : vector<16xi32>
    %get3A_667 = arith.constant 112 : index
    %get3A_668 = tpu.vector_load %arg9[%get3A_667] {strides = array<i32>} : memref<128xf32, #tpu.memory_space<vmem>>, vector<16xf32>,
    %jit3A_669 = arith.constant 0.000000e+00 : f32
    %broadcast_in_dim3A_670 = vector.broadcast %jit3A_669 : f32 to vector<16xf32>
    %select_n3A_671 = arith.select %ne3A_625, %get3A_668, %broadcast_in_dim3A_670 : vector<16xi1>, vector<16xf32>
    tpu.vector_store_idx %arg19[%broadcast_in_dim3A_627, %add3A_666], %select_n3A_671 masked %lt3A_622 : memref<2x320xf32, #tpu.memory_space<vmem>>[vector<16xi32>, vector<16xi32>], vector<16xf32>, vector<16xi1>
    %mul3A_672 = arith.constant 6 : i32
    %mul3A_673 = vector.broadcast %mul3A_672 : i32 to vector<16xi32>
    %mul3A_674 = arith.muli %min3A_619, %mul3A_673 : vector<16xi32>
    %add3A_675 = arith.constant 4 : i32
    %add3A_676 = vector.broadcast %add3A_675 : i32 to vector<16xi32>
    %add3A_677 = arith.addi %mul3A_674, %add3A_676 : vector<16xi32>
    %get3A_678 = arith.constant 112 : index
    %get3A_679 = tpu.vector_load %arg10[%get3A_678] {strides = array<i32>} : memref<128xf32, #tpu.memory_space<vmem>>, vector<16xf32>,
    %jit3A_680 = arith.constant 0.000000e+00 : f32
    %broadcast_in_dim3A_681 = vector.broadcast %jit3A_680 : f32 to vector<16xf32>
    %select_n3A_682 = arith.select %ne3A_625, %get3A_679, %broadcast_in_dim3A_681 : vector<16xi1>, vector<16xf32>
    tpu.vector_store_idx %arg19[%broadcast_in_dim3A_627, %add3A_677], %select_n3A_682 masked %lt3A_622 : memref<2x320xf32, #tpu.memory_space<vmem>>[vector<16xi32>, vector<16xi32>], vector<16xf32>, vector<16xi1>
    %mul3A_683 = arith.constant 6 : i32
    %mul3A_684 = vector.broadcast %mul3A_683 : i32 to vector<16xi32>
    %mul3A_685 = arith.muli %min3A_619, %mul3A_684 : vector<16xi32>
    %add3A_686 = arith.constant 5 : i32
    %add3A_687 = vector.broadcast %add3A_686 : i32 to vector<16xi32>
    %add3A_688 = arith.addi %mul3A_685, %add3A_687 : vector<16xi32>
    %get3A_689 = arith.constant 112 : index
    %get3A_690 = tpu.vector_load %arg11[%get3A_689] {strides = array<i32>} : memref<128xf32, #tpu.memory_space<vmem>>, vector<16xf32>,
    %jit3A_691 = arith.constant 0.000000e+00 : f32
    %broadcast_in_dim3A_692 = vector.broadcast %jit3A_691 : f32 to vector<16xf32>
    %select_n3A_693 = arith.select %ne3A_625, %get3A_690, %broadcast_in_dim3A_692 : vector<16xi1>, vector<16xf32>
    tpu.vector_store_idx %arg19[%broadcast_in_dim3A_627, %add3A_688], %select_n3A_693 masked %lt3A_622 : memref<2x320xf32, #tpu.memory_space<vmem>>[vector<16xi32>, vector<16xi32>], vector<16xf32>, vector<16xi1>
    %swap3A_694 = arith.constant 1 : i32
    %swap3A_695 = arith.index_cast %swap3A_694 : i32 to index
    %swap3A_696 = arith.constant 112 : index
    %swap3A_697 = tpu.vector_load %arg18[%swap3A_695, %swap3A_696] {strides = array<i32>} : memref<2x128xi32, #tpu.memory_space<vmem>>, vector<16xi32>,
    tpu.vector_store %arg18[%swap3A_695, %swap3A_696], %while3A_31#15 {strides = array<i32>} : memref<2x128xi32, #tpu.memory_space<vmem>>, vector<16xi32>,
    %dma_start3A_698 = arith.constant 0 : i32
    %dma_start3A_699 = tpu.memref_slice %arg3[%mul3A_2, %dma_start3A_698] : memref<64x320xf32, #tpu.memory_space<hbm>> -> memref<2x320xf32, #tpu.memory_space<hbm>>
    %dma_start3A_700 = arith.constant 0 : i32
    %dma_start3A_701 = tpu.memref_slice %arg3[%mul3A_2, %dma_start3A_700] : memref<64x320xf32, #tpu.memory_space<hbm>> -> memref<2x320xf32, #tpu.memory_space<hbm>>
    tpu.enqueue_dma source(%arg19 : memref<2x320xf32, #tpu.memory_space<vmem>>) target(%dma_start3A_701 : memref<2x320xf32, #tpu.memory_space<hbm>>) target_semaphore(%arg21 : memref<!tpu.dma_semaphore, #tpu.memory_space<semaphore_mem>>)
    %dma_wait3A_702 = arith.constant 0 : i32
    %dma_wait3A_703 = tpu.memref_slice %arg3[%mul3A_2, %dma_wait3A_702] : memref<64x320xf32, #tpu.memory_space<hbm>> -> memref<2x320xf32, #tpu.memory_space<hbm>>
    %dma_wait3A_704 = arith.constant 0 : i32
    %dma_wait3A_705 = tpu.memref_slice %arg3[%mul3A_2, %dma_wait3A_704] : memref<64x320xf32, #tpu.memory_space<hbm>> -> memref<2x320xf32, #tpu.memory_space<hbm>>
    tpu.wait_dma2 semaphore(%arg21 : memref<!tpu.dma_semaphore, #tpu.memory_space<semaphore_mem>>) src(%arg19 : memref<2x320xf32, #tpu.memory_space<vmem>>) dst(%dma_wait3A_705 : memref<2x320xf32, #tpu.memory_space<hbm>>)
    %dma_start3A_706 = arith.constant 0 : i32
    %dma_start3A_707 = tpu.memref_slice %arg4[%mul3A_2, %dma_start3A_706] : memref<64x128xi32, #tpu.memory_space<hbm>> -> memref<2x128xi32, #tpu.memory_space<hbm>>
    %dma_start3A_708 = arith.constant 0 : i32
    %dma_start3A_709 = tpu.memref_slice %arg4[%mul3A_2, %dma_start3A_708] : memref<64x128xi32, #tpu.memory_space<hbm>> -> memref<2x128xi32, #tpu.memory_space<hbm>>
    tpu.enqueue_dma source(%arg18 : memref<2x128xi32, #tpu.memory_space<vmem>>) target(%dma_start3A_709 : memref<2x128xi32, #tpu.memory_space<hbm>>) target_semaphore(%arg22 : memref<!tpu.dma_semaphore, #tpu.memory_space<semaphore_mem>>)
    %dma_wait3A_710 = arith.constant 0 : i32
    %dma_wait3A_711 = tpu.memref_slice %arg4[%mul3A_2, %dma_wait3A_710] : memref<64x128xi32, #tpu.memory_space<hbm>> -> memref<2x128xi32, #tpu.memory_space<hbm>>
    %dma_wait3A_712 = arith.constant 0 : i32
    %dma_wait3A_713 = tpu.memref_slice %arg4[%mul3A_2, %dma_wait3A_712] : memref<64x128xi32, #tpu.memory_space<hbm>> -> memref<2x128xi32, #tpu.memory_space<hbm>>
    tpu.wait_dma2 semaphore(%arg22 : memref<!tpu.dma_semaphore, #tpu.memory_space<semaphore_mem>>) src(%arg18 : memref<2x128xi32, #tpu.memory_space<vmem>>) dst(%dma_wait3A_713 : memref<2x128xi32, #tpu.memory_space<hbm>>)
    return
  }
}

</mosaic_0001>

<sc_bundles>
// kernel: kernel.3.cloned.1.call-start
scs
__scs_entry_jumppad:
0x0: {  	(pc) =	sbr.rel $0x88, $3  }
0x1: {  	(tag) =	ssettag $0x0;
	lr =	simm.s32 $0x1  }
0x2: {  	[smem:$0x3FA0] =	sst lr;
	_ =	strace $0xD0000000  }
0x3: {  	_ = 	snop  }
0x4: {  	_ = 	snop  }
0x5: {  	_ = 	snop  }
0x6: {  	_ = 	snop  }
0x7: {  	_ = 	snop  }
__scs_overlays_trampoline_lowered:
0x8: {  	[smem:$0x3FAF] =	sst s0  }
0x9: {  	[smem:$0x3FB0] =	sst s1  }
0xa: {  	[smem:$0x3FB1] =	sst s2  }
0xb: {  	[smem:$0x3FB2] =	sst s3  }
0xc: {  	[smem:$0x3FB3] =	sst s4  }
0xd: {  	[smem:$0x3FB4] =	sst s5  }
0xe: {  	[smem:$0x3FB5] =	sst s6  }
0xf: {  	[smem:$0x3FB6] =	sst s7  }
0x10: {  	[smem:$0x3FB7] =	sst s8  }
0x11: {  	[smem:$0x3FB8] =	sst s9;
	s0 =	simm.s32 @!p0 $0x0  }
0x12: {  	s1 =	sld [smem:$0x3F9E];
	s0 =	simm.s32 @p0 $0x1  }
0x13: {  	[smem:$0x3FB9] =	sst s0;
	s0 =	simm.s32 @!p1 $0x0  }
0x14: {  	s2 =	sld [smem:$0x3F9D];
	s0 =	simm.s32 @p1 $0x1  }
0x15: {  	[smem:$0x3FBA] =	sst s0;
	s0 =	simm.s32 @!p2 $0x0  }
0x16: {  	s3 =	sld [smem:$0x3FDB];
	s0 =	simm.s32 @p2 $0x1  }
0x17: {  	s4 =	simm.s32 $0x1BF5;
	[smem:$0x3FBC] =	sst s0  }
0x18: {  	s0 =	sld [smem:$0x3F9F];
	_ =	swait.ge [sflag:s4], $0x0  }
0x19: {  	s7 =	sld [smem:$0x3FA0]  }
0x1a: {  	s8 =	sadd.s32 $0xFFFFE003, lr  }
0x1b: {  	s9 =	sadd.s32 $0xFFFFFEF7, lr;
	s5 =	simm.s32 $0xFFFFFFFF;
	p2 =	slt.u32 s8, $0xFFFFF086  }
0x1c: {  	p1 =	slt.u32 s9, $0xF7A;
	s5 =	simm.s32 @!p2 $0x0  }
0x1d: {  	s5 =	simm.s32 @p1 $0x1;
	p0 =	seq.s32 s7, s2  }
0x1e: {  	s7 =	smul.u32 @!p0 $0xF7A, s2;
	p2 =	seq.s32 @!p0 s5, $0x0  }
0x1f: {  	s9 =	smul.u32 $0xF7A, s1;
	s8 =	simm.s32 @!p0 $0x1BF5;
	p2 =	por !p2, p0  }
0x20: {  	[sflag:s8] =	ssyncset.s32 @!p0 $0xFFFFF086;
	s6 =	sadd.s32 @!p0 s3, s7;
	s7 =	simm.s32 @!p0 $0x108  }
0x21: {  	s3 =	sadd.s32 s3, s9;
	s6 =	sadd.s32 @!p0 $0x88, s6;
	s7 =	simm.s32 @p2 $0x1082  }
0x22: {  	[simem:s7], [sflag:s8] =	dma.local @!p0 [hbm:s6], $0xF7A  }
0x23: {  	s9 =	sor.u32 $0xD0000000, s2;
	s6 =	simm.s32 $0x108;
	_ =	swait.ge @!p0 [sflag:s8], $0x0  }
0x24: {  	s3 =	sadd.s32 $0x88, s3;
	s6 =	simm.s32 @!p1 $0x1082;
	[sflag:s4] =	ssyncset.s32 $0xFFFFF086  }
0x25: {  	[simem:s6], [sflag:s4] =	dma.local [hbm:s3], $0xF7A  }
0x26: {  	[smem:$0x3FA0] =	sst s1;
	(tag) =	ssettag s2;
	_ =	strace s9  }
0x27: {  	s1 =	sld [smem:$0x3FB0]  }
0x28: {  	s2 =	sld [smem:$0x3FB1]  }
0x29: {  	s4 =	sld [smem:$0x3FB3]  }
0x2a: {  	p0 =	seq.s32 s5, $0x0;
	s5 =	sld [smem:$0x3FB4]  }
0x2b: {  	s6 =	sld [smem:$0x3FB5]  }
0x2c: {  	s7 =	sld [smem:$0x3FB6]  }
0x2d: {  	s3 =	simm.s32 $0x108;
	s8 =	sld [smem:$0x3FB7]  }
0x2e: {  	s3 =	simm.s32 @!p0 $0x1082;
	s9 =	sld [smem:$0x3FB8]  }
0x2f: {  	lr =	sadd.s32 s0, s3;
	s0 =	sld [smem:$0x3FAF]  }
0x30: {  	s3 =	sld [smem:$0x3FB2]  }
0x31: {  	[smem:$0x3FBB] =	sst s10  }
0x32: {  	s10 =	sld [smem:$0x3FB9];
	_ =	sdelay $0x3  }
0x33: {  	p0 =	seq.s32 s10, $0x1;
	s10 =	sld [smem:$0x3FBB];
	_ =	sdelay $0x3  }
0x34: {  	[smem:$0x3FBB] =	sst s10  }
0x35: {  	s10 =	sld [smem:$0x3FBA];
	_ =	sdelay $0x3  }
0x36: {  	p1 =	seq.s32 s10, $0x1;
	s10 =	sld [smem:$0x3FBB];
	_ =	sdelay $0x3  }
0x37: {  	[smem:$0x3FBB] =	sst s10  }
0x38: {  	s10 =	sld [smem:$0x3FBC]  }
0x39: {  	_ = 	snop;
	(pc) =	sbr.ind lr, $3  }
0x3a: {  	_ = 	snop  }
0x3b: {  	_ = 	snop  }
0x3c: {  	p2 =	seq.s32 s10, $0x1;
	s10 =	sld [smem:$0x3FBB]  }
0x3d: {  	_ =	shalt  }
0x3e: {  	_ =	shalt  }
0x3f: {  	_ =	shalt  }
0x40: {  	_ =	shalt  }
0x41: {  	_ =	shalt  }
0x42: {  	_ =	shalt  }
0x43: {  	_ =	shalt  }
0x44: {  	_ =	shalt  }
0x45: {  	_ =	shalt  }
0x46: {  	_ =	shalt  }
0x47: {  	_ =	shalt  }
0x48: {  	_ =	shalt  }
0x49: {  	_ =	shalt  }
0x4a: {  	_ =	shalt  }
0x4b: {  	_ =	shalt  }
0x4c: {  	_ =	shalt  }
0x4d: {  	_ =	shalt  }
0x4e: {  	_ =	shalt  }
0x4f: {  	_ =	shalt  }
0x50: {  	_ =	shalt  }
0x51: {  	_ =	shalt  }
0x52: {  	_ =	shalt  }
0x53: {  	_ =	shalt  }
0x54: {  	_ =	shalt  }
0x55: {  	_ =	shalt  }
0x56: {  	_ =	shalt  }
0x57: {  	_ =	shalt  }
0x58: {  	_ =	shalt  }
0x59: {  	_ =	shalt  }
0x5a: {  	_ =	shalt  }
0x5b: {  	_ =	shalt  }
0x5c: {  	_ =	shalt  }
0x5d: {  	_ =	shalt  }
0x5e: {  	_ =	shalt  }
0x5f: {  	_ =	shalt  }
0x60: {  	_ =	shalt  }
0x61: {  	_ =	shalt  }
0x62: {  	_ =	shalt  }
0x63: {  	_ =	shalt  }
0x64: {  	_ =	shalt  }
0x65: {  	_ =	shalt  }
0x66: {  	_ =	shalt  }
0x67: {  	_ =	shalt  }
0x68: {  	_ =	shalt  }
0x69: {  	_ =	shalt  }
0x6a: {  	_ =	shalt  }
0x6b: {  	_ =	shalt  }
0x6c: {  	_ =	shalt  }
0x6d: {  	_ =	shalt  }
0x6e: {  	_ =	shalt  }
0x6f: {  	_ =	shalt  }
0x70: {  	_ =	shalt  }
0x71: {  	_ =	shalt  }
0x72: {  	_ =	shalt  }
0x73: {  	_ =	shalt  }
0x74: {  	_ =	shalt  }
0x75: {  	_ =	shalt  }
0x76: {  	_ =	shalt  }
0x77: {  	_ =	shalt  }
0x78: {  	_ =	shalt  }
0x79: {  	_ =	shalt  }
0x7a: {  	_ =	shalt  }
0x7b: {  	_ =	shalt  }
0x7c: {  	_ =	shalt  }
0x7d: {  	_ =	shalt  }
0x7e: {  	_ =	shalt  }
0x7f: {  	_ =	shalt  }
0x80: {  	_ =	shalt  }
0x81: {  	_ =	shalt  }
0x82: {  	_ =	shalt  }
0x83: {  	_ =	shalt  }
0x84: {  	_ =	shalt  }
0x85: {  	_ =	shalt  }
0x86: {  	_ =	shalt  }
0x87: {  	_ =	shalt  }
.Lfunc_end0:
.L_simem_size_0:
called_computation_lowered:
.L_overlay_start_0:
0x88: {  	s2 =	sld [smem:$0x3FD9]  }
0x89: {  	s3 =	sld [smem:$0x3FFE];
	_ =	sdelay $0x1  }
0x8a: {  	s1 =	srdreg.scid  }
0x8b: {  	s0 =	sand.u32 $0x1, s1  }
0x8c: {  	s14 =	sshll.u32 s0, $0xA;
	s2 =	sadd.s32 s3, s2  }
0x8d: {  	s2 =	sadd.s32 s2, s14  }
0x8e: {  	[smem:$0x3FC7] =	sst s2  }
0x8f: {  	_ = 	snop  }
0x90: {  	s2 =	sld [smem:$0x3FD0];
	_ =	sdelay $0x2  }
0x91: {  	s4 =	simm.s32 $0xA;
	s5 =	simm.s32 $0x10;
	s15 =	sld [smem:$0x3FC9]  }
0x92: {  	[smem:s5], [sflag:s4] =	dma.local [hbm:s2], $0x1  }
0x93: {  	_ =	swait.eq [sflag:s4], $0x1  }
0x94: {  	[sflag:s4] =	ssyncset.done $0x0  }
0x95: {  	[sflag:s4] =	ssyncadd.s32 $0xFFFFFFFF  }
0x96: {  	s16 =	sld [smem:$0x10];
	(tm) =	ssettm $0x1  }
0x97: {  	s17 =	sld [smem:$0x3FFB];
	_ =	sdelay $0x3  }
0x98: {  	_ =	strace s17  }
0x99: {  	s4 =	sld [smem:$0x3FFC];
	_ =	sdelay $0x3  }
0x9a: {  	_ =	strace s4  }
0x9b: {  	s4 =	sld [smem:$0x3FFD];
	_ =	sdelay $0x3  }
0x9c: {  	_ =	strace s4  }
0x9d: {  	_ =	strace $0x8FFFFFFF  }
0x9e: {  	s18 =	sld [smem:$0x3FDB];
	_ =	sdelay $0x1  }
0x9f: {  	s19 =	simm.s32 $_scs_section_size  }
0xa0: {  	s6 =	simm.s32 $_size__tile_overlayer_lowered;
	s7 =	simm.s32 $_tile_overlayer_lowered  }
0xa1: {  	s22 =	simm.s32 $0x1BFF;
	s21 =	sshll.u32 s7, $0x1;
	s4 =	sadd.s32 s19, s18  }
0xa2: {  	s8 =	simm.s32 $0x0;
	s20 =	sshll.u32 s6, $0x1;
	s6 =	sadd.s32 s21, s4  }
0xa3: {  	[timem:s8], [sflag:s22] =	dma.local [hbm:s6], s20  }
0xa4: {  	_ =	swait.ge [sflag:s22], s20  }
0xa5: {  	s5 =	ssub.s32 $0x0, s20;
	[sflag:s22] =	ssyncset.done $0x0  }
0xa6: {  	[sflag:s22] =	ssyncadd.s32 s5;
	_ =	sdelay $0x1  }
0xa7: {  	s23 =	simm.s32 $0x1B8B  }
0xa8: {  	_ =	swait.ge [sflag:s23], $0x1  }
0xa9: {  	[sflag:s23] =	ssyncset.done $0x0  }
0xaa: {  	s25 =	simm.s32 $0x1B8E;
	s24 =	sld [smem:$0x3FFE];
	[sflag:s23] =	ssyncadd.s32 $0xFFFFFFFF  }
0xab: {  	s26 =	simm.s32 $execute0_lowered;
	[smem:$0x3FD2] =	sst s25  }
0xac: {  	s6 =	sshll.u32 s26, $0x1;
	_ =	strace $0x80000046;
	[dreg:$0x1] =	wrdreg $0xFFFFFFFF  }
0xad: {  	s28 =	simm.s32 $_size_execute0_lowered;
	s4 =	sadd.s32 s4, s6;
	[dreg:$0x0] =	wrdreg $0x0  }
0xae: {  	s6 =	sshll.u32 s28, $0x1;
	[dreg:$0x2] =	wrdreg s4  }
0xaf: {  	[dreg:$0x3] =	wrdreg s6  }
0xb0: {  	[dreg:$0x4] =	wrdreg $0xC0  }
0xb1: {  	_ =	task [dreg:s8], $0x5FFFF  }
0xb2: {  	[dreg:$0x1] =	wrdreg $0xFFFFFFFF  }
0xb3: {  	[dreg:$0x0] =	wrdreg $0x60  }
0xb4: {  	[dreg:$0x2] =	wrdreg s15  }
0xb5: {  	[dreg:$0x3] =	wrdreg s16  }
0xb6: {  	[dreg:$0x4] =	wrdreg s24  }
0xb7: {  	[dreg:$0x5] =	wrdreg $0x9  }
0xb8: {  	_ =	task.clear_ibuf [dreg:s8], $0x6FFFF;
	_ =	strace $0x90000046  }
0xb9: {  	s29 =	simm.s32 $0x9;
	_ =	strace $0x80000048  }
0xba: {  	_ =	swait.ge [sflag:s29], $0x1  }
0xbb: {  	[sflag:s29] =	ssyncadd.s32 $0xFFFFFFFF  }
0xbc: {  	_ =	strace $0x90000048  }
0xbd: {  	_ =	sfence  }
0xbe: {  	s30 =	sld [smem:$0x0];
	_ =	sdelay $0x2  }
0xbf: {  	s31 =	sshll.u32 s1, $0xD;
	s1 =	sshrl.u32 s1, $0x2  }
0xc0: {  	s3 =	sand.u32 $0x4000, s31;
	s1 =	sadd.s32 s1, s30  }
0xc1: {  	s0 =	sor.u32 s3, s0;
	s1 =	sshll.u32 s1, $0x11  }
0xc2: {  	s0 =	sor.u32 s1, s0  }
0xc3: {  	s0 =	sadd.s32 $0x8F2B, s0  }
0xc4: {  	[sflag:s0] =	ssyncadd.remote.s32 $0x1  }
0xc5: {  	_ =	sfence.sel $0xFFFF  }
0xc6: {  	[dreg:$0x0] =	wrdreg $0xFFFFFFFF;
	(pc) =	sbr.abs _section_cstart, $3  }
0xc7: {  	[dreg:$0x1] =	wrdreg $0xFFFFFFFF  }
0xc8: {  	_ =	task.clear_ibuf [dreg:s8], $0x2FFFF;
	_ =	strace $0x9FFFFFFF  }
0xc9: {  	(tm) =	ssettm $0x7FFFFFFF  }
tec
execute0_lowered:
.L_overlay_start_1:
0x0: {  	(tag) =	ssettag $0x1  }
0x1: {  	v0 =	vimm.s32 $0x726C6660  }
0x2: {  	v1 =	vimm.s32 $0x7E78;
	vm3 =	vcmask $0xF00;
	vm4 =	vcmask $0x1710  }
0x3: {  	vm2 =	vcmask $0x1B18;
	vm1 =	vcmask $0x1F1C;
	vm0 =	vcmask $0x2320  }
0x4: {  	v2 =	vimm.s32 $0x7F79;
	v3 =	vimm.s32 $0x746E6862;
	v4 =	vimm.s32 $0x756F6963  }
0x5: {  	v5 =	vimm.s32 $0x76706A64;
	v7 =	vimm.s32 $0xF3EDE7E1;
	v8 =	vimm.s32 $0x21A  }
0x6: {  	vm12 =	vcmask $0x300;
	v9 =	vimm.s32 $0xF4EEE8E2;
	v10 =	vimm.s32 $0xF5EFE9E3  }
0x7: {  	v11 =	vimm.s32 $0xF6F0EAE4;
	v12 =	vimm.s32 $0xF7F1EBE5;
	v13 =	vimm.s32 $0x21B  }
0x8: {  	v14 =	vimm.s32 $0x21C;
	v15 =	vimm.s32 $0x21D;
	v16 =	vimm.s32 $0x21E  }
0x9: {  	v17 =	vimm.s32 $0x21F;
	v18 =	vimm.s32 $0x29A;
	v19 =	vimm.s32 $0x29B  }
0xa: {  	v20 =	vimm.s32 $0x29C;
	v21 =	vimm.s32 $0x29D;
	v22 =	vimm.s32 $0x29E  }
0xb: {  	v23 =	vimm.s32 $0x29F;
	vm5 =	vcmask $0xB08;
	vm13 =	vcmask $0x1310  }
0xc: {  	vm14 =	vcmask $0x1714;
	vm15 =	vcmask $0x2B28;
	v0 =	vunpack.c.0.s8.s32 v0  }
0xd: {  	v1 =	vunpack.c.0.s8.s32 v1;
	v2 =	vunpack.c.0.s8.s32 v2;
	v3 =	vunpack.c.0.s8.s32 v3  }
0xe: {  	v4 =	vunpack.c.0.s8.s32 v4;
	v7 =	vunpack.c.0.s8.s32 v7;
	v8 =	vsel vm12, $0x140, v8  }
0xf: {  	v9 =	vunpack.c.0.s8.s32 v9;
	v10 =	vunpack.c.0.s8.s32 v10;
	v11 =	vunpack.c.0.s8.s32 v11  }
0x10: {  	v12 =	vunpack.c.0.s8.s32 v12;
	v13 =	vsel vm12, $0x141, v13;
	v14 =	vsel vm12, $0x142, v14  }
0x11: {  	v15 =	vsel vm12, $0x143, v15;
	v16 =	vsel vm12, $0x144, v16;
	v17 =	vsel vm12, $0x145, v17  }
0x12: {  	v18 =	vsel vm12, $0x1C0, v18;
	v19 =	vsel vm12, $0x1C1, v19;
	v20 =	vsel vm12, $0x1C2, v20  }
0x13: {  	v21 =	vsel vm12, $0x1C3, v21;
	v22 =	vsel vm12, $0x1C4, v22;
	v23 =	vsel vm12, $0x1C5, v23  }
0x14: {  	v0 =	vnsel vm3, $0x13A, v0;
	v7 =	vand.u32 $0xFF, v7;
	v9 =	vand.u32 $0xFF, v9  }
0x15: {  	v10 =	vand.u32 $0xFF, v10;
	v11 =	vand.u32 $0xFF, v11;
	v12 =	vand.u32 $0xFF, v12  }
0x16: {  	v0 =	vsel vm4, v1, v0;
	v1 =	vimm.s32 $0x736D6761;
	v7 =	vnsel vm3, $0x1BB, v7  }
0x17: {  	v9 =	vnsel vm3, $0x1BC, v9;
	v10 =	vnsel vm3, $0x1BD, v10;
	v11 =	vnsel vm3, $0x1BE, v11  }
0x18: {  	v12 =	vnsel vm3, $0x1BF, v12;
	v0 =	vsel vm2, $0x104, v0;
	v1 =	vunpack.c.0.s8.s32 v1  }
0x19: {  	v7 =	vsel vm13, $0xF9, v7;
	v9 =	vsel vm13, $0xFA, v9;
	v10 =	vsel vm13, $0xFB, v10  }
0x1a: {  	v11 =	vsel vm13, $0xFC, v11;
	v12 =	vsel vm13, $0xFD, v12;
	v0 =	vsel vm1, $0x10A, v0  }
0x1b: {  	v7 =	vsel vm14, $0xFF, v7;
	v9 =	vsel vm14, $0x180, v9;
	v10 =	vsel vm14, $0x181, v10  }
0x1c: {  	v11 =	vsel vm14, $0x182, v11;
	v12 =	vsel vm14, $0x183, v12;
	v6 =	vsel vm0, $0x110, v0  }
0x1d: {  	v0 =	vnsel vm3, $0x13B, v1;
	v1 =	vunpack.c.0.s8.s32 v5;
	v5 =	vimm.s32 $0xF2ECE6E0  }
0x1e: {  	v7 =	vsel vm2, $0x185, v7;
	v9 =	vsel vm2, $0x186, v9;
	v10 =	vsel vm2, $0x187, v10  }
0x1f: {  	v11 =	vsel vm2, $0x188, v11;
	v12 =	vsel vm2, $0x189, v12;
	v0 =	vsel vm4, v2, v0  }
0x20: {  	v2 =	vnsel vm3, $0x13C, v3;
	v3 =	vnsel vm3, $0x13D, v4;
	v4 =	vimm.s32 $0x77716B65  }
0x21: {  	v5 =	vunpack.c.0.s8.s32 v5;
	v7 =	vsel vm1, $0x18B, v7;
	v9 =	vsel vm1, $0x18C, v9  }
0x22: {  	v10 =	vsel vm1, $0x18D, v10;
	v11 =	vsel vm1, $0x18E, v11;
	v12 =	vsel vm1, $0x18F, v12  }
0x23: {  	v1 =	vnsel vm3, $0x13E, v1;
	v4 =	vunpack.c.0.s8.s32 v4;
	v2 =	vsel vm13, $0x7A, v2  }
0x24: {  	v3 =	vsel vm13, $0x7B, v3;
	v0 =	vsel vm2, $0x105, v0;
	v7 =	vsel vm0, $0x191, v7  }
0x25: {  	v9 =	vsel vm0, $0x192, v9;
	v10 =	vsel vm0, $0x193, v10;
	v11 =	vsel vm0, $0x194, v11  }
0x26: {  	v12 =	vsel vm0, $0x195, v12;
	v5 =	vand.u32 $0xFF, v5;
	v1 =	vsel vm13, $0x7C, v1  }
0x27: {  	v2 =	vsel vm14, $0x100, v2;
	v3 =	vsel vm14, $0x101, v3;
	v0 =	vsel vm1, $0x10B, v0  }
0x28: {  	v4 =	vnsel vm3, $0x13F, v4;
	v5 =	vnsel vm3, $0x1BA, v5;
	vm3 =	vcmask $0x704  }
0x29: {  	v1 =	vsel vm14, $0x102, v1;
	v2 =	vsel vm2, $0x106, v2;
	v3 =	vsel vm2, $0x107, v3  }
0x2a: {  	v0 =	vsel vm0, $0x111, v0;
	v8 =	vsel vm3, $0x146, v8;
	v13 =	vsel vm3, $0x147, v13  }
0x2b: {  	v14 =	vsel vm3, $0x148, v14;
	v15 =	vsel vm3, $0x149, v15;
	v16 =	vsel vm3, $0x14A, v16  }
0x2c: {  	v17 =	vsel vm3, $0x14B, v17;
	v18 =	vsel vm3, $0x1C6, v18;
	v19 =	vsel vm3, $0x1C7, v19  }
0x2d: {  	v20 =	vsel vm3, $0x1C8, v20;
	v21 =	vsel vm3, $0x1C9, v21;
	v22 =	vsel vm3, $0x1CA, v22  }
0x2e: {  	v23 =	vsel vm3, $0x1CB, v23;
	vm3 =	vcmask $0xF0C;
	v4 =	vsel vm13, $0x7D, v4  }
0x2f: {  	v5 =	vsel vm13, $0xF8, v5;
	v1 =	vsel vm2, $0x108, v1;
	v2 =	vsel vm1, $0x10C, v2  }
0x30: {  	v3 =	vsel vm1, $0x10D, v3;
	v8 =	vsel vm5, $0x14C, v8;
	v13 =	vsel vm5, $0x14D, v13  }
0x31: {  	v14 =	vsel vm5, $0x14E, v14;
	v15 =	vsel vm5, $0x14F, v15;
	v16 =	vsel vm5, $0x150, v16  }
0x32: {  	v17 =	vsel vm5, $0x151, v17;
	v18 =	vsel vm5, $0x1CC, v18;
	v19 =	vsel vm5, $0x1CD, v19  }
0x33: {  	v20 =	vsel vm5, $0x1CE, v20;
	v21 =	vsel vm5, $0x1CF, v21;
	v22 =	vsel vm5, $0x1D0, v22  }
0x34: {  	v23 =	vsel vm5, $0x1D1, v23;
	v4 =	vsel vm14, $0x103, v4;
	v5 =	vsel vm14, $0xFE, v5  }
0x35: {  	v1 =	vsel vm1, $0x10E, v1;
	v2 =	vsel vm0, $0x112, v2;
	v3 =	vsel vm0, $0x113, v3  }
0x36: {  	v8 =	vsel vm3, $0x152, v8;
	v13 =	vsel vm3, $0x153, v13;
	v14 =	vsel vm3, $0x154, v14  }
0x37: {  	v15 =	vsel vm3, $0x155, v15;
	v16 =	vsel vm3, $0x156, v16;
	v17 =	vsel vm3, $0x157, v17  }
0x38: {  	v18 =	vsel vm3, $0x1D2, v18;
	v19 =	vsel vm3, $0x1D3, v19;
	v20 =	vsel vm3, $0x1D4, v20  }
0x39: {  	v21 =	vsel vm3, $0x1D5, v21;
	v22 =	vsel vm3, $0x1D6, v22;
	v23 =	vsel vm3, $0x1D7, v23  }
0x3a: {  	vm3 =	vcmask $0x2724;
	v4 =	vsel vm2, $0x109, v4;
	v5 =	vsel vm2, $0x184, v5  }
0x3b: {  	v1 =	vsel vm0, $0x114, v1;
	v8 =	vsel vm13, $0x158, v8;
	v13 =	vsel vm13, $0x159, v13  }
0x3c: {  	v14 =	vsel vm13, $0x15A, v14;
	v15 =	vsel vm13, $0x15B, v15;
	v16 =	vsel vm13, $0x15C, v16  }
0x3d: {  	v17 =	vsel vm13, $0x15D, v17;
	v18 =	vsel vm13, $0x1D8, v18;
	v19 =	vsel vm13, $0x1D9, v19  }
0x3e: {  	v20 =	vsel vm13, $0x1DA, v20;
	v21 =	vsel vm13, $0x1DB, v21;
	v22 =	vsel vm13, $0x1DC, v22  }
0x3f: {  	v23 =	vsel vm13, $0x1DD, v23;
	v6 =	vsel vm3, $0x116, v6;
	v4 =	vsel vm1, $0x10F, v4  }
0x40: {  	v5 =	vsel vm1, $0x18A, v5;
	v0 =	vsel vm3, $0x117, v0;
	v2 =	vsel vm3, $0x118, v2  }
0x41: {  	v3 =	vsel vm3, $0x119, v3;
	v1 =	vsel vm3, $0x11A, v1;
	v7 =	vsel vm3, $0x197, v7  }
0x42: {  	v9 =	vsel vm3, $0x198, v9;
	v10 =	vsel vm3, $0x199, v10;
	v11 =	vsel vm3, $0x19A, v11  }
0x43: {  	v12 =	vsel vm3, $0x19B, v12;
	v8 =	vsel vm14, $0x15E, v8;
	v13 =	vsel vm14, $0x15F, v13  }
0x44: {  	v14 =	vsel vm14, $0x160, v14;
	v15 =	vsel vm14, $0x161, v15;
	v16 =	vsel vm14, $0x162, v16  }
0x45: {  	v17 =	vsel vm14, $0x163, v17;
	v18 =	vsel vm14, $0x1DE, v18;
	v19 =	vsel vm14, $0x1DF, v19  }
0x46: {  	v20 =	vsel vm14, $0x1E0, v20;
	v21 =	vsel vm14, $0x1E1, v21;
	v22 =	vsel vm14, $0x1E2, v22  }
0x47: {  	v23 =	vsel vm14, $0x1E3, v23;
	v6 =	vsel vm15, $0x11C, v6;
	v4 =	vsel vm0, $0x115, v4  }
0x48: {  	v5 =	vsel vm0, $0x190, v5;
	v0 =	vsel vm15, $0x11D, v0;
	v2 =	vsel vm15, $0x11E, v2  }
0x49: {  	v3 =	vsel vm15, $0x11F, v3;
	v1 =	vsel vm15, $0x120, v1;
	v7 =	vsel vm15, $0x19D, v7  }
0x4a: {  	v9 =	vsel vm15, $0x19E, v9;
	v10 =	vsel vm15, $0x19F, v10;
	v11 =	vsel vm15, $0x1A0, v11  }
0x4b: {  	v12 =	vsel vm15, $0x1A1, v12;
	v8 =	vsel vm2, $0x164, v8;
	v13 =	vsel vm2, $0x165, v13  }
0x4c: {  	v14 =	vsel vm2, $0x166, v14;
	v15 =	vsel vm2, $0x167, v15;
	v16 =	vsel vm2, $0x168, v16  }
0x4d: {  	v17 =	vsel vm2, $0x169, v17;
	v18 =	vsel vm2, $0x1E4, v18;
	v19 =	vsel vm2, $0x1E5, v19  }
0x4e: {  	v20 =	vsel vm2, $0x1E6, v20;
	v21 =	vsel vm2, $0x1E7, v21;
	v22 =	vsel vm2, $0x1E8, v22  }
0x4f: {  	v23 =	vsel vm2, $0x1E9, v23;
	v4 =	vsel vm3, $0x11B, v4;
	v5 =	vsel vm3, $0x196, v5  }
0x50: {  	v8 =	vsel vm1, $0x16A, v8;
	v13 =	vsel vm1, $0x16B, v13;
	v14 =	vsel vm1, $0x16C, v14  }
0x51: {  	v15 =	vsel vm1, $0x16D, v15;
	v16 =	vsel vm1, $0x16E, v16;
	v17 =	vsel vm1, $0x16F, v17  }
0x52: {  	v18 =	vsel vm1, $0x1EA, v18;
	v19 =	vsel vm1, $0x1EB, v19;
	v20 =	vsel vm1, $0x1EC, v20  }
0x53: {  	v21 =	vsel vm1, $0x1ED, v21;
	v22 =	vsel vm1, $0x1EE, v22;
	v23 =	vsel vm1, $0x1EF, v23  }
0x54: {  	vm1 =	vcmask $0x2F2C;
	v4 =	vsel vm15, $0x121, v4;
	v5 =	vsel vm15, $0x19C, v5  }
0x55: {  	v8 =	vsel vm0, $0x170, v8;
	v13 =	vsel vm0, $0x171, v13;
	v14 =	vsel vm0, $0x172, v14  }
0x56: {  	v15 =	vsel vm0, $0x173, v15;
	v16 =	vsel vm0, $0x174, v16;
	v17 =	vsel vm0, $0x175, v17  }
0x57: {  	v18 =	vsel vm0, $0x1F0, v18;
	v19 =	vsel vm0, $0x1F1, v19;
	v20 =	vsel vm0, $0x1F2, v20  }
0x58: {  	v21 =	vsel vm0, $0x1F3, v21;
	v22 =	vsel vm0, $0x1F4, v22;
	v23 =	vsel vm0, $0x1F5, v23  }
0x59: {  	v6 =	vsel vm1, $0x122, v6;
	vm0 =	vcmask $0x3330;
	v0 =	vsel vm1, $0x123, v0  }
0x5a: {  	v2 =	vsel vm1, $0x124, v2;
	v3 =	vsel vm1, $0x125, v3;
	v1 =	vsel vm1, $0x126, v1  }
0x5b: {  	v4 =	vsel vm1, $0x127, v4;
	v5 =	vsel vm1, $0x1A2, v5;
	v7 =	vsel vm1, $0x1A3, v7  }
0x5c: {  	v9 =	vsel vm1, $0x1A4, v9;
	v10 =	vsel vm1, $0x1A5, v10;
	v11 =	vsel vm1, $0x1A6, v11  }
0x5d: {  	v12 =	vsel vm1, $0x1A7, v12;
	v8 =	vsel vm3, $0x176, v8;
	v13 =	vsel vm3, $0x177, v13  }
0x5e: {  	v14 =	vsel vm3, $0x178, v14;
	v15 =	vsel vm3, $0x179, v15;
	v16 =	vsel vm3, $0x17A, v16  }
0x5f: {  	v17 =	vsel vm3, $0x17B, v17;
	v18 =	vsel vm3, $0x1F6, v18;
	v19 =	vsel vm3, $0x1F7, v19  }
0x60: {  	v20 =	vsel vm3, $0x1F8, v20;
	v21 =	vsel vm3, $0x1F9, v21;
	v22 =	vsel vm3, $0x1FA, v22  }
0x61: {  	v23 =	vsel vm3, $0x1FB, v23;
	v6 =	vsel vm0, $0x128, v6;
	v0 =	vsel vm0, $0x129, v0  }
0x62: {  	v2 =	vsel vm0, $0x12A, v2;
	v3 =	vsel vm0, $0x12B, v3;
	v1 =	vsel vm0, $0x12C, v1  }
0x63: {  	v4 =	vsel vm0, $0x12D, v4;
	v5 =	vsel vm0, $0x1A8, v5;
	v7 =	vsel vm0, $0x1A9, v7  }
0x64: {  	v9 =	vsel vm0, $0x1AA, v9;
	v10 =	vsel vm0, $0x1AB, v10;
	v11 =	vsel vm0, $0x1AC, v11  }
0x65: {  	v12 =	vsel vm0, $0x1AD, v12;
	v8 =	vsel vm15, $0x17C, v8;
	v13 =	vsel vm15, $0x17D, v13  }
0x66: {  	v14 =	vsel vm15, $0x17E, v14;
	v15 =	vsel vm15, $0x17F, v15;
	v16 =	vsel vm15, $0x200, v16  }
0x67: {  	v17 =	vsel vm15, $0x201, v17;
	v18 =	vsel vm15, $0x1FC, v18;
	v19 =	vsel vm15, $0x1FD, v19  }
0x68: {  	v20 =	vsel vm15, $0x1FE, v20;
	v21 =	vsel vm15, $0x1FF, v21;
	v22 =	vsel vm15, $0x280, v22  }
0x69: {  	v23 =	vsel vm15, $0x281, v23;
	v8 =	vsel vm1, $0x202, v8;
	v13 =	vsel vm1, $0x203, v13  }
0x6a: {  	v14 =	vsel vm1, $0x204, v14;
	v15 =	vsel vm1, $0x205, v15;
	v16 =	vsel vm1, $0x206, v16  }
0x6b: {  	v17 =	vsel vm1, $0x207, v17;
	v18 =	vsel vm1, $0x282, v18;
	v19 =	vsel vm1, $0x283, v19  }
0x6c: {  	v20 =	vsel vm1, $0x284, v20;
	v21 =	vsel vm1, $0x285, v21;
	v22 =	vsel vm1, $0x286, v22  }
0x6d: {  	v23 =	vsel vm1, $0x287, v23;
	vm1 =	vcmask $0x3734;
	v8 =	vsel vm0, $0x208, v8  }
0x6e: {  	v13 =	vsel vm0, $0x209, v13;
	v14 =	vsel vm0, $0x20A, v14;
	v15 =	vsel vm0, $0x20B, v15  }
0x6f: {  	v16 =	vsel vm0, $0x20C, v16;
	v17 =	vsel vm0, $0x20D, v17;
	v18 =	vsel vm0, $0x288, v18  }
0x70: {  	v19 =	vsel vm0, $0x289, v19;
	v20 =	vsel vm0, $0x28A, v20;
	v21 =	vsel vm0, $0x28B, v21  }
0x71: {  	v22 =	vsel vm0, $0x28C, v22;
	v23 =	vsel vm0, $0x28D, v23;
	v6 =	vsel vm1, $0x12E, v6  }
0x72: {  	v24 =	vsel vm1, $0x12F, v0;
	v25 =	vsel vm1, $0x130, v2;
	v26 =	vsel vm1, $0x131, v3  }
0x73: {  	s3 =	rddreg [dreg:$0x0];
	v27 =	vsel vm1, $0x132, v1;
	v28 =	vsel vm1, $0x133, v4;
	v29 =	vsel vm1, $0x1AE, v5  }
0x74: {  	s4 =	rddreg [dreg:$0x1];
	s1 =	srdreg.scid;
	v30 =	vsel vm1, $0x1AF, v7;
	v31 =	vsel vm1, $0x1B0, v9;
	v32 =	vsel vm1, $0x1B1, v10  }
0x75: {  	s0 =	stileid.u32;
	s5 =	rddreg [dreg:$0x2];
	s11 =	simm.s32 $0x1000;
	v33 =	vsel vm1, $0x1B2, v11;
	v34 =	vsel vm1, $0x1B3, v12;
	vm0 =	vcmask $0x3B38  }
0x76: {  	s12 =	simm.s32 $0x1080;
	s13 =	simm.s32 $0x1100;
	s14 =	simm.s32 $0x1180;
	v0 =	vlaneseq.u32;
	v1 =	vimm.s32 $0x0;
	v8 =	vsel vm1, $0x20E, v8  }
0x77: {  	s15 =	simm.s32 $0x1300;
	s16 =	simm.s32 $0x2;
	s17 =	simm.s32 $0x1200;
	v13 =	vsel vm1, $0x20F, v13;
	v14 =	vsel vm1, $0x210, v14;
	v15 =	vsel vm1, $0x211, v15  }
0x78: {  	s18 =	simm.s32 $0x3;
	s19 =	simm.s32 $0x0;
	s6 =	sand.u32 $0x1, s1;
	v16 =	vsel vm1, $0x212, v16;
	v17 =	vsel vm1, $0x213, v17;
	v35 =	vsel vm1, $0x28E, v18  }
0x79: {  	s29 =	sshll.u32 s0, $0x9;
	s7 =	sshrl.u32 s0, $0x1;
	s1 =	rddreg [dreg:$0x3];
	v36 =	vsel vm1, $0x28F, v19;
	v37 =	vsel vm1, $0x290, v20;
	v38 =	vsel vm1, $0x291, v21  }
0x7a: {  	s2 =	sshll.u32 s6, $0x8;
	s8 =	sand.u32 $0x200, s29;
	s10 =	smul.u32 $0x3000, s7;
	v39 =	vsel vm1, $0x292, v22;
	v40 =	vsel vm1, $0x293, v23;
	v2 =	vsel vm0, $0x134, v6  }
0x7b: {  	s9 =	sshll.u32 s7, $0xA;
	s7 =	smul.u32 $0xC00, s7;
	s6 =	ssub.s32 $0x2, s6;
	v7 =	vsel vm0, $0x139, v28;
	v18 =	vsel vm0, $0x1B8, v33;
	v19 =	vsel vm0, $0x1B9, v34  }
0x7c: {  	s8 =	sor.u32 s2, s8;
	s2 =	simm.s32 $0x0;
	s31 =	sshrl.u32 s6, $0x1;
	[tilespmem:$0x1FFB0] =	vst v2;
	v2 =	vsel vm0, $0x135, v24;
	v8 =	vsel vm0, $0x214, v8;
	v9 =	vsel vm0, $0x215, v13  }
0x7d: {  	s9 =	sor.u32 s9, s8;
	[smem:$0x7FF] =	sst s2;
	s30 =	sor.u32 s10, s8;
	v10 =	vsel vm0, $0x216, v14;
	v11 =	vsel vm0, $0x217, v15;
	v12 =	vsel vm0, $0x218, v16  }
0x7e: {  	s7 =	sor.u32 s7, s8;
	s6 =	ssub.s32 s6, s31;
	s8 =	simm.s32 $0x400;
	v13 =	vsel vm0, $0x219, v17;
	v14 =	vsel vm0, $0x1B4, v29;
	[tilespmem:$0x1FFC0] =	vst v2;
	v2 =	vsel vm0, $0x136, v25  }
0x7f: {  	s10 =	simm.s32 $0xF80;
	s9 =	sshrl.u32 s9, $0x3;
	s7 =	sshrl.u32 s7, $0x3;
	v15 =	vsel vm0, $0x1B5, v30;
	v16 =	vsel vm0, $0x1B6, v31;
	[tilespmem:$0x1FFD0] =	vst v2;
	v2 =	vsel vm0, $0x137, v26  }
0x80: {  	s6 =	smax.u32 s6, $0x1;
	s5 =	sadd.s32 s9, s5;
	s9 =	sshrl.u32 s30, $0x3;
	v17 =	vsel vm0, $0x1B7, v32;
	v20 =	vsel vm0, $0x294, v35;
	[tilespmem:$0x1FFE0] =	vst v2;
	v2 =	vsel vm0, $0x138, v27  }
0x81: {  	s4 =	sadd.s32 s4, s7;
	s7 =	simm.s32 $0x100;
	s3 =	sadd.s32 s3, s9;
	v21 =	vsel vm0, $0x295, v36;
	v22 =	vsel vm0, $0x296, v37;
	v23 =	vsel vm0, $0x297, v38;
	[tilespmem:$0x1FFF0] =	vst v2  }
0x82: {  	s5 =	sadd.s32 $0xA00, s5;
	s9 =	simm.s32 $0x1;
	v24 =	vsel vm0, $0x298, v39;
	v25 =	vsel vm0, $0x299, v40;
	vm0 =	vmxor vm0, vm0;
	_ =	strace $0x80000047  }
.LBB2_1:
0x83: {  	[tilespmem:s2], [sflag:$0x1] =	stream.strided.gather [hbm4b:s3+s7], $0xC00, s8, s7, $0x38;
	[tilespmem:$0x1600] =	vst v63  }
0x84: {  	_ =	swait.ge [sflag:s9], $0xC00  }
0x85: {  	s20 =	simm.s32 $0x0;
	[sflag:s9] =	ssyncset.done $0x0  }
0x86: {  	s21 =	simm.s32 $0x0;
	s22 =	simm.s32 $0x0;
	[sflag:s9] =	ssyncadd.s32 $0xFFFFF400  }
.LBB2_2:
0x87: {  	s23 =	sand.u32 $0x30, s20  }
0x88: {  	v38 =	vor.u32 s23, v0  }
0x89: {  	s24 =	sshrl.u32 s22, $0x2;
	v43 =	vmin.u32 v38, $0x30  }
0x8a: {  	v39 =	vmov s24;
	v42 =	vmul.u32 $0x1E, v43  }
0x8b: {  	v39 =	vshll.u32 v39, $0x7  }
0x8c: {  	v48 =	vmov s23;
	v39 =	vand.u32 $0x80, v39;
	v40 =	vadd.s32 $0x4, v42  }
0x8d: {  	v45 =	vadd.s32 $0x9, v42;
	v44 =	vand.u32 $0x7E, v40;
	v40 =	vshll.u32 v40, $0x1  }
0x8e: {  	v41 =	vbroadcast v39, $0x0;
	v59 =	vshll.u32 v45, $0x1;
	v40 =	vand.u32 $0x7FFFFF00, v40  }
0x8f: {  	v60 =	vand.u32 $0x7F, v45;
	v39 =	vand.u32 $0x7FFFFF00, v59;
	v40 =	vor.u32 v40, v44  }
0x90: {  	v49 =	vmulhi.u32 $0x24924925, v43;
	v39 =	vor.u32 v39, v60;
	v40 =	vor.u32 v41, v40  }
0x91: {  	vm2 =	veq.s32 v48, v0;
	v44 =	vor.u32 v41, v39  }
0x92: {  	v52 =	vmul.u32 $0xFFFFFFF9, v49;
	v29 =	vadd.s32 $0xA, v42;
	v32 =	vadd.s32 $0xB, v42  }
0x93: {  	v34 =	vadd.s32 $0xC, v42;
	v37 =	vadd.s32 $0xD, v42;
	v54 =	vadd.s32 $0xE, v42  }
0x94: {  	v56 =	vadd.s32 $0x10, v42;
	v30 =	vshll.u32 v29, $0x1;
	v48 =	vand.u32 $0x7E, v29  }
0x95: {  	v33 =	vshll.u32 v32, $0x1;
	v53 =	vshll.u32 v34, $0x1;
	v35 =	vand.u32 $0x7E, v34;
	v39 =	vld.idx.msk [tilespmem:v40+s2+$0x0], $0xffff  }
0x96: {  	v57 =	vshll.u32 v37, $0x1;
	v55 =	vshll.u32 v54, $0x1;
	v58 =	vand.u32 $0x7E, v54;
	v40 =	vld.idx.msk [tilespmem:v44+s2+$0x0], $0xffff  }
0x97: {  	v43 =	vadd.s32 v43, v52;
	v36 =	vand.u32 $0x7FFFFF00, v53;
	v52 =	vand.u32 $0x7F, v37  }
0x98: {  	v53 =	vand.u32 $0x7FFFFF00, v57;
	v59 =	vand.u32 $0x7FFFFF00, v55;
	v57 =	vshll.u32 v56, $0x1  }
0x99: {  	v52 =	vor.u32 v53, v52;
	v53 =	vor.u32 v59, v58;
	v60 =	vadd.s32 $0xF, v42  }
0x9a: {  	v58 =	vadd.s32 $0x12, v42;
	v52 =	vor.u32 v41, v52;
	v53 =	vor.u32 v41, v53  }
0x9b: {  	v54 =	vand.u32 $0x7F, v60;
	v59 =	vshll.u32 v58, $0x1;
	vm1 =	vgt.f32 v40, v39  }
0x9c: {  	v58 =	vand.u32 $0x7E, v58;
	v59 =	vand.u32 $0x7FFFFF00, v59;
	v61 =	vsel vm1, $0x5, v1  }
0x9d: {  	vm1 =	vne.s32 v43, $0x0;
	v43 =	vcvt.s32.f32 v43;
	v44 =	vadd.s32 v42, v61  }
0x9e: {  	vm1 =	vmand vm2, vm1;
	v61 =	vshll.u32 v60, $0x1;
	v60 =	vadd.s32 $0x13, v42  }
0x9f: {  	v62 =	vshll.u32 v44, $0x1;
	v46 =	vand.u32 $0x7F, v44;
	v47 =	vadd.s32 $0x1, v44  }
0xa0: {  	v28 =	vadd.s32 $0x2, v44;
	v44 =	vadd.s32 $0x3, v44;
	v31 =	vsel vm1, $0xFFFFFFFF, v1  }
0xa1: {  	v55 =	vand.u32 $0x7FFFFF00, v61;
	v45 =	vand.u32 $0x7FFFFF00, v62;
	v63 =	vshll.u32 v47, $0x1  }
0xa2: {  	v47 =	vand.u32 $0x7F, v47;
	v50 =	vand.u32 $0x7F, v28;
	v51 =	vshll.u32 v44, $0x1  }
0xa3: {  	v44 =	vand.u32 $0x7F, v44;
	v49 =	vadd.s32 v31, v49;
	v54 =	vor.u32 v55, v54  }
0xa4: {  	v62 =	vand.u32 $0x7E, v56;
	v31 =	vshll.u32 v60, $0x1;
	v45 =	vor.u32 v45, v46  }
0xa5: {  	v46 =	vand.u32 $0x7FFFFF00, v63;
	v51 =	vand.u32 $0x7FFFFF00, v51;
	v63 =	vand.u32 $0x7FFFFF00, v57  }
0xa6: {  	v54 =	vor.u32 v41, v54;
	v49 =	vcvt.s32.f32 v49;
	v45 =	vor.u32 v41, v45  }
0xa7: {  	v46 =	vor.u32 v46, v47;
	v47 =	vshll.u32 v28, $0x1;
	v44 =	vor.u32 v51, v44  }
0xa8: {  	v51 =	vand.u32 $0x7FFFFF00, v33;
	v55 =	vor.u32 v63, v62;
	v47 =	vand.u32 $0x7FFFFF00, v47  }
0xa9: {  	v28 =	vadd.s32 $0x11, v42;
	v47 =	vor.u32 v47, v50;
	v50 =	vand.u32 $0x7FFFFF00, v30  }
0xaa: {  	v46 =	vor.u32 v41, v46;
	v48 =	vor.u32 v50, v48;
	v50 =	vand.u32 $0x7F, v32  }
0xab: {  	v33 =	vadd.s32 $0x14, v42;
	v48 =	vor.u32 v41, v48;
	v50 =	vor.u32 v51, v50  }
0xac: {  	v55 =	vor.u32 v41, v55;
	v29 =	vshll.u32 v28, $0x1;
	v50 =	vor.u32 v41, v50  }
0xad: {  	v52 =	vld.idx.msk [tilespmem:v52+s2+$0x0], $0xffff;
	v56 =	vand.u32 $0x7F, v28;
	v57 =	vand.u32 $0x7FFFFF00, v29;
	v51 =	vor.u32 v36, v35  }
0xae: {  	v30 =	vor.u32 v59, v58;
	v56 =	vor.u32 v57, v56;
	v51 =	vor.u32 v41, v51;
	v45 =	vld.idx.msk [tilespmem:v45+s2+$0x0], $0xffff  }
0xaf: {  	v58 =	vand.u32 $0x7FFFFF00, v31;
	v32 =	vand.u32 $0x7F, v60;
	v56 =	vor.u32 v41, v56;
	v46 =	vld.idx.msk [tilespmem:v46+s2+$0x0], $0xffff  }
0xb0: {  	v34 =	vshll.u32 v33, $0x1;
	v57 =	vor.u32 v41, v30;
	v58 =	vor.u32 v58, v32;
	v48 =	vld.idx.msk [tilespmem:v48+s2+$0x0], $0xffff  }
0xb1: {  	v44 =	vor.u32 v41, v44;
	v59 =	vand.u32 $0x7FFFFF00, v34;
	v58 =	vor.u32 v41, v58;
	v50 =	vld.idx.msk [tilespmem:v50+s2+$0x0], $0xffff  }
0xb2: {  	v53 =	vld.idx.msk [tilespmem:v53+s2+$0x0], $0xffff;
	v60 =	vand.u32 $0x7E, v33;
	v47 =	vor.u32 v41, v47;
	v30 =	vadd.s32 $0x15, v42  }
0xb3: {  	v35 =	vor.u32 v59, v60;
	v31 =	vshll.u32 v30, $0x1;
	v32 =	vadd.s32 $0x16, v42;
	v51 =	vld.idx.msk [tilespmem:v51+s2+$0x0], $0xffff  }
0xb4: {  	v34 =	vshll.u32 v32, $0x1;
	v59 =	vld.idx.msk [tilespmem:v56+s2+$0x0], $0xffff;
	v56 =	vadd.s32 $0x18, v42;
	v43 =	vadd.f32 v43, v45  }
0xb5: {  	v60 =	vld.idx.msk [tilespmem:v57+s2+$0x0], $0xffff;
	v45 =	vor.u32 v41, v35;
	v35 =	vand.u32 $0x7E, v32;
	v57 =	vshll.u32 v56, $0x1  }
0xb6: {  	v61 =	vld.idx.msk [tilespmem:v58+s2+$0x0], $0xffff;
	v58 =	vadd.s32 $0x19, v42;
	v46 =	vadd.f32 v49, v46;
	vm1 =	vgt.f32 v50, v48  }
0xb7: {  	v54 =	vld.idx.msk [tilespmem:v54+s2+$0x0], $0xffff;
	v48 =	vmax.f32 v48, v50;
	v50 =	vand.u32 $0x7FFFFF00, v31;
	v37 =	vsel vm1, $0x1, v1  }
0xb8: {  	vm1 =	vgt.f32 v51, v48;
	v48 =	vmax.f32 v48, v51;
	v51 =	vand.u32 $0x7F, v30  }
0xb9: {  	v36 =	vld.idx.msk [tilespmem:v55+s2+$0x0], $0xffff;
	v55 =	vsel vm1, $0x2, v37;
	vm1 =	vgt.f32 v52, v48;
	v48 =	vmax.f32 v48, v52  }
0xba: {  	v33 =	vor.u32 v50, v51;
	v50 =	vand.u32 $0x7FFFFF00, v34;
	v55 =	vsel vm1, $0x3, v55  }
0xbb: {  	vm1 =	vgt.f32 v53, v48;
	v48 =	vmax.f32 v48, v53;
	v50 =	vor.u32 v50, v35  }
0xbc: {  	v53 =	vand.u32 $0x7E, v56;
	v55 =	vsel vm1, $0x4, v55;
	vm1 =	vgt.f32 v54, v48  }
0xbd: {  	v48 =	vmax.f32 v48, v54;
	v50 =	vor.u32 v41, v50;
	v54 =	vand.u32 $0x7F, v58  }
0xbe: {  	v62 =	vsel vm1, $0x5, v55;
	vm1 =	vgt.f32 v36, v48;
	v48 =	vmax.f32 v48, v36  }
0xbf: {  	v36 =	vadd.s32 $0x17, v42;
	v63 =	vsel vm1, $0x6, v62;
	vm1 =	vgt.f32 v59, v48  }
0xc0: {  	v48 =	vmax.f32 v48, v59;
	v37 =	vshll.u32 v36, $0x1;
	v52 =	vand.u32 $0x7F, v36  }
0xc1: {  	v59 =	vshll.u32 v58, $0x1;
	v62 =	vadd.s32 $0x1B, v42;
	v49 =	vsel vm1, $0x7, v63  }
0xc2: {  	v45 =	vld.idx.msk [tilespmem:v45+s2+$0x0], $0xffff;
	v28 =	vmax.f32 v48, v60;
	vm3 =	vgt.f32 v60, v48;
	v48 =	vor.u32 v41, v33  }
0xc3: {  	v51 =	vand.u32 $0x7FFFFF00, v37;
	v60 =	vadd.s32 $0x1A, v42;
	v63 =	vshll.u32 v62, $0x1  }
0xc4: {  	v56 =	vand.u32 $0x7F, v62;
	v29 =	vmax.f32 v28, v61;
	vm2 =	vgt.f32 v61, v28  }
0xc5: {  	v51 =	vor.u32 v51, v52;
	v52 =	vand.u32 $0x7FFFFF00, v57;
	v61 =	vshll.u32 v60, $0x1  }
0xc6: {  	v55 =	vand.u32 $0x7E, v60;
	v28 =	vadd.s32 $0x1C, v42;
	v42 =	vadd.s32 $0x1D, v42  }
0xc7: {  	vm1 =	vgt.f32 v45, v29;
	v45 =	vmax.f32 v29, v45;
	v51 =	vor.u32 v41, v51  }
0xc8: {  	v52 =	vor.u32 v52, v53;
	v53 =	vand.u32 $0x7FFFFF00, v59;
	v29 =	vand.u32 $0x7E, v28  }
0xc9: {  	v47 =	vld.idx.msk [tilespmem:v47+s2+$0x0], $0xffff;
	v30 =	vshll.u32 v42, $0x1;
	v53 =	vor.u32 v53, v54;
	v54 =	vand.u32 $0x7FFFFF00, v61  }
0xca: {  	v52 =	vor.u32 v41, v52;
	v54 =	vor.u32 v54, v55;
	v55 =	vand.u32 $0x7FFFFF00, v63  }
0xcb: {  	v44 =	vld.idx.msk [tilespmem:v44+s2+$0x0], $0xffff;
	v53 =	vor.u32 v41, v53;
	v55 =	vor.u32 v55, v56;
	v56 =	vshll.u32 v28, $0x1  }
0xcc: {  	v42 =	vand.u32 $0x7F, v42;
	v48 =	vld.idx.msk [tilespmem:v48+s2+$0x0], $0xffff;
	v54 =	vor.u32 v41, v54;
	v56 =	vand.u32 $0x7FFFFF00, v56  }
0xcd: {  	v50 =	vld.idx.msk [tilespmem:v50+s2+$0x0], $0xffff;
	v58 =	vand.u32 $0x7FFFFF00, v30;
	v55 =	vor.u32 v41, v55;
	v56 =	vor.u32 v56, v29  }
0xce: {  	v47 =	vmul.f32 $4.480000000e+02, v47;
	v42 =	vor.u32 v58, v42;
	v51 =	vld.idx.msk [tilespmem:v51+s2+$0x0], $0xffff;
	v56 =	vor.u32 v41, v56  }
0xcf: {  	v49 =	vsel vm3, $0x8, v49;
	v52 =	vld.idx.msk [tilespmem:v52+s2+$0x0], $0xffff;
	v41 =	vor.u32 v41, v42  }
0xd0: {  	v43 =	vmul.f32 $6.400000000e+01, v43;
	v47 =	vmul.f32 $5.000000000e-01, v47;
	v31 =	vsel vm2, $0x9, v49;
	v53 =	vld.idx.msk [tilespmem:v53+s2+$0x0], $0xffff  }
0xd1: {  	v42 =	vsel vm1, $0xA, v31;
	vm3 =	vgt.f32 v48, v45;
	v45 =	vmax.f32 v45, v48;
	v32 =	vld.idx.msk [tilespmem:v54+s2+$0x0], $0xffff  }
0xd2: {  	vm2 =	vgt.f32 v50, v45;
	v45 =	vmax.f32 v45, v50;
	v42 =	vsel vm3, $0xB, v42;
	v33 =	vld.idx.msk [tilespmem:v55+s2+$0x0], $0xffff  }
0xd3: {  	vm1 =	vgt.f32 v51, v45;
	v45 =	vmax.f32 v45, v51;
	v42 =	vsel vm2, $0xC, v42;
	v34 =	vld.idx.msk [tilespmem:v56+s2+$0x0], $0xffff  }
0xd4: {  	vm3 =	vgt.f32 v52, v45;
	v45 =	vmax.f32 v45, v52;
	v42 =	vsel vm1, $0xD, v42;
	v41 =	vld.idx.msk [tilespmem:v41+s2+$0x0], $0xffff  }
0xd5: {  	vm2 =	vgt.f32 v53, v45;
	v45 =	vmax.f32 v45, v53;
	v42 =	vsel vm3, $0xE, v42  }
0xd6: {  	v42 =	vsel vm2, $0xF, v42;
	vm1 =	vgt.f32 v32, v45;
	v45 =	vmax.f32 v45, v32  }
0xd7: {  	v42 =	vsel vm1, $0x10, v42;
	vm1 =	vgt.f32 v33, v45;
	v45 =	vmax.f32 v45, v33  }
0xd8: {  	v42 =	vsel vm1, $0x11, v42;
	vm1 =	vgt.f32 v34, v45;
	v45 =	vmax.f32 v45, v34  }
0xd9: {  	v44 =	vmul.f32 $4.480000000e+02, v44;
	v42 =	vsel vm1, $0x12, v42;
	vm1 =	vgt.f32 v41, v45  }
0xda: {  	v46 =	vmul.f32 $6.400000000e+01, v46;
	v35 =	vsub.f32 v43, v47;
	v42 =	vsel vm1, $0x13, v42  }
0xdb: {  	s31 =	sshra.s32 s21, $0x2;
	v44 =	vmul.f32 $5.000000000e-01, v44;
	v43 =	vadd.f32 v47, v43;
	v53 =	vcvt.s32.f32 v42  }
0xdc: {  	[tilespmem:s31+$0xC00] =	vst v35  }
0xdd: {  	v55 =	vmax.f32 v39, v40;
	v52 =	vsub.f32 v46, v44;
	[tilespmem:s31+$0xD00] =	vst v43;
	v54 =	vmul.f32 $8.970000000e+02, v53  }
0xde: {  	v44 =	vadd.f32 v44, v46;
	[tilespmem:s31+$0xE00] =	vst v55;
	vm2 =	vgt.f32 v55, $5.000000000e-01;
	v56 =	vmax.f32 v45, v41  }
0xdf: {  	[tilespmem:s31+$0xC80] =	vst v52;
	vm1 =	vlt.u32 v38, $0x31;
	v57 =	vadd.f32 v54, v35;
	v58 =	vadd.f32 v54, v43  }
0xe0: {  	[tilespmem:s31+$0xD80] =	vst v44;
	vm1 =	vmand vm1, vm2;
	v59 =	vadd.f32 v54, v52;
	v44 =	vadd.f32 v54, v44  }
0xe1: {  	[tilespmem:s31+$0xE80] =	vst v56;
	v38 =	vnsel vm1, $0xFF800000, v55  }
0xe2: {  	[tilespmem:s31+$0xF00] =	vst v38;
	v60 =	vsub.f32 v58, v57;
	v61 =	vsub.f32 v44, v59  }
0xe3: {  	p0 =	sne.s32 s21, $0x1C0;
	[tilespmem:s31+$0xF80] =	vst v57  }
.Ltmp0:
0xe4: {  	[tilespmem:s31+$0x1000] =	vst v59;
	v62 =	vmax.f32 v60, $0.0e+00;
	v63 =	vmax.f32 v61, $0.0e+00;
	(pc) =	sbr.rel @p0 .LBB2_2-.Ltmp0, $4  }
0xe5: {  	s25 =	sshll.u32 s22, $0x5;
	[tilespmem:s31+$0x1080] =	vst v58;
	v38 =	vmul.f32 v63, v62  }
0xe6: {  	s25 =	sand.u32 $0x3FFFFF80, s25;
	[tilespmem:s31+$0x1100] =	vst v44  }
0xe7: {  	s23 =	sor.u32 s23, s25;
	[tilespmem:s31+$0x1180] =	vst v38  }
0xe8: {  	s22 =	sadd.s32 $0x1, s22;
	s20 =	sadd.s32 $0x10, s20;
	s21 =	sadd.s32 $0x40, s21;
	[tilespmem:s23+$0x1200] =	vst v42  }
0xe9: {  	v52 =	vld [tilespmem:$0xF00]  }
0xea: {  	v51 =	vld [tilespmem:$0xF10]  }
0xeb: {  	v48 =	vld [tilespmem:$0xF20]  }
0xec: {  	v47 =	vld [tilespmem:$0xF30]  }
0xed: {  	v45 =	vld [tilespmem:$0xF40]  }
0xee: {  	v44 =	vld [tilespmem:$0xF50];
	v38 =	vimm.s32 $0x0;
	v39 =	vimm.s32 $0x0  }
0xef: {  	v41 =	vld [tilespmem:$0xF60];
	v42 =	vimm.s32 $0x0;
	v43 =	vimm.s32 $0x0;
	v46 =	vimm.s32 $0x0  }
0xf0: {  	v40 =	vld [tilespmem:$0xF70];
	v49 =	vimm.s32 $0x0;
	v50 =	vimm.s32 $0x0;
	v53 =	vimm.s32 $0x0  }
.LBB2_4:
0xf1: {  	v54 =	vmax.f32 v52, v51;
	v55 =	vmax.f32 v48, v47  }
0xf2: {  	v54 =	vmax.f32 v54, v55  }
0xf3: {  	(xrf0) =	vmax.scan.msk.f32 $0xffff, v54;
	_ =	sdelay $0x5  }
0xf4: {  	v57, _, _ =	vpop (xrf0)  }
0xf5: {  	v32 =	vbroadcast v57, $0xF;
	_ =	sdelay $0x1  }
0xf6: {  	vm1 =	veq.f32 v52, v32  }
0xf7: {  	vm2 =	veq.f32 v47, v32;
	v33 =	vmctz.xlane vm1;
	vm1 =	veq.f32 v51, v32  }
0xf8: {  	v58 =	vmctz.xlane vm2;
	v56 =	vmctz.xlane vm1;
	vm1 =	veq.f32 v48, v32  }
0xf9: {  	v34 =	vmctz.xlane vm1  }
0xfa: {  	vm1 =	vgt.s32 v33, $0xF;
	v58 =	vadd.s32 $0x30, v58  }
0xfb: {  	v56 =	vadd.s32 $0x10, v56;
	v55 =	vsel vm1, $0x3E7, v33;
	v54 =	vadd.s32 $0x20, v34  }
0xfc: {  	vm3 =	vgt.s32 v58, $0x3F;
	vm1 =	vgt.s32 v56, $0x1F;
	vm2 =	vgt.s32 v54, $0x2F  }
0xfd: {  	v58 =	vsel vm3, $0x3E7, v58;
	v56 =	vsel vm1, $0x3E7, v56;
	v54 =	vsel vm2, $0x3E7, v54  }
0xfe: {  	vm1 =	vlt.s32 v55, v56;
	vm2 =	vlt.s32 v54, v58  }
0xff: {  	v55 =	vsel vm1, v55, v56;
	v54 =	vsel vm2, v54, v58  }
0x100: {  	v37 =	vld [tilespmem:$0xF80];
	vm1 =	vlt.s32 v55, v54  }
0x101: {  	v35 =	vmax.f32 v45, v44;
	v36 =	vmax.f32 v41, v40;
	v61 =	vld [tilespmem:$0x1000];
	v54 =	vsel vm1, v55, v54  }
0x102: {  	v27 =	vld [tilespmem:$0x1100];
	v55 =	vmax.f32 v35, v36  }
0x103: {  	v31 =	vld [tilespmem:$0xF90];
	(xrf0) =	vmax.scan.msk.f32 $0xffff, v55  }
0x104: {  	v2 =	vld [tilespmem:$0xFA0]  }
0x105: {  	v35 =	vld [tilespmem:$0x1090]  }
0x106: {  	v58 =	vld.idx.msk [tilespmem:v54+s10+$0x0], $0xffff  }
0x107: {  	v59 =	vld.idx.msk [tilespmem:v54+s11+$0x0], $0xffff  }
0x108: {  	v62 =	vld.idx.msk [tilespmem:v54+s13+$0x0], $0xffff  }
0x109: {  	vm4 =	vlt.f32 v52, $-Inf;
	v60 =	vld.idx.msk [tilespmem:v54+s12+$0x0], $0xffff;
	v56, _, _ =	vpop (xrf0)  }
0x10a: {  	vm5 =	vgt.f32 v52, $-Inf;
	vm10 =	vlt.f32 v51, $-Inf;
	v26 =	vbroadcast v56, $0xF  }
0x10b: {  	vm6 =	vgt.f32 v51, $-Inf;
	vm12 =	vgt.f32 v48, $-Inf;
	vm13 =	vlt.f32 v47, $-Inf  }
0x10c: {  	v63 =	vld [tilespmem:$0x1080];
	vm14 =	vgt.f32 v47, $-Inf;
	v55 =	vmax.f32 v37, v58;
	vm1 =	veq.f32 v45, v26  }
0x10d: {  	v29 =	vld [tilespmem:$0x1180];
	v61 =	vmax.f32 v61, v59;
	vm2 =	veq.f32 v40, v26;
	v27 =	vmin.f32 v27, v62  }
0x10e: {  	v3 =	vld [tilespmem:$0x1020];
	v31 =	vmax.f32 v31, v58;
	v35 =	vmin.f32 v35, v60;
	v2 =	vmax.f32 v2, v58  }
0x10f: {  	v4 =	vld [tilespmem:$0x10B0];
	v30 =	vmctz.xlane vm1;
	vm1 =	veq.f32 v44, v26;
	v34 =	vmctz.xlane vm2  }
0x110: {  	v5 =	vld [tilespmem:$0x1130];
	v27 =	vsub.f32 v27, v61;
	v32 =	vmctz.xlane vm1;
	vm1 =	veq.f32 v41, v26  }
0x111: {  	v28 =	vld.idx.msk [tilespmem:v54+s14+$0x0], $0xffff;
	v31 =	vsub.f32 v35, v31;
	v26 =	vmin.f32 v63, v60;
	v33 =	vmctz.xlane vm1  }
0x112: {  	v61 =	vld [tilespmem:$0x10A0];
	vm1 =	vgt.s32 v30, $0xF;
	v34 =	vadd.s32 $0x30, v34;
	v26 =	vsub.f32 v26, v55  }
0x113: {  	v36 =	vld [tilespmem:$0x1110];
	v27 =	vmax.f32 v27, $0.0e+00;
	v32 =	vadd.s32 $0x10, v32;
	v30 =	vsel vm1, $0x3E7, v30  }
0x114: {  	v37 =	vld [tilespmem:$0x1190];
	vm3 =	vgt.s32 v34, $0x3F;
	v33 =	vadd.s32 $0x20, v33;
	vm1 =	vgt.s32 v32, $0x1F  }
0x115: {  	v35 =	vld [tilespmem:$0x11B0];
	v34 =	vsel vm3, $0x3E7, v34;
	v26 =	vmax.f32 v26, $0.0e+00;
	vm2 =	vgt.s32 v33, $0x2F  }
0x116: {  	v63 =	vld [tilespmem:$0x1010];
	v32 =	vsel vm1, $0x3E7, v32;
	v26 =	vmul.f32 v27, v26;
	v27 =	vadd.f32 v29, v28  }
0x117: {  	v29 =	vld [tilespmem:$0xFB0];
	v61 =	vmin.f32 v61, v60;
	v33 =	vsel vm2, $0x3E7, v33;
	vm1 =	vlt.s32 v30, v32  }
0x118: {  	v2 =	vsub.f32 v61, v2;
	v61 =	vld [tilespmem:$0x1040];
	vm2 =	vlt.s32 v33, v34;
	v27 =	vsub.f32 v27, v26  }
0x119: {  	(v2sf) =	vpush v57, $0xF;
	v30 =	vsel vm1, v30, v32;
	v32 =	vld [tilespmem:$0x1030];
	v55 =	vsel vm2, v33, v34  }
0x11a: {  	v36 =	vmin.f32 v36, v62;
	v33 =	vld [tilespmem:$0x1120];
	vm1 =	vlt.s32 v30, v55;
	v27 =	vmax.f32 v27, $9.999999710e-10  }
0x11b: {  	v4 =	vmin.f32 v4, v60;
	v34 =	vld [tilespmem:$0x11A0];
	v55 =	vsel vm1, v30, v55;
	(erf) = vrcp.f32 v27  }
0x11c: {  	v27 =	vmax.f32 v63, v59;
	v29 =	vmax.f32 v29, v58;
	v58 =	vld [tilespmem:$0x1140];
	v30 =	vadd.s32 $0x40, v55  }
0x11d: {  	v3 =	vmax.f32 v3, v59;
	v27 =	vsub.f32 v36, v27;
	v4 =	vsub.f32 v4, v29;
	v29 =	vld [tilespmem:$0x1050]  }
0x11e: {  	v5 =	vmin.f32 v5, v62;
	v31 =	vmax.f32 v31, $0.0e+00;
	v32 =	vmax.f32 v32, v59;
	v59 =	vld [tilespmem:$0xFD0]  }
0x11f: {  	v33 =	vmin.f32 v33, v62;
	v27 =	vmax.f32 v27, $0.0e+00;
	v5 =	vsub.f32 v5, v32;
	v32 =	vld [tilespmem:$0x10D0]  }
0x120: {  	v37 =	vadd.f32 v37, v28;
	v3 =	vsub.f32 v33, v3;
	v27 =	vmul.f32 v27, v31;
	v31 =	vld [tilespmem:$0xFC0]  }
0x121: {  	vm4 =	vmor vm5, vm4;
	vm5 =	vmor vm6, vm10;
	vm10 =	vgt.f32 v44, $-Inf;
	v63 =	vld.idx.msk [tilespmem:v30+s10+$0x0], $0xffff  }
0x122: {  	v2 =	vmax.f32 v2, $0.0e+00;
	v36 =	vld.idx.msk [tilespmem:v30+s11+$0x0], $0xffff;
	v3 =	vmax.f32 v3, $0.0e+00;
	v37 =	vsub.f32 v37, v27  }
0x123: {  	vm9 =	veq.s32 v54, v0;
	v33 =	vld.idx.msk [tilespmem:v30+s13+$0x0], $0xffff;
	v2 =	vmul.f32 v3, v2;
	v3 =	vadd.f32 v34, v28  }
0x124: {  	(v2sf) =	vpush v56, $0xF;
	v5 =	vmax.f32 v5, $0.0e+00;
	v6 =	vld.idx.msk [tilespmem:v30+s12+$0x0], $0xffff;
	v37 =	vmax.f32 v37, $9.999999710e-10  }
0x125: {  	v34 =	vld [tilespmem:$0x10C0];
	v3 =	vsub.f32 v3, v2;
	(erf) = vrcp.f32 v37;
	v60 =	vpop (erf);
	v37 =	vor.u32 $0x10, v0  }
0x126: {  	v62 =	vld [tilespmem:$0x11C0];
	v28 =	vadd.f32 v35, v28;
	v26 =	vmul.f32 v60, v26;
	vm11 =	veq.s32 v54, v37  }
0x127: {  	v30 =	vld.idx.msk [tilespmem:v30+s14+$0x0], $0xffff;
	v3 =	vmax.f32 v3, $9.999999710e-10;
	v31 =	vmax.f32 v31, v63;
	v57 =	vmax.f32 v61, v36  }
0x128: {  	v58 =	vmin.f32 v58, v33;
	v60 =	vmax.f32 v59, v63;
	v29 =	vmax.f32 v29, v36  }
0x129: {  	v32 =	vmin.f32 v32, v6;
	(erf) = vrcp.f32 v3;
	v3 =	vmax.f32 v4, $0.0e+00;
	v4 =	vld [tilespmem:$0x1150]  }
0x12a: {  	v34 =	vmin.f32 v34, v6;
	v32 =	vsub.f32 v32, v60;
	vm1 =	vgt.f32 v26, $6.999999880e-01  }
0x12b: {  	v61 =	vld [tilespmem:$0x11D0];
	v3 =	vmul.f32 v5, v3;
	v5 =	vsub.f32 v34, v31;
	v34 =	vsub.f32 v58, v57  }
0x12c: {  	s20 =	spop (v2sf);
	v26 =	vadd.f32 v62, v30;
	vm1 =	vmand vm4, vm1;
	v32 =	vmax.f32 v32, $0.0e+00  }
0x12d: {  	p0 =	sgt.f32 s20, $-Inf;
	v60 =	vld [tilespmem:$0x1160];
	vm7 =	vmor vm9, vm1;
	v5 =	vmax.f32 v5, $0.0e+00;
	v34 =	vmax.f32 v34, $0.0e+00  }
0x12e: {  	vm1 =	vmmov vm0;
	v5 =	vmul.f32 v34, v5;
	v34 =	vld [tilespmem:$0x1060];
	v4 =	vmin.f32 v4, v33  }
0x12f: {  	v28 =	vsub.f32 v28, v3;
	vm1 =	vmneg @p0 vm1;
	v4 =	vsub.f32 v4, v29  }
0x130: {  	v59 =	vld [tilespmem:$0x10E0];
	v58 =	vadd.f32 v61, v30;
	vm4 =	vmand vm1, vm9;
	v62 =	vpop (erf);
	v26 =	vsub.f32 v26, v5  }
0x131: {  	v28 =	vmax.f32 v28, $9.999999710e-10;
	v27 =	vmul.f32 v62, v27;
	v4 =	vmax.f32 v4, $0.0e+00  }
0x132: {  	v31 =	vmin.f32 v60, v33;
	v26 =	vmax.f32 v26, $9.999999710e-10;
	v4 =	vmul.f32 v4, v32  }
0x133: {  	v62 =	vld [tilespmem:$0xFF0];
	v57 =	vpop (erf);
	(erf) = vrcp.f32 v28;
	vm3 =	vgt.f32 v27, $6.999999880e-01;
	v56 =	vmax.f32 v34, v36  }
0x134: {  	s20 =	spop (v2sf);
	v29 =	vld [tilespmem:$0xFE0];
	v32 =	vsel vm7, $0xFF800000, v52;
	v2 =	vmul.f32 v57, v2;
	(erf) = vrcp.f32 v26  }
0x135: {  	p1 =	sgt.f32 s20, $-Inf;
	v27 =	vld [tilespmem:$0x10F0];
	v57 =	vmin.f32 v59, v6;
	v28 =	vsub.f32 v31, v56;
	vm3 =	vmand vm5, vm3  }
0x136: {  	vm5 =	vmmov vm0;
	v52 =	vpsel p0, v32, v32;
	v61 =	vsub.f32 v58, v4;
	v58 =	vld [tilespmem:$0x1170]  }
0x137: {  	vm3 =	vmor vm11, vm3;
	vm5 =	vmneg @p1 vm5;
	vm2 =	vgt.f32 v2, $6.999999880e-01;
	v2 =	vld [tilespmem:$0x1070]  }
0x138: {  	v59 =	vmax.f32 v62, v63;
	v28 =	vmax.f32 v28, $0.0e+00;
	v26 =	vmax.f32 v61, $9.999999710e-10  }
0x139: {  	v62 =	vld [tilespmem:$0x11E0];
	v61 =	vsel vm4, $0x1, v53;
	(erf) = vrcp.f32 v26;
	v26 =	vmax.f32 v29, v63  }
0x13a: {  	v6 =	vmin.f32 v27, v6;
	v53 =	vpsel p0, v61, v61;
	v26 =	vsub.f32 v57, v26  }
0x13b: {  	v27 =	vmin.f32 v58, v33;
	v33 =	vsel vm3, $0xFF800000, v51;
	vm3 =	vmand vm1, vm11  }
0x13c: {  	v6 =	vsub.f32 v6, v59;
	v2 =	vmax.f32 v2, v36;
	v58 =	vsel vm3, $0x1, v50  }
0x13d: {  	vm3 =	vlt.f32 v48, $-Inf;
	v26 =	vmax.f32 v26, $0.0e+00;
	v2 =	vsub.f32 v27, v2;
	v27 =	vld [tilespmem:$0x11F0]  }
0x13e: {  	v29 =	vadd.f32 v62, v30;
	v6 =	vmax.f32 v6, $0.0e+00;
	v51 =	vpsel p0, v33, v33  }
0x13f: {  	vm3 =	vmor vm12, vm3;
	v26 =	vmul.f32 v28, v26;
	vm12 =	veq.s32 v55, v37  }
0x140: {  	v63 =	vpop (erf);
	v50 =	vpsel p0, v58, v58;
	vm2 =	vmand vm3, vm2;
	vm3 =	vmor vm14, vm13  }
0x141: {  	v3 =	vmul.f32 v63, v3;
	vm13 =	vgt.f32 v40, $-Inf;
	v2 =	vmax.f32 v2, $0.0e+00  }
0x142: {  	v62 =	vpop (erf);
	v34 =	vsub.f32 v29, v26;
	v2 =	vmul.f32 v2, v6;
	v27 =	vadd.f32 v27, v30  }
0x143: {  	v5 =	vmul.f32 v62, v5;
	v6 =	vor.u32 $0x20, v0;
	vm8 =	vgt.f32 v3, $6.999999880e-01  }
0x144: {  	v3 =	vor.u32 $0x30, v0;
	v28 =	vmax.f32 v34, $9.999999710e-10;
	v27 =	vsub.f32 v27, v2  }
0x145: {  	vm15 =	veq.s32 v54, v6;
	vm3 =	vmand vm3, vm8;
	(erf) = vrcp.f32 v28  }
0x146: {  	vm9 =	veq.s32 v54, v3;
	vm2 =	vmor vm15, vm2;
	v27 =	vmax.f32 v27, $9.999999710e-10  }
0x147: {  	vm4 =	vmand vm1, vm15;
	vm1 =	vmand vm1, vm9;
	vm15 =	veq.s32 v55, v3  }
0x148: {  	v35 =	vsel vm2, $0xFF800000, v48;
	v60 =	vsel vm4, $0x1, v49;
	vm2 =	vmor vm9, vm3  }
0x149: {  	vm3 =	vgt.f32 v45, $-Inf;
	v59 =	vsel vm1, $0x1, v46;
	(erf) = vrcp.f32 v27;
	v27 =	vpop (erf)  }
0x14a: {  	v63 =	vsel vm2, $0xFF800000, v47;
	vm2 =	vlt.f32 v45, $-Inf;
	v4 =	vmul.f32 v27, v4  }
0x14b: {  	v46 =	vpsel p0, v59, v59;
	v49 =	vpsel p0, v60, v60;
	v48 =	vpsel p0, v35, v35  }
0x14c: {  	vm2 =	vmor vm3, vm2;
	vm3 =	vgt.f32 v5, $6.999999880e-01;
	v47 =	vpsel p0, v63, v63  }
0x14d: {  	vm1 =	vmand vm2, vm3;
	vm2 =	veq.s32 v55, v0;
	vm3 =	vlt.f32 v44, $-Inf  }
0x14e: {  	vm1 =	vmor vm2, vm1;
	vm3 =	vmor vm10, vm3;
	vm11 =	vgt.f32 v4, $6.999999880e-01;
	v4 =	vpop (erf)  }
0x14f: {  	v5 =	vsel vm1, $0xFF800000, v45;
	vm1 =	vmand vm5, vm2;
	v4 =	vmul.f32 v4, v26  }
0x150: {  	v57 =	vsel vm1, $0x1, v43;
	vm1 =	vmand vm5, vm12;
	vm3 =	vmand vm3, vm11  }
0x151: {  	v45 =	vpsel p0, v5, v5;
	v56 =	vsel vm1, $0x1, v42;
	vm2 =	vmor vm12, vm3  }
0x152: {  	vm3 =	vgt.f32 v41, $-Inf;
	v27 =	vsel vm2, $0xFF800000, v44;
	vm2 =	vlt.f32 v41, $-Inf  }
0x153: {  	p1 =	sgt.f32 @!p0 s20, $-Inf;
	v43 =	vpsel p0, v57, v57;
	vm1 =	vmor vm3, vm2;
	vm2 =	vgt.f32 v4, $6.999999880e-01;
	v4 =	vpop (erf)  }
0x154: {  	v42 =	vpsel p0, v56, v56;
	vm3 =	vlt.f32 v40, $-Inf;
	v2 =	vmul.f32 v4, v2  }
0x155: {  	p1 =	por p0, p1;
	v44 =	vpsel p0, v27, v27;
	vm1 =	vmand vm1, vm2;
	vm2 =	veq.s32 v55, v6  }
.Ltmp1:
0x156: {  	vm3 =	vmor vm13, vm3;
	vm1 =	vmor vm2, vm1;
	vm14 =	vgt.f32 v2, $6.999999880e-01;
	(pc) =	sbr.rel @p1 .LBB2_4-.Ltmp1, $4  }
0x157: {  	vm2 =	vmand vm5, vm2;
	v2 =	vsel vm1, $0xFF800000, v41;
	vm1 =	vmand vm3, vm14  }
0x158: {  	v55 =	vsel vm2, $0x1, v39;
	vm3 =	vmand vm5, vm15;
	vm1 =	vmor vm15, vm1  }
0x159: {  	v39 =	vpsel p0, v55, v55;
	v54 =	vsel vm3, $0x1, v38;
	v3 =	vsel vm1, $0xFF800000, v40  }
0x15a: {  	v41 =	vpsel p0, v2, v2;
	v38 =	vpsel p0, v54, v54;
	v40 =	vpsel p0, v3, v3  }
0x15b: {  	v2 =	vld [tilespmem:$0xC00];
	v3 =	vmul.u32 $0x6, v0;
	_ =	sdelay $0x3  }
0x15c: {  	vm1 =	veq.s32 v61, $0x0  }
0x15d: {  	v2 =	vsel vm1, $0x0, v2  }
0x15e: {  	[tilespmem:v3+s15+$0x0] =	vst.idx.msk $0xffff, v2  }
0x15f: {  	v2 =	vld [tilespmem:$0xC80]  }
0x160: {  	v4 =	vor.u32 $0x1, v3;
	_ =	sdelay $0x3  }
0x161: {  	v2 =	vsel vm1, $0x0, v2  }
0x162: {  	[tilespmem:v4+s15+$0x0] =	vst.idx.msk $0xffff, v2  }
0x163: {  	v2 =	vld [tilespmem:$0xD00]  }
0x164: {  	v4 =	vadd.s32 $0x2, v3;
	_ =	sdelay $0x3  }
0x165: {  	v2 =	vsel vm1, $0x0, v2  }
0x166: {  	[tilespmem:v4+s15+$0x0] =	vst.idx.msk $0xffff, v2  }
0x167: {  	v2 =	vld [tilespmem:$0xD80]  }
0x168: {  	v4 =	vadd.s32 $0x3, v3;
	_ =	sdelay $0x3  }
0x169: {  	v2 =	vsel vm1, $0x0, v2  }
0x16a: {  	[tilespmem:v4+s15+$0x0] =	vst.idx.msk $0xffff, v2  }
0x16b: {  	v2 =	vld [tilespmem:$0xE00]  }
0x16c: {  	v4 =	vadd.s32 $0x4, v3;
	_ =	sdelay $0x3  }
0x16d: {  	v2 =	vsel vm1, $0x0, v2  }
0x16e: {  	[tilespmem:v4+s15+$0x0] =	vst.idx.msk $0xffff, v2  }
0x16f: {  	v2 =	vld [tilespmem:$0xE80]  }
0x170: {  	v4 =	vadd.s32 $0x5, v3;
	_ =	sdelay $0x3  }
0x171: {  	v2 =	vsel vm1, $0x0, v2  }
0x172: {  	[tilespmem:v4+s15+$0x0] =	vst.idx.msk $0xffff, v2;
	v4 =	vld [tilespmem:$0x1FFB0];
	_ =	sdelay $0x1  }
0x173: {  	v2 =	vld [tilespmem:$0xC10];
	_ =	sdelay $0x3  }
0x174: {  	vm1 =	veq.s32 v58, $0x0  }
0x175: {  	[tilespmem:$0x1240] =	vst v61;
	v2 =	vsel vm1, $0x0, v2  }
0x176: {  	[tilespmem:v4+s15+$0x0] =	vst.idx.msk $0xffff, v2;
	v4 =	vld [tilespmem:$0x1FFC0];
	_ =	sdelay $0x1  }
0x177: {  	v2 =	vld [tilespmem:$0xC90];
	_ =	sdelay $0x4  }
0x178: {  	v2 =	vsel vm1, $0x0, v2  }
0x179: {  	[tilespmem:v4+s15+$0x0] =	vst.idx.msk $0xffff, v2;
	v4 =	vld [tilespmem:$0x1FFD0];
	_ =	sdelay $0x1  }
0x17a: {  	v2 =	vld [tilespmem:$0xD10];
	_ =	sdelay $0x4  }
0x17b: {  	v2 =	vsel vm1, $0x0, v2  }
0x17c: {  	[tilespmem:v4+s15+$0x0] =	vst.idx.msk $0xffff, v2;
	v4 =	vld [tilespmem:$0x1FFE0];
	_ =	sdelay $0x1  }
0x17d: {  	v2 =	vld [tilespmem:$0xD90];
	_ =	sdelay $0x4  }
0x17e: {  	v2 =	vsel vm1, $0x0, v2  }
0x17f: {  	[tilespmem:v4+s15+$0x0] =	vst.idx.msk $0xffff, v2;
	v4 =	vld [tilespmem:$0x1FFF0];
	_ =	sdelay $0x1  }
0x180: {  	v2 =	vld [tilespmem:$0xE10];
	_ =	sdelay $0x4  }
0x181: {  	v2 =	vsel vm1, $0x0, v2  }
0x182: {  	[tilespmem:v4+s15+$0x0] =	vst.idx.msk $0xffff, v2  }
0x183: {  	v2 =	vld [tilespmem:$0xE90];
	_ =	sdelay $0x4  }
0x184: {  	v2 =	vsel vm1, $0x0, v2  }
0x185: {  	[tilespmem:v7+s15+$0x0] =	vst.idx.msk $0xffff, v2  }
0x186: {  	v2 =	vld [tilespmem:$0xC20];
	_ =	sdelay $0x3  }
0x187: {  	vm1 =	veq.s32 v60, $0x0  }
0x188: {  	[tilespmem:$0x1250] =	vst v58;
	v2 =	vsel vm1, $0x0, v2  }
0x189: {  	[tilespmem:v8+s15+$0x0] =	vst.idx.msk $0xffff, v2  }
0x18a: {  	v2 =	vld [tilespmem:$0xCA0];
	_ =	sdelay $0x4  }
0x18b: {  	v2 =	vsel vm1, $0x0, v2  }
0x18c: {  	[tilespmem:v9+s15+$0x0] =	vst.idx.msk $0xffff, v2  }
0x18d: {  	v2 =	vld [tilespmem:$0xD20];
	_ =	sdelay $0x4  }
0x18e: {  	v2 =	vsel vm1, $0x0, v2  }
0x18f: {  	[tilespmem:v10+s15+$0x0] =	vst.idx.msk $0xffff, v2  }
0x190: {  	v2 =	vld [tilespmem:$0xDA0];
	_ =	sdelay $0x4  }
0x191: {  	v2 =	vsel vm1, $0x0, v2  }
0x192: {  	[tilespmem:v11+s15+$0x0] =	vst.idx.msk $0xffff, v2  }
0x193: {  	v2 =	vld [tilespmem:$0xE20];
	_ =	sdelay $0x4  }
0x194: {  	v2 =	vsel vm1, $0x0, v2  }
0x195: {  	[tilespmem:v12+s15+$0x0] =	vst.idx.msk $0xffff, v2  }
0x196: {  	v2 =	vld [tilespmem:$0xEA0];
	_ =	sdelay $0x4  }
0x197: {  	v2 =	vsel vm1, $0x0, v2  }
0x198: {  	[tilespmem:v13+s15+$0x0] =	vst.idx.msk $0xffff, v2  }
0x199: {  	v2 =	vld [tilespmem:$0xC30]  }
0x19a: {  	v4 =	vimm.s32 $0x220;
	_ =	sdelay $0x2  }
0x19b: {  	vm1 =	veq.s32 v59, $0x0  }
0x19c: {  	[tilespmem:$0x1260] =	vst v60;
	v2 =	vsel vm1, $0x0, v2  }
0x19d: {  	[tilespmem:v4+s15+$0x0] =	vst.idx.msk $0x1, v2  }
0x19e: {  	v2 =	vld [tilespmem:$0xCB0]  }
0x19f: {  	v4 =	vimm.s32 $0x221;
	_ =	sdelay $0x3  }
0x1a0: {  	v2 =	vsel vm1, $0x0, v2  }
0x1a1: {  	[tilespmem:v4+s15+$0x0] =	vst.idx.msk $0x1, v2  }
0x1a2: {  	v2 =	vld [tilespmem:$0xD30]  }
0x1a3: {  	v4 =	vimm.s32 $0x222;
	_ =	sdelay $0x3  }
0x1a4: {  	v2 =	vsel vm1, $0x0, v2  }
0x1a5: {  	[tilespmem:v4+s15+$0x0] =	vst.idx.msk $0x1, v2  }
0x1a6: {  	v2 =	vld [tilespmem:$0xDB0]  }
0x1a7: {  	v4 =	vimm.s32 $0x223;
	_ =	sdelay $0x3  }
0x1a8: {  	v2 =	vsel vm1, $0x0, v2  }
0x1a9: {  	[tilespmem:v4+s15+$0x0] =	vst.idx.msk $0x1, v2  }
0x1aa: {  	v2 =	vld [tilespmem:$0xE30]  }
0x1ab: {  	v4 =	vimm.s32 $0x224;
	_ =	sdelay $0x3  }
0x1ac: {  	v2 =	vsel vm1, $0x0, v2  }
0x1ad: {  	[tilespmem:v4+s15+$0x0] =	vst.idx.msk $0x1, v2  }
0x1ae: {  	v2 =	vld [tilespmem:$0xEB0]  }
0x1af: {  	v4 =	vimm.s32 $0x225;
	_ =	sdelay $0x3  }
0x1b0: {  	v2 =	vsel vm1, $0x0, v2  }
0x1b1: {  	[tilespmem:v4+s15+$0x0] =	vst.idx.msk $0x1, v2  }
0x1b2: {  	v2 =	vld [tilespmem:$0xC40]  }
0x1b3: {  	v4 =	vor.u32 $0x80, v3;
	_ =	sdelay $0x2  }
0x1b4: {  	vm1 =	veq.s32 v57, $0x0  }
0x1b5: {  	[tilespmem:$0x1270] =	vst v59;
	v2 =	vsel vm1, $0x0, v2  }
0x1b6: {  	[tilespmem:v4+s15+$0x0] =	vst.idx.msk $0xffff, v2  }
0x1b7: {  	v2 =	vld [tilespmem:$0xCC0]  }
0x1b8: {  	v4 =	vor.u32 $0x81, v3;
	_ =	sdelay $0x3  }
0x1b9: {  	v2 =	vsel vm1, $0x0, v2  }
0x1ba: {  	[tilespmem:v4+s15+$0x0] =	vst.idx.msk $0xffff, v2  }
0x1bb: {  	v2 =	vld [tilespmem:$0xD40]  }
0x1bc: {  	v4 =	vadd.s32 $0x82, v3;
	_ =	sdelay $0x3  }
0x1bd: {  	v2 =	vsel vm1, $0x0, v2  }
0x1be: {  	[tilespmem:v4+s15+$0x0] =	vst.idx.msk $0xffff, v2  }
0x1bf: {  	v2 =	vld [tilespmem:$0xDC0]  }
0x1c0: {  	v4 =	vadd.s32 $0x83, v3;
	_ =	sdelay $0x3  }
0x1c1: {  	v2 =	vsel vm1, $0x0, v2  }
0x1c2: {  	[tilespmem:v4+s15+$0x0] =	vst.idx.msk $0xffff, v2  }
0x1c3: {  	v2 =	vld [tilespmem:$0xE40]  }
0x1c4: {  	v4 =	vadd.s32 $0x84, v3;
	_ =	sdelay $0x3  }
0x1c5: {  	v2 =	vsel vm1, $0x0, v2  }
0x1c6: {  	[tilespmem:v4+s15+$0x0] =	vst.idx.msk $0xffff, v2  }
0x1c7: {  	v2 =	vld [tilespmem:$0xEC0]  }
0x1c8: {  	v3 =	vadd.s32 $0x85, v3;
	_ =	sdelay $0x3  }
0x1c9: {  	v2 =	vsel vm1, $0x0, v2  }
0x1ca: {  	[tilespmem:v3+s15+$0x0] =	vst.idx.msk $0xffff, v2  }
0x1cb: {  	v2 =	vld [tilespmem:$0xC50];
	_ =	sdelay $0x3  }
0x1cc: {  	vm1 =	veq.s32 v56, $0x0  }
0x1cd: {  	[tilespmem:$0x12C0] =	vst v57;
	v2 =	vsel vm1, $0x0, v2  }
0x1ce: {  	[tilespmem:v14+s15+$0x0] =	vst.idx.msk $0xffff, v2  }
0x1cf: {  	v2 =	vld [tilespmem:$0xCD0];
	_ =	sdelay $0x4  }
0x1d0: {  	v2 =	vsel vm1, $0x0, v2  }
0x1d1: {  	[tilespmem:v15+s15+$0x0] =	vst.idx.msk $0xffff, v2  }
0x1d2: {  	v2 =	vld [tilespmem:$0xD50];
	_ =	sdelay $0x4  }
0x1d3: {  	v2 =	vsel vm1, $0x0, v2  }
0x1d4: {  	[tilespmem:v16+s15+$0x0] =	vst.idx.msk $0xffff, v2  }
0x1d5: {  	v2 =	vld [tilespmem:$0xDD0];
	_ =	sdelay $0x4  }
0x1d6: {  	v2 =	vsel vm1, $0x0, v2  }
0x1d7: {  	[tilespmem:v17+s15+$0x0] =	vst.idx.msk $0xffff, v2  }
0x1d8: {  	v2 =	vld [tilespmem:$0xE50];
	_ =	sdelay $0x4  }
0x1d9: {  	v2 =	vsel vm1, $0x0, v2  }
0x1da: {  	[tilespmem:v18+s15+$0x0] =	vst.idx.msk $0xffff, v2  }
0x1db: {  	v2 =	vld [tilespmem:$0xED0];
	_ =	sdelay $0x4  }
0x1dc: {  	v2 =	vsel vm1, $0x0, v2  }
0x1dd: {  	[tilespmem:v19+s15+$0x0] =	vst.idx.msk $0xffff, v2  }
0x1de: {  	v2 =	vld [tilespmem:$0xC60];
	_ =	sdelay $0x3  }
0x1df: {  	vm1 =	veq.s32 v55, $0x0  }
0x1e0: {  	[tilespmem:$0x12D0] =	vst v56;
	v2 =	vsel vm1, $0x0, v2  }
0x1e1: {  	[tilespmem:v20+s15+$0x0] =	vst.idx.msk $0xffff, v2  }
0x1e2: {  	v2 =	vld [tilespmem:$0xCE0];
	_ =	sdelay $0x4  }
0x1e3: {  	v2 =	vsel vm1, $0x0, v2  }
0x1e4: {  	[tilespmem:v21+s15+$0x0] =	vst.idx.msk $0xffff, v2  }
0x1e5: {  	v2 =	vld [tilespmem:$0xD60];
	_ =	sdelay $0x4  }
0x1e6: {  	v2 =	vsel vm1, $0x0, v2  }
0x1e7: {  	[tilespmem:v22+s15+$0x0] =	vst.idx.msk $0xffff, v2  }
0x1e8: {  	v2 =	vld [tilespmem:$0xDE0];
	_ =	sdelay $0x4  }
0x1e9: {  	v2 =	vsel vm1, $0x0, v2  }
0x1ea: {  	[tilespmem:v23+s15+$0x0] =	vst.idx.msk $0xffff, v2  }
0x1eb: {  	v2 =	vld [tilespmem:$0xE60];
	_ =	sdelay $0x4  }
0x1ec: {  	v2 =	vsel vm1, $0x0, v2  }
0x1ed: {  	[tilespmem:v24+s15+$0x0] =	vst.idx.msk $0xffff, v2  }
0x1ee: {  	v2 =	vld [tilespmem:$0xEE0];
	_ =	sdelay $0x4  }
0x1ef: {  	v2 =	vsel vm1, $0x0, v2  }
0x1f0: {  	[tilespmem:v25+s15+$0x0] =	vst.idx.msk $0xffff, v2  }
0x1f1: {  	v2 =	vld [tilespmem:$0xC70]  }
0x1f2: {  	v3 =	vimm.s32 $0x2A0;
	_ =	sdelay $0x2  }
0x1f3: {  	vm1 =	veq.s32 v54, $0x0  }
0x1f4: {  	[tilespmem:$0x12E0] =	vst v55;
	v2 =	vsel vm1, $0x0, v2  }
0x1f5: {  	[tilespmem:v3+s15+$0x0] =	vst.idx.msk $0x1, v2  }
0x1f6: {  	v2 =	vld [tilespmem:$0xCF0]  }
0x1f7: {  	v3 =	vimm.s32 $0x2A1;
	_ =	sdelay $0x3  }
0x1f8: {  	v2 =	vsel vm1, $0x0, v2  }
0x1f9: {  	[tilespmem:v3+s15+$0x0] =	vst.idx.msk $0x1, v2  }
0x1fa: {  	v2 =	vld [tilespmem:$0xD70]  }
0x1fb: {  	v3 =	vimm.s32 $0x2A2;
	_ =	sdelay $0x3  }
0x1fc: {  	v2 =	vsel vm1, $0x0, v2  }
0x1fd: {  	[tilespmem:v3+s15+$0x0] =	vst.idx.msk $0x1, v2  }
0x1fe: {  	v2 =	vld [tilespmem:$0xDF0]  }
0x1ff: {  	v3 =	vimm.s32 $0x2A3;
	_ =	sdelay $0x3  }
0x200: {  	v2 =	vsel vm1, $0x0, v2  }
0x201: {  	[tilespmem:v3+s15+$0x0] =	vst.idx.msk $0x1, v2  }
0x202: {  	v2 =	vld [tilespmem:$0xE70]  }
0x203: {  	v3 =	vimm.s32 $0x2A4;
	_ =	sdelay $0x3  }
0x204: {  	v2 =	vsel vm1, $0x0, v2  }
0x205: {  	[tilespmem:v3+s15+$0x0] =	vst.idx.msk $0x1, v2  }
0x206: {  	v2 =	vld [tilespmem:$0xEF0]  }
0x207: {  	v3 =	vimm.s32 $0x2A5;
	_ =	sdelay $0x3  }
0x208: {  	v2 =	vsel vm1, $0x0, v2  }
0x209: {  	[tilespmem:v3+s15+$0x0] =	vst.idx.msk $0x1, v2  }
0x20a: {  	[tilespmem:$0x12F0] =	vst v54  }
0x20b: {  	[hbm4b:s4+s7] =	stream.strided.scatter [tilespmem:s15], [sflag:$0x2], $0x300, s8, s7, $0x38;
	[tilespmem:$0x1600] =	vst v63  }
0x20c: {  	s19 =	sadd.s32 $0x1, s19;
	_ =	swait.ge [sflag:s16], $0x300  }
0x20d: {  	p0 =	sne.s32 s19, s6;
	[sflag:s16] =	ssyncset.done $0x0  }
.Ltmp2:
0x20e: {  	[sflag:s16] =	ssyncadd.s32 $0xFFFFFD00;
	(pc) =	sbr.rel @p0 .LBB2_1-.Ltmp2, $4  }
0x20f: {  	[hbm4b:s5+s2] =	stream.linear.scatter [tilespmem:s17], [sflag:$0x3], $0x100, $0x38;
	[tilespmem:$0x1600] =	vst v63  }
0x210: {  	_ =	swait.ge [sflag:s18], $0x100  }
0x211: {  	[sflag:s18] =	ssyncset.done $0x0  }
0x212: {  	[sflag:s18] =	ssyncadd.s32 $0xFFFFFF00  }
0x213: {  	_ =	sfence.sel $0x180000  }
0x214: {  	[bflag:$0x0] =	sbarrier.arrive $0xFFFF  }
0x215: {  	p0 =	sne.s32 s0, $0x0;
	_ =	strace $0x90000047  }
0x216: {  	s0 =	sadd.s32 @!p0 $0x100000, s1;
	[bflag:$0x2] =	sbarrier.arrive $0xFFFF  }
0x217: {  	[sflag:s0] =	ssyncadd.tile.s32 @!p0 $0x1;
	_ =	shalt  }
.Lfunc_end2:
_tile_overlayer_lowered:
.L_overlay_start_2:
0x218: {  	(tag) =	ssettag $0x2  }
0x219: {  	s0 =	rddreg [dreg:$0x0];
	s2 =	stileid.u32  }
0x21a: {  	s1 =	rddreg [dreg:$0x1];
	p0 =	sne.s32 s2, $0x0  }
0x21b: {  	s3 =	rddreg [dreg:$0x2];
	[bflag:$0x3] =	sbarrier.arrive $0xFFFF;
	s2 =	simm.s32 @!p0 $0x1C04  }
0x21c: {  	[timem:s3], [sflag:s2] =	dma.local @!p0 [hbm:s0], s1  }
0x21d: {  	s0 =	simm.s32 @!p0 $0x4  }
0x21e: {  	_ =	swait.ge @!p0 [sflag:s0], s1  }
0x21f: {  	s1 =	ssub.s32 @!p0 $0x0, s1;
	[sflag:s0] =	ssyncset.done @!p0 $0x0  }
0x220: {  	[sflag:s0] =	ssyncadd.s32 @!p0 s1  }
0x221: {  	[bflag:$0x3] =	sbarrier.arrive $0xFFFF  }
0x222: {  	_ =	shalt  }

</sc_bundles>
